<compile_context>
chip_gen: v7x
topology: tpu7x:2x2x1
jax: 0.10.2.dev20260603
libtpu: 0.0.44.dev20260713+nightly
codegen_flags: <defaults>
</compile_context>

<pallas_src>
import functools

import jax
import jax.numpy as jnp
from jax import lax
from jax.experimental import pallas as pl
from jax.experimental.pallas import tpu as pltpu
from jax.experimental.pallas import tpu_sc as plsc

N = 10000
E = 320000
ND = 128
ED = 16
H = 128

NC = 2
NS = 16
NW = NC * NS
CHUNK = 80
GRP = 5
GEDGE = CHUNK * GRP
NGROUP = E // GEDGE
GPW = NGROUP // NW
NPAIR = GPW // 2
HD2 = H // 2

def _sc_mesh():
    return plsc.VectorSubcoreMesh(
        core_axis_name="c", subcore_axis_name="s", num_cores=NC, num_subcores=NS)


@functools.lru_cache(maxsize=None)
def _build_sc_gather():
    HL = HD2

    @functools.partial(
        pl.kernel,
        out_type=jax.ShapeDtypeStruct((E, HL), jnp.int32),
        mesh=_sc_mesh(),
        compiler_params=pltpu.CompilerParams(use_tc_tiling_on_sc=False,
                                             needs_layout_passes=False),
        scratch_types=[
            pltpu.VMEM((GEDGE,), jnp.int32),
            pltpu.VMEM((GEDGE,), jnp.int32),
            pltpu.VMEM((GEDGE,), jnp.int32),
            pltpu.VMEM((GEDGE,), jnp.int32),
            pltpu.VMEM((GEDGE, HL), jnp.int32),
            pltpu.VMEM((GEDGE, HL), jnp.int32),
            pltpu.VMEM((GEDGE, HL), jnp.int32),
            pltpu.VMEM((GEDGE, HL), jnp.int32),
            pltpu.SemaphoreType.DMA,
            pltpu.SemaphoreType.DMA,
            pltpu.SemaphoreType.DMA,
            pltpu.SemaphoreType.DMA,
        ],
    )
    def _sc_gather(p_hbm, q_hbm, sidx_hbm, ridx_hbm, out_hbm,
                   si0, ri0, si1, ri1, bp0, bq0, bp1, bq1,
                   semg0, semg1, semw0, semw1):
        cid = lax.axis_index("c")
        sid = lax.axis_index("s")
        wid = sid * NC + cid
        g0 = wid * GPW

        def stage(g, siv, riv, bp, bq, semg):
            pltpu.sync_copy(sidx_hbm.at[pl.ds(g * GEDGE, GEDGE)], siv)
            pltpu.sync_copy(ridx_hbm.at[pl.ds(g * GEDGE, GEDGE)], riv)
            for t in range(GRP):
                pltpu.async_copy(p_hbm.at[siv.at[pl.ds(t * CHUNK, CHUNK)]],
                                 bp.at[pl.ds(t * CHUNK, CHUNK), :], semg)
                pltpu.async_copy(q_hbm.at[riv.at[pl.ds(t * CHUNK, CHUNK)]],
                                 bq.at[pl.ds(t * CHUNK, CHUNK), :], semg)

        def drain_gather(bp, bq, semg):
            pltpu.make_async_copy(out_hbm.at[pl.ds(0, GEDGE), :], bp, semg).wait()
            pltpu.make_async_copy(out_hbm.at[pl.ds(0, GEDGE), :], bq, semg).wait()

        def add_packed(bp, bq):
            def row(r2, carry):
                for u in range(2):
                    r = r2 * 2 + u
                    for l in range(HL // 16):
                        sl = pl.ds(l * 16, 16)
                        a = plsc.bitcast(bp[r, sl], jnp.bfloat16)
                        b = plsc.bitcast(bq[r, sl], jnp.bfloat16)
                        bp[r, sl] = plsc.bitcast(a + b, jnp.int32)
                return carry

            lax.fori_loop(0, GEDGE // 2, row, 0)

        def fire_wb(g, bp, semw):
            pltpu.async_copy(bp, out_hbm.at[pl.ds(g * GEDGE, GEDGE), :], semw)

        def wait_wb(bp, semw):
            pltpu.make_async_copy(bp, out_hbm.at[pl.ds(0, GEDGE), :], semw).wait()

        def body(it, carry):
            ga = g0 + 2 * it
            gb = ga + 1

            @pl.when(it > 0)
            def _():
                wait_wb(bp0, semw0)

            stage(ga, si0, ri0, bp0, bq0, semg0)

            @pl.when(it > 0)
            def _():
                wait_wb(bp1, semw1)

            stage(gb, si1, ri1, bp1, bq1, semg1)
            drain_gather(bp0, bq0, semg0)
            add_packed(bp0, bq0)
            fire_wb(ga, bp0, semw0)
            drain_gather(bp1, bq1, semg1)
            add_packed(bp1, bq1)
            fire_wb(gb, bp1, semw1)
            return carry

        lax.fori_loop(0, NPAIR, body, 0)
        ge = g0 + 2 * NPAIR
        wait_wb(bp0, semw0)
        stage(ge, si0, ri0, bp0, bq0, semg0)
        drain_gather(bp0, bq0, semg0)
        add_packed(bp0, bq0)
        fire_wb(ge, bp0, semw0)
        wait_wb(bp0, semw0)
        wait_wb(bp1, semw1)

    return _sc_gather


E2 = E // NC
SCH = 6400
NSCH = E2 // SCH


@functools.lru_cache(maxsize=None)
def _build_sc_scatter():
    @functools.partial(
        pl.kernel,
        out_type=jax.ShapeDtypeStruct((NC, ED, N), jnp.float32),
        mesh=_sc_mesh(),
        compiler_params=pltpu.CompilerParams(needs_layout_passes=False,
                                             use_tc_tiling_on_sc=False),
        scratch_types=[
            pltpu.VMEM((SCH,), jnp.int32),
            pltpu.VMEM((SCH,), jnp.float32),
            pltpu.VMEM((SCH,), jnp.int32),
            pltpu.VMEM((SCH,), jnp.float32),
            pltpu.VMEM((N,), jnp.float32),
            pltpu.SemaphoreType.DMA,
            pltpu.SemaphoreType.DMA,
        ],
    )
    def _sc_scatter(ridx_hbm, net_hbm, zeros_hbm, out_hbm,
                    idx0, val0, idx1, val1, acc, sem0, sem1):
        cid = lax.axis_index("c")
        sid = lax.axis_index("s")
        base = cid * E2
        pltpu.sync_copy(zeros_hbm, acc)

        def fire(k, idxb, valb, sem):
            pltpu.async_copy(ridx_hbm.at[pl.ds(base + k * SCH, SCH)], idxb, sem)
            pltpu.async_copy(net_hbm.at[sid, pl.ds(base + k * SCH, SCH)], valb, sem)

        def drain(idxb, valb, sem):
            pltpu.make_async_copy(ridx_hbm.at[pl.ds(base, SCH)], idxb, sem).wait()
            pltpu.make_async_copy(net_hbm.at[sid, pl.ds(base, SCH)], valb, sem).wait()

        def compute(idxb, valb):
            def body(i, c2):
                for t in range(8):
                    iv = idxb[pl.ds((i * 8 + t) * 16, 16)]
                    vv = valb[pl.ds((i * 8 + t) * 16, 16)]
                    plsc.addupdate_scatter(acc, [iv], vv)
                return c2

            lax.fori_loop(0, SCH // 128, body, 0)

        fire(0, idx0, val0, sem0)

        def pair(it, carry):
            ka = 2 * it
            fire(ka + 1, idx1, val1, sem1)
            drain(idx0, val0, sem0)
            compute(idx0, val0)
            fire(ka + 2, idx0, val0, sem0)
            drain(idx1, val1, sem1)
            compute(idx1, val1)
            return carry

        lax.fori_loop(0, NSCH // 2, pair, 0)
        drain(idx0, val0, sem0)
        compute(idx0, val0)
        pltpu.sync_copy(acc, out_hbm.at[cid, sid])

    return _sc_scatter


def _pack_bf16_pair(lo, hi):
    def rn(x):
        b = lax.bitcast_convert_type(x, jnp.uint32)
        return (b + 0x7FFF + ((b >> 16) & 1)) >> 16

    word = rn(lo) | (rn(hi) << 16)
    return lax.bitcast_convert_type(word, jnp.int32)


def _unpack_bf16_pair(w):
    b = lax.bitcast_convert_type(w, jnp.uint32)
    lo = lax.bitcast_convert_type(b << 16, jnp.float32)
    hi = lax.bitcast_convert_type(b & jnp.uint32(0xFFFF0000), jnp.float32)
    return lo, hi


def _prep_body(x, w1s, w1r, p_out, q_out):
    xv = x[...]
    pf = jnp.dot(xv, w1s[...], preferred_element_type=jnp.float32)
    qf = jnp.dot(xv, w1r[...], preferred_element_type=jnp.float32)
    p_out[...] = _pack_bf16_pair(pf[:, :HD2], pf[:, HD2:])
    q_out[...] = _pack_bf16_pair(qf[:, :HD2], qf[:, HD2:])


def _tc_prep(nodes, w1s, w1r):
    BN = 2000
    grid = (N // BN,)
    return pl.pallas_call(
        _prep_body,
        grid=grid,
        in_specs=[
            pl.BlockSpec((BN, ND), lambda i: (i, 0)),
            pl.BlockSpec((ND, H), lambda i: (0, 0)),
            pl.BlockSpec((ND, H), lambda i: (0, 0)),
        ],
        out_specs=[
            pl.BlockSpec((BN, HD2), lambda i: (i, 0)),
            pl.BlockSpec((BN, HD2), lambda i: (i, 0)),
        ],
        out_shape=[
            jax.ShapeDtypeStruct((N, HD2), jnp.int32),
            jax.ShapeDtypeStruct((N, HD2), jnp.int32),
        ],
    )(nodes, w1s, w1r)


def _edge_body(g, e, w1e, b1, w2, b2, eo_out, net_out):
    ev = e[...]
    g_lo, g_hi = _unpack_bf16_pair(g[...])
    t = jnp.dot(ev, w1e[...], preferred_element_type=jnp.float32) + b1[...]
    w2v = w2[...].astype(jnp.bfloat16)
    h_lo = jax.nn.gelu((g_lo + t[:, :HD2]).astype(jnp.bfloat16))
    h_hi = jax.nn.gelu((g_hi + t[:, HD2:]).astype(jnp.bfloat16))
    ne = (jnp.dot(h_lo, w2v[:HD2], preferred_element_type=jnp.float32)
          + jnp.dot(h_hi, w2v[HD2:], preferred_element_type=jnp.float32)
          + b2[...])
    eo_out[...] = ev + ne
    net_out[...] = ne.T


def _tc_edge(g, edges, w1e, b1, w2, b2):
    BE = 2560
    grid = (E // BE,)
    return pl.pallas_call(
        _edge_body,
        grid=grid,
        in_specs=[
            pl.BlockSpec((BE, HD2), lambda i: (i, 0)),
            pl.BlockSpec((BE, ED), lambda i: (i, 0)),
            pl.BlockSpec((ED, H), lambda i: (0, 0)),
            pl.BlockSpec((1, H), lambda i: (0, 0)),
            pl.BlockSpec((H, ED), lambda i: (0, 0)),
            pl.BlockSpec((1, ED), lambda i: (0, 0)),
        ],
        out_specs=[
            pl.BlockSpec((BE, ED), lambda i: (i, 0)),
            pl.BlockSpec((ED, BE), lambda i: (0, i)),
        ],
        out_shape=[
            jax.ShapeDtypeStruct((E, ED), jnp.float32),
            jax.ShapeDtypeStruct((ED, E), jnp.float32),
        ],
    )(g, edges, w1e, b1, w2, b2)


def _node_body(x, p0, p1, w1a, w1b, b1, w2, b2, out):
    xv = x[...]
    aggt = p0[...] + p1[...]
    pre = (jnp.dot(xv, w1a[...], preferred_element_type=jnp.float32)
           + lax.dot_general(aggt, w1b[...], (((0,), (0,)), ((), ())),
                             preferred_element_type=jnp.float32)
           + b1[...])
    hn = jax.nn.gelu(pre)
    out[...] = xv + jnp.dot(hn, w2[...], preferred_element_type=jnp.float32) + b2[...]


def _tc_node(nodes, p0, p1, w1a, w1b, b1, w2, b2):
    return pl.pallas_call(
        _node_body,
        grid=(1,),
        in_specs=[
            pl.BlockSpec((N, ND), lambda i: (0, 0)),
            pl.BlockSpec((ED, N), lambda i: (0, 0)),
            pl.BlockSpec((ED, N), lambda i: (0, 0)),
            pl.BlockSpec((ND, H), lambda i: (0, 0)),
            pl.BlockSpec((ED, H), lambda i: (0, 0)),
            pl.BlockSpec((1, H), lambda i: (0, 0)),
            pl.BlockSpec((H, ND), lambda i: (0, 0)),
            pl.BlockSpec((1, ND), lambda i: (0, 0)),
        ],
        out_specs=pl.BlockSpec((N, ND), lambda i: (0, 0)),
        out_shape=jax.ShapeDtypeStruct((N, ND), jnp.float32),
    )(nodes, p0, p1, w1a, w1b, b1, w2, b2)


def kernel(nodes, edges, receivers, senders,
           edge_W1, edge_b1, edge_W2, edge_b2,
           node_W1, node_b1, node_W2, node_b2):
    w1s = edge_W1[:ND]
    w1r = edge_W1[ND:2 * ND]
    w1e = edge_W1[2 * ND:]
    p, q = _tc_prep(nodes, w1s, w1r)

    g = _build_sc_gather()(p, q, senders, receivers)

    edges_out, ne_t = _tc_edge(
        g, edges, w1e, edge_b1.reshape(1, H), edge_W2, edge_b2.reshape(1, ED))

    zeros_acc = jnp.zeros((N,), jnp.float32)
    parts = _build_sc_scatter()(receivers, ne_t, zeros_acc)

    nodes_out = _tc_node(
        nodes, parts[0], parts[1],
        node_W1[:ND], node_W1[ND:], node_b1.reshape(1, H),
        node_W2, node_b2.reshape(1, ND))
    return nodes_out, edges_out

# --- scband reference (transcript-rebuilt; emitter-appended) ---
"""Pipeline reference for scband-probe-message-passing-layer-16320875725329 (READ-ONLY COPY).

The authoritative reference and input builder live on the scoring server;
editing this copy changes nothing except your own understanding.
"""

import jax, jax.numpy as jnp
import numpy as np

N = 10000
E = 320000
ND = 128
ED = 16
H = 128


def _init_linear(key, fan_in, fan_out):
    kw, kb = jax.random.split(key)
    lim = 1.0 / np.sqrt(fan_in)
    W = jax.random.uniform(kw, (fan_in, fan_out), minval=-lim, maxval=lim, dtype=jnp.float32)
    b = jax.random.uniform(kb, (fan_out,), minval=-lim, maxval=lim, dtype=jnp.float32)
    return W, b


def setup_inputs(seed: int = 0) -> dict:
    key = jax.random.key(seed)
    ks = jax.random.split(key, 8)
    nodes = jax.random.normal(ks[0], (N, ND), dtype=jnp.float32)
    edges = jax.random.normal(ks[1], (E, ED), dtype=jnp.float32)
    receivers = jax.random.randint(ks[2], (E,), 0, N, dtype=jnp.int32)
    senders = jax.random.randint(ks[3], (E,), 0, N, dtype=jnp.int32)
    # edge MLP: (2*ND + ED) -> H -> ED
    eW1, eb1 = _init_linear(ks[4], 2 * ND + ED, H)
    eW2, eb2 = _init_linear(ks[5], H, ED)
    # node MLP: (ND + ED) -> H -> ND
    nW1, nb1 = _init_linear(ks[6], ND + ED, H)
    nW2, nb2 = _init_linear(ks[7], H, ND)
    return {
        "nodes": nodes, "edges": edges,
        "receivers": receivers, "senders": senders,
        "edge_W1": eW1, "edge_b1": eb1, "edge_W2": eW2, "edge_b2": eb2,
        "node_W1": nW1, "node_b1": nb1, "node_W2": nW2, "node_b2": nb2,
    }


def reference(nodes, edges, receivers, senders,
              edge_W1, edge_b1, edge_W2, edge_b2,
              node_W1, node_b1, node_W2, node_b2):
    # gather endpoint features
    sender_features = jnp.take(nodes, senders, axis=0)
    receiver_features = jnp.take(nodes, receivers, axis=0)
    edge_inputs = jnp.concatenate([sender_features, receiver_features, edges], axis=-1)
    # edge MLP: Linear -> GELU -> Linear
    h = jax.nn.gelu(edge_inputs @ edge_W1 + edge_b1)
    new_edges = h @ edge_W2 + edge_b2
    # scatter-add aggregation onto receiver nodes
    aggregated = jnp.zeros((nodes.shape[0], new_edges.shape[-1]), dtype=nodes.dtype).at[receivers].add(new_edges)
    node_inputs = jnp.concatenate([nodes, aggregated], axis=-1)
    hn = jax.nn.gelu(node_inputs @ node_W1 + node_b1)
    new_nodes = hn @ node_W2 + node_b2
    return nodes + new_nodes, edges + new_edges

if __name__ == "__main__":
    import jax
    _d = setup_inputs()
    print(jax.jit(kernel)(*tuple(_d.values())))

</pallas_src>

<mosaic_0001>
#map = affine_map<(d0, d1) -> (0)>
#map1 = affine_map<(d0, d1) -> (0, 0)>
#map2 = affine_map<(d0, d1) -> (0, 0, 0)>
module attributes {stable_mosaic.version = 14 : i64} {
  func.func @_sc_scatter(%arg0: i32, %arg1: i32, %arg2: memref<320000xi32, #tpu.memory_space<hbm>>, %arg3: memref<16x320000xf32, #tpu.memory_space<hbm>>, %arg4: memref<10000xf32, #tpu.memory_space<hbm>>, %arg5: memref<2x16x10000xf32, #tpu.memory_space<hbm>>, %arg6: memref<6400xi32, #tpu.memory_space<vmem>>, %arg7: memref<6400xf32, #tpu.memory_space<vmem>>, %arg8: memref<6400xi32, #tpu.memory_space<vmem>>, %arg9: memref<6400xf32, #tpu.memory_space<vmem>>, %arg10: memref<10000xf32, #tpu.memory_space<vmem>>, %arg11: memref<!tpu.dma_semaphore, #tpu.memory_space<semaphore_mem>>, %arg12: memref<!tpu.dma_semaphore, #tpu.memory_space<semaphore_mem>>) attributes {dimension_semantics = [#tpu.dimension_semantics<core_parallel>, #tpu.dimension_semantics<subcore_parallel>], iteration_bounds = array<i64: 2, 16>, scalar_prefetch = 0 : i64, scratch_operands = 7 : i64, tpu.core_type = #tpu.core_type<sc_vector_subcore>, window_params = [{transform_indices = #map}, {transform_indices = #map1}, {transform_indices = #map}, {transform_indices = #map2}]} {
    %mul3A = arith.constant 160000 : i32
    %mul3A_0 = arith.muli %arg0, %mul3A : i32
    "tpu.region"() ({
      %run_scoped3A = tpu.sem_alloc : memref<!tpu.dma_semaphore, #tpu.memory_space<semaphore_mem>>
      tpu.enqueue_dma source(%arg4 : memref<10000xf32, #tpu.memory_space<hbm>>) target(%arg10 : memref<10000xf32, #tpu.memory_space<vmem>>) target_semaphore(%run_scoped3A : memref<!tpu.dma_semaphore, #tpu.memory_space<semaphore_mem>>)
      tpu.wait_dma2 semaphore(%run_scoped3A : memref<!tpu.dma_semaphore, #tpu.memory_space<semaphore_mem>>) src(%arg4 : memref<10000xf32, #tpu.memory_space<hbm>>) dst(%arg10 : memref<10000xf32, #tpu.memory_space<vmem>>)
      tpu.yield
    }) : () -> ()
    %add3A = arith.constant 0 : i32
    %add3A_1 = arith.addi %mul3A_0, %add3A : i32
    %dma_start3A = tpu.memref_slice %arg2[%add3A_1] : memref<320000xi32, #tpu.memory_space<hbm>> -> memref<6400xi32, #tpu.memory_space<hbm>>
    %dma_start3A_2 = tpu.memref_slice %arg2[%add3A_1] : memref<320000xi32, #tpu.memory_space<hbm>> -> memref<6400xi32, #tpu.memory_space<hbm>>
    tpu.enqueue_dma source(%dma_start3A_2 : memref<6400xi32, #tpu.memory_space<hbm>>) target(%arg6 : memref<6400xi32, #tpu.memory_space<vmem>>) target_semaphore(%arg11 : memref<!tpu.dma_semaphore, #tpu.memory_space<semaphore_mem>>)
    %add3A_3 = arith.constant 0 : i32
    %add3A_4 = arith.addi %mul3A_0, %add3A_3 : i32
    %dma_start3A_5 = tpu.memref_slice %arg3[%arg1, %add3A_4] : memref<16x320000xf32, #tpu.memory_space<hbm>> -> memref<1x6400xf32, #tpu.memory_space<hbm>>
    %dma_start3A_6 = tpu.memref_squeeze %dma_start3A_5 : memref<1x6400xf32, #tpu.memory_space<hbm>> -> memref<6400xf32, #tpu.memory_space<hbm>>
    %dma_start3A_7 = tpu.memref_slice %arg3[%arg1, %add3A_4] : memref<16x320000xf32, #tpu.memory_space<hbm>> -> memref<1x6400xf32, #tpu.memory_space<hbm>>
    %dma_start3A_8 = tpu.memref_squeeze %dma_start3A_7 : memref<1x6400xf32, #tpu.memory_space<hbm>> -> memref<6400xf32, #tpu.memory_space<hbm>>
    tpu.enqueue_dma source(%dma_start3A_8 : memref<6400xf32, #tpu.memory_space<hbm>>) target(%arg7 : memref<6400xf32, #tpu.memory_space<vmem>>) target_semaphore(%arg11 : memref<!tpu.dma_semaphore, #tpu.memory_space<semaphore_mem>>)
    %scan3A = arith.constant 0 : i32
    %scan3A_9 = arith.constant 0 : i32
    %scan3A_10 = arith.constant 12 : i32
    %scan3A_11 = arith.addi %scan3A_9, %scan3A_10 : i32
    %scan3A_12 = arith.constant 1 : i32
    scf.for %scan3A_25 = %scan3A_9 to %scan3A_11 step %scan3A_12  : i32 {
      %mul3A_26 = arith.constant 2 : i32
      %mul3A_27 = arith.muli %mul3A_26, %scan3A_25 : i32
      %add3A_28 = arith.constant 1 : i32
      %add3A_29 = arith.addi %mul3A_27, %add3A_28 : i32
      %mul3A_30 = arith.constant 6400 : i32
      %mul3A_31 = arith.muli %add3A_29, %mul3A_30 : i32
      %add3A_32 = arith.addi %mul3A_0, %mul3A_31 : i32
      %dma_start3A_33 = tpu.memref_slice %arg2[%add3A_32] : memref<320000xi32, #tpu.memory_space<hbm>> -> memref<6400xi32, #tpu.memory_space<hbm>>
      %dma_start3A_34 = tpu.memref_slice %arg2[%add3A_32] : memref<320000xi32, #tpu.memory_space<hbm>> -> memref<6400xi32, #tpu.memory_space<hbm>>
      tpu.enqueue_dma source(%dma_start3A_34 : memref<6400xi32, #tpu.memory_space<hbm>>) target(%arg8 : memref<6400xi32, #tpu.memory_space<vmem>>) target_semaphore(%arg12 : memref<!tpu.dma_semaphore, #tpu.memory_space<semaphore_mem>>)
      %mul3A_35 = arith.constant 6400 : i32
      %mul3A_36 = arith.muli %add3A_29, %mul3A_35 : i32
      %add3A_37 = arith.addi %mul3A_0, %mul3A_36 : i32
      %dma_start3A_38 = tpu.memref_slice %arg3[%arg1, %add3A_37] : memref<16x320000xf32, #tpu.memory_space<hbm>> -> memref<1x6400xf32, #tpu.memory_space<hbm>>
      %dma_start3A_39 = tpu.memref_squeeze %dma_start3A_38 : memref<1x6400xf32, #tpu.memory_space<hbm>> -> memref<6400xf32, #tpu.memory_space<hbm>>
      %dma_start3A_40 = tpu.memref_slice %arg3[%arg1, %add3A_37] : memref<16x320000xf32, #tpu.memory_space<hbm>> -> memref<1x6400xf32, #tpu.memory_space<hbm>>
      %dma_start3A_41 = tpu.memref_squeeze %dma_start3A_40 : memref<1x6400xf32, #tpu.memory_space<hbm>> -> memref<6400xf32, #tpu.memory_space<hbm>>
      tpu.enqueue_dma source(%dma_start3A_41 : memref<6400xf32, #tpu.memory_space<hbm>>) target(%arg9 : memref<6400xf32, #tpu.memory_space<vmem>>) target_semaphore(%arg12 : memref<!tpu.dma_semaphore, #tpu.memory_space<semaphore_mem>>)
      %dma_wait3A_42 = tpu.memref_slice %arg2[%mul3A_0] : memref<320000xi32, #tpu.memory_space<hbm>> -> memref<6400xi32, #tpu.memory_space<hbm>>
      %dma_wait3A_43 = tpu.memref_slice %arg2[%mul3A_0] : memref<320000xi32, #tpu.memory_space<hbm>> -> memref<6400xi32, #tpu.memory_space<hbm>>
      tpu.wait_dma2 semaphore(%arg11 : memref<!tpu.dma_semaphore, #tpu.memory_space<semaphore_mem>>) src(%dma_wait3A_43 : memref<6400xi32, #tpu.memory_space<hbm>>) dst(%arg6 : memref<6400xi32, #tpu.memory_space<vmem>>)
      %dma_wait3A_44 = tpu.memref_slice %arg3[%arg1, %mul3A_0] : memref<16x320000xf32, #tpu.memory_space<hbm>> -> memref<1x6400xf32, #tpu.memory_space<hbm>>
      %dma_wait3A_45 = tpu.memref_squeeze %dma_wait3A_44 : memref<1x6400xf32, #tpu.memory_space<hbm>> -> memref<6400xf32, #tpu.memory_space<hbm>>
      %dma_wait3A_46 = tpu.memref_slice %arg3[%arg1, %mul3A_0] : memref<16x320000xf32, #tpu.memory_space<hbm>> -> memref<1x6400xf32, #tpu.memory_space<hbm>>
      %dma_wait3A_47 = tpu.memref_squeeze %dma_wait3A_46 : memref<1x6400xf32, #tpu.memory_space<hbm>> -> memref<6400xf32, #tpu.memory_space<hbm>>
      tpu.wait_dma2 semaphore(%arg11 : memref<!tpu.dma_semaphore, #tpu.memory_space<semaphore_mem>>) src(%dma_wait3A_47 : memref<6400xf32, #tpu.memory_space<hbm>>) dst(%arg7 : memref<6400xf32, #tpu.memory_space<vmem>>)
      %scan3A_48 = arith.constant 0 : i32
      %scan3A_49 = arith.constant 0 : i32
      %scan3A_50 = arith.constant 50 : i32
      %scan3A_51 = arith.addi %scan3A_49, %scan3A_50 : i32
      %scan3A_52 = arith.constant 1 : i32
      scf.for %scan3A_80 = %scan3A_49 to %scan3A_51 step %scan3A_52  : i32 {
        %mul3A_81 = arith.constant 8 : i32
        %mul3A_82 = arith.muli %scan3A_80, %mul3A_81 : i32
        %add3A_83 = arith.constant 0 : i32
        %add3A_84 = arith.addi %mul3A_82, %add3A_83 : i32
        %mul3A_85 = arith.constant 16 : i32
        %mul3A_86 = arith.muli %add3A_84, %mul3A_85 : i32
        %get3A = arith.index_cast %mul3A_86 : i32 to index
        %get3A_87 = tpu.vector_load %arg6[%get3A] {strides = array<i32>} : memref<6400xi32, #tpu.memory_space<vmem>>, vector<16xi32>,
        %mul3A_88 = arith.constant 8 : i32
        %mul3A_89 = arith.muli %scan3A_80, %mul3A_88 : i32
        %add3A_90 = arith.constant 0 : i32
        %add3A_91 = arith.addi %mul3A_89, %add3A_90 : i32
        %mul3A_92 = arith.constant 16 : i32
        %mul3A_93 = arith.muli %add3A_91, %mul3A_92 : i32
        %get3A_94 = arith.index_cast %mul3A_93 : i32 to index
        %get3A_95 = tpu.vector_load %arg7[%get3A_94] {strides = array<i32>} : memref<6400xf32, #tpu.memory_space<vmem>>, vector<16xf32>,
        tpu.vector_store_idx %arg10[%get3A_87], %get3A_95 {add = true} : memref<10000xf32, #tpu.memory_space<vmem>>[vector<16xi32>], vector<16xf32>,
        %mul3A_96 = arith.constant 8 : i32
        %mul3A_97 = arith.muli %scan3A_80, %mul3A_96 : i32
        %add3A_98 = arith.constant 1 : i32
        %add3A_99 = arith.addi %mul3A_97, %add3A_98 : i32
        %mul3A_100 = arith.constant 16 : i32
        %mul3A_101 = arith.muli %add3A_99, %mul3A_100 : i32
        %get3A_102 = arith.index_cast %mul3A_101 : i32 to index
        %get3A_103 = tpu.vector_load %arg6[%get3A_102] {strides = array<i32>} : memref<6400xi32, #tpu.memory_space<vmem>>, vector<16xi32>,
        %mul3A_104 = arith.constant 8 : i32
        %mul3A_105 = arith.muli %scan3A_80, %mul3A_104 : i32
        %add3A_106 = arith.constant 1 : i32
        %add3A_107 = arith.addi %mul3A_105, %add3A_106 : i32
        %mul3A_108 = arith.constant 16 : i32
        %mul3A_109 = arith.muli %add3A_107, %mul3A_108 : i32
        %get3A_110 = arith.index_cast %mul3A_109 : i32 to index
        %get3A_111 = tpu.vector_load %arg7[%get3A_110] {strides = array<i32>} : memref<6400xf32, #tpu.memory_space<vmem>>, vector<16xf32>,
        tpu.vector_store_idx %arg10[%get3A_103], %get3A_111 {add = true} : memref<10000xf32, #tpu.memory_space<vmem>>[vector<16xi32>], vector<16xf32>,
        %mul3A_112 = arith.constant 8 : i32
        %mul3A_113 = arith.muli %scan3A_80, %mul3A_112 : i32
        %add3A_114 = arith.constant 2 : i32
        %add3A_115 = arith.addi %mul3A_113, %add3A_114 : i32
        %mul3A_116 = arith.constant 16 : i32
        %mul3A_117 = arith.muli %add3A_115, %mul3A_116 : i32
        %get3A_118 = arith.index_cast %mul3A_117 : i32 to index
        %get3A_119 = tpu.vector_load %arg6[%get3A_118] {strides = array<i32>} : memref<6400xi32, #tpu.memory_space<vmem>>, vector<16xi32>,
        %mul3A_120 = arith.constant 8 : i32
        %mul3A_121 = arith.muli %scan3A_80, %mul3A_120 : i32
        %add3A_122 = arith.constant 2 : i32
        %add3A_123 = arith.addi %mul3A_121, %add3A_122 : i32
        %mul3A_124 = arith.constant 16 : i32
        %mul3A_125 = arith.muli %add3A_123, %mul3A_124 : i32
        %get3A_126 = arith.index_cast %mul3A_125 : i32 to index
        %get3A_127 = tpu.vector_load %arg7[%get3A_126] {strides = array<i32>} : memref<6400xf32, #tpu.memory_space<vmem>>, vector<16xf32>,
        tpu.vector_store_idx %arg10[%get3A_119], %get3A_127 {add = true} : memref<10000xf32, #tpu.memory_space<vmem>>[vector<16xi32>], vector<16xf32>,
        %mul3A_128 = arith.constant 8 : i32
        %mul3A_129 = arith.muli %scan3A_80, %mul3A_128 : i32
        %add3A_130 = arith.constant 3 : i32
        %add3A_131 = arith.addi %mul3A_129, %add3A_130 : i32
        %mul3A_132 = arith.constant 16 : i32
        %mul3A_133 = arith.muli %add3A_131, %mul3A_132 : i32
        %get3A_134 = arith.index_cast %mul3A_133 : i32 to index
        %get3A_135 = tpu.vector_load %arg6[%get3A_134] {strides = array<i32>} : memref<6400xi32, #tpu.memory_space<vmem>>, vector<16xi32>,
        %mul3A_136 = arith.constant 8 : i32
        %mul3A_137 = arith.muli %scan3A_80, %mul3A_136 : i32
        %add3A_138 = arith.constant 3 : i32
        %add3A_139 = arith.addi %mul3A_137, %add3A_138 : i32
        %mul3A_140 = arith.constant 16 : i32
        %mul3A_141 = arith.muli %add3A_139, %mul3A_140 : i32
        %get3A_142 = arith.index_cast %mul3A_141 : i32 to index
        %get3A_143 = tpu.vector_load %arg7[%get3A_142] {strides = array<i32>} : memref<6400xf32, #tpu.memory_space<vmem>>, vector<16xf32>,
        tpu.vector_store_idx %arg10[%get3A_135], %get3A_143 {add = true} : memref<10000xf32, #tpu.memory_space<vmem>>[vector<16xi32>], vector<16xf32>,
        %mul3A_144 = arith.constant 8 : i32
        %mul3A_145 = arith.muli %scan3A_80, %mul3A_144 : i32
        %add3A_146 = arith.constant 4 : i32
        %add3A_147 = arith.addi %mul3A_145, %add3A_146 : i32
        %mul3A_148 = arith.constant 16 : i32
        %mul3A_149 = arith.muli %add3A_147, %mul3A_148 : i32
        %get3A_150 = arith.index_cast %mul3A_149 : i32 to index
        %get3A_151 = tpu.vector_load %arg6[%get3A_150] {strides = array<i32>} : memref<6400xi32, #tpu.memory_space<vmem>>, vector<16xi32>,
        %mul3A_152 = arith.constant 8 : i32
        %mul3A_153 = arith.muli %scan3A_80, %mul3A_152 : i32
        %add3A_154 = arith.constant 4 : i32
        %add3A_155 = arith.addi %mul3A_153, %add3A_154 : i32
        %mul3A_156 = arith.constant 16 : i32
        %mul3A_157 = arith.muli %add3A_155, %mul3A_156 : i32
        %get3A_158 = arith.index_cast %mul3A_157 : i32 to index
        %get3A_159 = tpu.vector_load %arg7[%get3A_158] {strides = array<i32>} : memref<6400xf32, #tpu.memory_space<vmem>>, vector<16xf32>,
        tpu.vector_store_idx %arg10[%get3A_151], %get3A_159 {add = true} : memref<10000xf32, #tpu.memory_space<vmem>>[vector<16xi32>], vector<16xf32>,
        %mul3A_160 = arith.constant 8 : i32
        %mul3A_161 = arith.muli %scan3A_80, %mul3A_160 : i32
        %add3A_162 = arith.constant 5 : i32
        %add3A_163 = arith.addi %mul3A_161, %add3A_162 : i32
        %mul3A_164 = arith.constant 16 : i32
        %mul3A_165 = arith.muli %add3A_163, %mul3A_164 : i32
        %get3A_166 = arith.index_cast %mul3A_165 : i32 to index
        %get3A_167 = tpu.vector_load %arg6[%get3A_166] {strides = array<i32>} : memref<6400xi32, #tpu.memory_space<vmem>>, vector<16xi32>,
        %mul3A_168 = arith.constant 8 : i32
        %mul3A_169 = arith.muli %scan3A_80, %mul3A_168 : i32
        %add3A_170 = arith.constant 5 : i32
        %add3A_171 = arith.addi %mul3A_169, %add3A_170 : i32
        %mul3A_172 = arith.constant 16 : i32
        %mul3A_173 = arith.muli %add3A_171, %mul3A_172 : i32
        %get3A_174 = arith.index_cast %mul3A_173 : i32 to index
        %get3A_175 = tpu.vector_load %arg7[%get3A_174] {strides = array<i32>} : memref<6400xf32, #tpu.memory_space<vmem>>, vector<16xf32>,
        tpu.vector_store_idx %arg10[%get3A_167], %get3A_175 {add = true} : memref<10000xf32, #tpu.memory_space<vmem>>[vector<16xi32>], vector<16xf32>,
        %mul3A_176 = arith.constant 8 : i32
        %mul3A_177 = arith.muli %scan3A_80, %mul3A_176 : i32
        %add3A_178 = arith.constant 6 : i32
        %add3A_179 = arith.addi %mul3A_177, %add3A_178 : i32
        %mul3A_180 = arith.constant 16 : i32
        %mul3A_181 = arith.muli %add3A_179, %mul3A_180 : i32
        %get3A_182 = arith.index_cast %mul3A_181 : i32 to index
        %get3A_183 = tpu.vector_load %arg6[%get3A_182] {strides = array<i32>} : memref<6400xi32, #tpu.memory_space<vmem>>, vector<16xi32>,
        %mul3A_184 = arith.constant 8 : i32
        %mul3A_185 = arith.muli %scan3A_80, %mul3A_184 : i32
        %add3A_186 = arith.constant 6 : i32
        %add3A_187 = arith.addi %mul3A_185, %add3A_186 : i32
        %mul3A_188 = arith.constant 16 : i32
        %mul3A_189 = arith.muli %add3A_187, %mul3A_188 : i32
        %get3A_190 = arith.index_cast %mul3A_189 : i32 to index
        %get3A_191 = tpu.vector_load %arg7[%get3A_190] {strides = array<i32>} : memref<6400xf32, #tpu.memory_space<vmem>>, vector<16xf32>,
        tpu.vector_store_idx %arg10[%get3A_183], %get3A_191 {add = true} : memref<10000xf32, #tpu.memory_space<vmem>>[vector<16xi32>], vector<16xf32>,
        %mul3A_192 = arith.constant 8 : i32
        %mul3A_193 = arith.muli %scan3A_80, %mul3A_192 : i32
        %add3A_194 = arith.constant 7 : i32
        %add3A_195 = arith.addi %mul3A_193, %add3A_194 : i32
        %mul3A_196 = arith.constant 16 : i32
        %mul3A_197 = arith.muli %add3A_195, %mul3A_196 : i32
        %get3A_198 = arith.index_cast %mul3A_197 : i32 to index
        %get3A_199 = tpu.vector_load %arg6[%get3A_198] {strides = array<i32>} : memref<6400xi32, #tpu.memory_space<vmem>>, vector<16xi32>,
        %mul3A_200 = arith.constant 8 : i32
        %mul3A_201 = arith.muli %scan3A_80, %mul3A_200 : i32
        %add3A_202 = arith.constant 7 : i32
        %add3A_203 = arith.addi %mul3A_201, %add3A_202 : i32
        %mul3A_204 = arith.constant 16 : i32
        %mul3A_205 = arith.muli %add3A_203, %mul3A_204 : i32
        %get3A_206 = arith.index_cast %mul3A_205 : i32 to index
        %get3A_207 = tpu.vector_load %arg7[%get3A_206] {strides = array<i32>} : memref<6400xf32, #tpu.memory_space<vmem>>, vector<16xf32>,
        tpu.vector_store_idx %arg10[%get3A_199], %get3A_207 {add = true} : memref<10000xf32, #tpu.memory_space<vmem>>[vector<16xi32>], vector<16xf32>,
      }
      %scan3A_53 = arith.constant 50 : i32
      %add3A_54 = arith.constant 2 : i32
      %add3A_55 = arith.addi %mul3A_27, %add3A_54 : i32
      %mul3A_56 = arith.constant 6400 : i32
      %mul3A_57 = arith.muli %add3A_55, %mul3A_56 : i32
      %add3A_58 = arith.addi %mul3A_0, %mul3A_57 : i32
      %dma_start3A_59 = tpu.memref_slice %arg2[%add3A_58] : memref<320000xi32, #tpu.memory_space<hbm>> -> memref<6400xi32, #tpu.memory_space<hbm>>
      %dma_start3A_60 = tpu.memref_slice %arg2[%add3A_58] : memref<320000xi32, #tpu.memory_space<hbm>> -> memref<6400xi32, #tpu.memory_space<hbm>>
      tpu.enqueue_dma source(%dma_start3A_60 : memref<6400xi32, #tpu.memory_space<hbm>>) target(%arg6 : memref<6400xi32, #tpu.memory_space<vmem>>) target_semaphore(%arg11 : memref<!tpu.dma_semaphore, #tpu.memory_space<semaphore_mem>>)
      %mul3A_61 = arith.constant 6400 : i32
      %mul3A_62 = arith.muli %add3A_55, %mul3A_61 : i32
      %add3A_63 = arith.addi %mul3A_0, %mul3A_62 : i32
      %dma_start3A_64 = tpu.memref_slice %arg3[%arg1, %add3A_63] : memref<16x320000xf32, #tpu.memory_space<hbm>> -> memref<1x6400xf32, #tpu.memory_space<hbm>>
      %dma_start3A_65 = tpu.memref_squeeze %dma_start3A_64 : memref<1x6400xf32, #tpu.memory_space<hbm>> -> memref<6400xf32, #tpu.memory_space<hbm>>
      %dma_start3A_66 = tpu.memref_slice %arg3[%arg1, %add3A_63] : memref<16x320000xf32, #tpu.memory_space<hbm>> -> memref<1x6400xf32, #tpu.memory_space<hbm>>
      %dma_start3A_67 = tpu.memref_squeeze %dma_start3A_66 : memref<1x6400xf32, #tpu.memory_space<hbm>> -> memref<6400xf32, #tpu.memory_space<hbm>>
      tpu.enqueue_dma source(%dma_start3A_67 : memref<6400xf32, #tpu.memory_space<hbm>>) target(%arg7 : memref<6400xf32, #tpu.memory_space<vmem>>) target_semaphore(%arg11 : memref<!tpu.dma_semaphore, #tpu.memory_space<semaphore_mem>>)
      %dma_wait3A_68 = tpu.memref_slice %arg2[%mul3A_0] : memref<320000xi32, #tpu.memory_space<hbm>> -> memref<6400xi32, #tpu.memory_space<hbm>>
      %dma_wait3A_69 = tpu.memref_slice %arg2[%mul3A_0] : memref<320000xi32, #tpu.memory_space<hbm>> -> memref<6400xi32, #tpu.memory_space<hbm>>
      tpu.wait_dma2 semaphore(%arg12 : memref<!tpu.dma_semaphore, #tpu.memory_space<semaphore_mem>>) src(%dma_wait3A_69 : memref<6400xi32, #tpu.memory_space<hbm>>) dst(%arg8 : memref<6400xi32, #tpu.memory_space<vmem>>)
      %dma_wait3A_70 = tpu.memref_slice %arg3[%arg1, %mul3A_0] : memref<16x320000xf32, #tpu.memory_space<hbm>> -> memref<1x6400xf32, #tpu.memory_space<hbm>>
      %dma_wait3A_71 = tpu.memref_squeeze %dma_wait3A_70 : memref<1x6400xf32, #tpu.memory_space<hbm>> -> memref<6400xf32, #tpu.memory_space<hbm>>
      %dma_wait3A_72 = tpu.memref_slice %arg3[%arg1, %mul3A_0] : memref<16x320000xf32, #tpu.memory_space<hbm>> -> memref<1x6400xf32, #tpu.memory_space<hbm>>
      %dma_wait3A_73 = tpu.memref_squeeze %dma_wait3A_72 : memref<1x6400xf32, #tpu.memory_space<hbm>> -> memref<6400xf32, #tpu.memory_space<hbm>>
      tpu.wait_dma2 semaphore(%arg12 : memref<!tpu.dma_semaphore, #tpu.memory_space<semaphore_mem>>) src(%dma_wait3A_73 : memref<6400xf32, #tpu.memory_space<hbm>>) dst(%arg9 : memref<6400xf32, #tpu.memory_space<vmem>>)
      %scan3A_74 = arith.constant 0 : i32
      %scan3A_75 = arith.constant 0 : i32
      %scan3A_76 = arith.constant 50 : i32
      %scan3A_77 = arith.addi %scan3A_75, %scan3A_76 : i32
      %scan3A_78 = arith.constant 1 : i32
      scf.for %scan3A_80 = %scan3A_75 to %scan3A_77 step %scan3A_78  : i32 {
        %mul3A_81 = arith.constant 8 : i32
        %mul3A_82 = arith.muli %scan3A_80, %mul3A_81 : i32
        %add3A_83 = arith.constant 0 : i32
        %add3A_84 = arith.addi %mul3A_82, %add3A_83 : i32
        %mul3A_85 = arith.constant 16 : i32
        %mul3A_86 = arith.muli %add3A_84, %mul3A_85 : i32
        %get3A = arith.index_cast %mul3A_86 : i32 to index
        %get3A_87 = tpu.vector_load %arg8[%get3A] {strides = array<i32>} : memref<6400xi32, #tpu.memory_space<vmem>>, vector<16xi32>,
        %mul3A_88 = arith.constant 8 : i32
        %mul3A_89 = arith.muli %scan3A_80, %mul3A_88 : i32
        %add3A_90 = arith.constant 0 : i32
        %add3A_91 = arith.addi %mul3A_89, %add3A_90 : i32
        %mul3A_92 = arith.constant 16 : i32
        %mul3A_93 = arith.muli %add3A_91, %mul3A_92 : i32
        %get3A_94 = arith.index_cast %mul3A_93 : i32 to index
        %get3A_95 = tpu.vector_load %arg9[%get3A_94] {strides = array<i32>} : memref<6400xf32, #tpu.memory_space<vmem>>, vector<16xf32>,
        tpu.vector_store_idx %arg10[%get3A_87], %get3A_95 {add = true} : memref<10000xf32, #tpu.memory_space<vmem>>[vector<16xi32>], vector<16xf32>,
        %mul3A_96 = arith.constant 8 : i32
        %mul3A_97 = arith.muli %scan3A_80, %mul3A_96 : i32
        %add3A_98 = arith.constant 1 : i32
        %add3A_99 = arith.addi %mul3A_97, %add3A_98 : i32
        %mul3A_100 = arith.constant 16 : i32
        %mul3A_101 = arith.muli %add3A_99, %mul3A_100 : i32
        %get3A_102 = arith.index_cast %mul3A_101 : i32 to index
        %get3A_103 = tpu.vector_load %arg8[%get3A_102] {strides = array<i32>} : memref<6400xi32, #tpu.memory_space<vmem>>, vector<16xi32>,
        %mul3A_104 = arith.constant 8 : i32
        %mul3A_105 = arith.muli %scan3A_80, %mul3A_104 : i32
        %add3A_106 = arith.constant 1 : i32
        %add3A_107 = arith.addi %mul3A_105, %add3A_106 : i32
        %mul3A_108 = arith.constant 16 : i32
        %mul3A_109 = arith.muli %add3A_107, %mul3A_108 : i32
        %get3A_110 = arith.index_cast %mul3A_109 : i32 to index
        %get3A_111 = tpu.vector_load %arg9[%get3A_110] {strides = array<i32>} : memref<6400xf32, #tpu.memory_space<vmem>>, vector<16xf32>,
        tpu.vector_store_idx %arg10[%get3A_103], %get3A_111 {add = true} : memref<10000xf32, #tpu.memory_space<vmem>>[vector<16xi32>], vector<16xf32>,
        %mul3A_112 = arith.constant 8 : i32
        %mul3A_113 = arith.muli %scan3A_80, %mul3A_112 : i32
        %add3A_114 = arith.constant 2 : i32
        %add3A_115 = arith.addi %mul3A_113, %add3A_114 : i32
        %mul3A_116 = arith.constant 16 : i32
        %mul3A_117 = arith.muli %add3A_115, %mul3A_116 : i32
        %get3A_118 = arith.index_cast %mul3A_117 : i32 to index
        %get3A_119 = tpu.vector_load %arg8[%get3A_118] {strides = array<i32>} : memref<6400xi32, #tpu.memory_space<vmem>>, vector<16xi32>,
        %mul3A_120 = arith.constant 8 : i32
        %mul3A_121 = arith.muli %scan3A_80, %mul3A_120 : i32
        %add3A_122 = arith.constant 2 : i32
        %add3A_123 = arith.addi %mul3A_121, %add3A_122 : i32
        %mul3A_124 = arith.constant 16 : i32
        %mul3A_125 = arith.muli %add3A_123, %mul3A_124 : i32
        %get3A_126 = arith.index_cast %mul3A_125 : i32 to index
        %get3A_127 = tpu.vector_load %arg9[%get3A_126] {strides = array<i32>} : memref<6400xf32, #tpu.memory_space<vmem>>, vector<16xf32>,
        tpu.vector_store_idx %arg10[%get3A_119], %get3A_127 {add = true} : memref<10000xf32, #tpu.memory_space<vmem>>[vector<16xi32>], vector<16xf32>,
        %mul3A_128 = arith.constant 8 : i32
        %mul3A_129 = arith.muli %scan3A_80, %mul3A_128 : i32
        %add3A_130 = arith.constant 3 : i32
        %add3A_131 = arith.addi %mul3A_129, %add3A_130 : i32
        %mul3A_132 = arith.constant 16 : i32
        %mul3A_133 = arith.muli %add3A_131, %mul3A_132 : i32
        %get3A_134 = arith.index_cast %mul3A_133 : i32 to index
        %get3A_135 = tpu.vector_load %arg8[%get3A_134] {strides = array<i32>} : memref<6400xi32, #tpu.memory_space<vmem>>, vector<16xi32>,
        %mul3A_136 = arith.constant 8 : i32
        %mul3A_137 = arith.muli %scan3A_80, %mul3A_136 : i32
        %add3A_138 = arith.constant 3 : i32
        %add3A_139 = arith.addi %mul3A_137, %add3A_138 : i32
        %mul3A_140 = arith.constant 16 : i32
        %mul3A_141 = arith.muli %add3A_139, %mul3A_140 : i32
        %get3A_142 = arith.index_cast %mul3A_141 : i32 to index
        %get3A_143 = tpu.vector_load %arg9[%get3A_142] {strides = array<i32>} : memref<6400xf32, #tpu.memory_space<vmem>>, vector<16xf32>,
        tpu.vector_store_idx %arg10[%get3A_135], %get3A_143 {add = true} : memref<10000xf32, #tpu.memory_space<vmem>>[vector<16xi32>], vector<16xf32>,
        %mul3A_144 = arith.constant 8 : i32
        %mul3A_145 = arith.muli %scan3A_80, %mul3A_144 : i32
        %add3A_146 = arith.constant 4 : i32
        %add3A_147 = arith.addi %mul3A_145, %add3A_146 : i32
        %mul3A_148 = arith.constant 16 : i32
        %mul3A_149 = arith.muli %add3A_147, %mul3A_148 : i32
        %get3A_150 = arith.index_cast %mul3A_149 : i32 to index
        %get3A_151 = tpu.vector_load %arg8[%get3A_150] {strides = array<i32>} : memref<6400xi32, #tpu.memory_space<vmem>>, vector<16xi32>,
        %mul3A_152 = arith.constant 8 : i32
        %mul3A_153 = arith.muli %scan3A_80, %mul3A_152 : i32
        %add3A_154 = arith.constant 4 : i32
        %add3A_155 = arith.addi %mul3A_153, %add3A_154 : i32
        %mul3A_156 = arith.constant 16 : i32
        %mul3A_157 = arith.muli %add3A_155, %mul3A_156 : i32
        %get3A_158 = arith.index_cast %mul3A_157 : i32 to index
        %get3A_159 = tpu.vector_load %arg9[%get3A_158] {strides = array<i32>} : memref<6400xf32, #tpu.memory_space<vmem>>, vector<16xf32>,
        tpu.vector_store_idx %arg10[%get3A_151], %get3A_159 {add = true} : memref<10000xf32, #tpu.memory_space<vmem>>[vector<16xi32>], vector<16xf32>,
        %mul3A_160 = arith.constant 8 : i32
        %mul3A_161 = arith.muli %scan3A_80, %mul3A_160 : i32
        %add3A_162 = arith.constant 5 : i32
        %add3A_163 = arith.addi %mul3A_161, %add3A_162 : i32
        %mul3A_164 = arith.constant 16 : i32
        %mul3A_165 = arith.muli %add3A_163, %mul3A_164 : i32
        %get3A_166 = arith.index_cast %mul3A_165 : i32 to index
        %get3A_167 = tpu.vector_load %arg8[%get3A_166] {strides = array<i32>} : memref<6400xi32, #tpu.memory_space<vmem>>, vector<16xi32>,
        %mul3A_168 = arith.constant 8 : i32
        %mul3A_169 = arith.muli %scan3A_80, %mul3A_168 : i32
        %add3A_170 = arith.constant 5 : i32
        %add3A_171 = arith.addi %mul3A_169, %add3A_170 : i32
        %mul3A_172 = arith.constant 16 : i32
        %mul3A_173 = arith.muli %add3A_171, %mul3A_172 : i32
        %get3A_174 = arith.index_cast %mul3A_173 : i32 to index
        %get3A_175 = tpu.vector_load %arg9[%get3A_174] {strides = array<i32>} : memref<6400xf32, #tpu.memory_space<vmem>>, vector<16xf32>,
        tpu.vector_store_idx %arg10[%get3A_167], %get3A_175 {add = true} : memref<10000xf32, #tpu.memory_space<vmem>>[vector<16xi32>], vector<16xf32>,
        %mul3A_176 = arith.constant 8 : i32
        %mul3A_177 = arith.muli %scan3A_80, %mul3A_176 : i32
        %add3A_178 = arith.constant 6 : i32
        %add3A_179 = arith.addi %mul3A_177, %add3A_178 : i32
        %mul3A_180 = arith.constant 16 : i32
        %mul3A_181 = arith.muli %add3A_179, %mul3A_180 : i32
        %get3A_182 = arith.index_cast %mul3A_181 : i32 to index
        %get3A_183 = tpu.vector_load %arg8[%get3A_182] {strides = array<i32>} : memref<6400xi32, #tpu.memory_space<vmem>>, vector<16xi32>,
        %mul3A_184 = arith.constant 8 : i32
        %mul3A_185 = arith.muli %scan3A_80, %mul3A_184 : i32
        %add3A_186 = arith.constant 6 : i32
        %add3A_187 = arith.addi %mul3A_185, %add3A_186 : i32
        %mul3A_188 = arith.constant 16 : i32
        %mul3A_189 = arith.muli %add3A_187, %mul3A_188 : i32
        %get3A_190 = arith.index_cast %mul3A_189 : i32 to index
        %get3A_191 = tpu.vector_load %arg9[%get3A_190] {strides = array<i32>} : memref<6400xf32, #tpu.memory_space<vmem>>, vector<16xf32>,
        tpu.vector_store_idx %arg10[%get3A_183], %get3A_191 {add = true} : memref<10000xf32, #tpu.memory_space<vmem>>[vector<16xi32>], vector<16xf32>,
        %mul3A_192 = arith.constant 8 : i32
        %mul3A_193 = arith.muli %scan3A_80, %mul3A_192 : i32
        %add3A_194 = arith.constant 7 : i32
        %add3A_195 = arith.addi %mul3A_193, %add3A_194 : i32
        %mul3A_196 = arith.constant 16 : i32
        %mul3A_197 = arith.muli %add3A_195, %mul3A_196 : i32
        %get3A_198 = arith.index_cast %mul3A_197 : i32 to index
        %get3A_199 = tpu.vector_load %arg8[%get3A_198] {strides = array<i32>} : memref<6400xi32, #tpu.memory_space<vmem>>, vector<16xi32>,
        %mul3A_200 = arith.constant 8 : i32
        %mul3A_201 = arith.muli %scan3A_80, %mul3A_200 : i32
        %add3A_202 = arith.constant 7 : i32
        %add3A_203 = arith.addi %mul3A_201, %add3A_202 : i32
        %mul3A_204 = arith.constant 16 : i32
        %mul3A_205 = arith.muli %add3A_203, %mul3A_204 : i32
        %get3A_206 = arith.index_cast %mul3A_205 : i32 to index
        %get3A_207 = tpu.vector_load %arg9[%get3A_206] {strides = array<i32>} : memref<6400xf32, #tpu.memory_space<vmem>>, vector<16xf32>,
        tpu.vector_store_idx %arg10[%get3A_199], %get3A_207 {add = true} : memref<10000xf32, #tpu.memory_space<vmem>>[vector<16xi32>], vector<16xf32>,
      }
      %scan3A_79 = arith.constant 50 : i32
    }
    %scan3A_13 = arith.constant 12 : i32
    %dma_wait3A = tpu.memref_slice %arg2[%mul3A_0] : memref<320000xi32, #tpu.memory_space<hbm>> -> memref<6400xi32, #tpu.memory_space<hbm>>
    %dma_wait3A_14 = tpu.memref_slice %arg2[%mul3A_0] : memref<320000xi32, #tpu.memory_space<hbm>> -> memref<6400xi32, #tpu.memory_space<hbm>>
    tpu.wait_dma2 semaphore(%arg11 : memref<!tpu.dma_semaphore, #tpu.memory_space<semaphore_mem>>) src(%dma_wait3A_14 : memref<6400xi32, #tpu.memory_space<hbm>>) dst(%arg6 : memref<6400xi32, #tpu.memory_space<vmem>>)
    %dma_wait3A_15 = tpu.memref_slice %arg3[%arg1, %mul3A_0] : memref<16x320000xf32, #tpu.memory_space<hbm>> -> memref<1x6400xf32, #tpu.memory_space<hbm>>
    %dma_wait3A_16 = tpu.memref_squeeze %dma_wait3A_15 : memref<1x6400xf32, #tpu.memory_space<hbm>> -> memref<6400xf32, #tpu.memory_space<hbm>>
    %dma_wait3A_17 = tpu.memref_slice %arg3[%arg1, %mul3A_0] : memref<16x320000xf32, #tpu.memory_space<hbm>> -> memref<1x6400xf32, #tpu.memory_space<hbm>>
    %dma_wait3A_18 = tpu.memref_squeeze %dma_wait3A_17 : memref<1x6400xf32, #tpu.memory_space<hbm>> -> memref<6400xf32, #tpu.memory_space<hbm>>
    tpu.wait_dma2 semaphore(%arg11 : memref<!tpu.dma_semaphore, #tpu.memory_space<semaphore_mem>>) src(%dma_wait3A_18 : memref<6400xf32, #tpu.memory_space<hbm>>) dst(%arg7 : memref<6400xf32, #tpu.memory_space<vmem>>)
    %scan3A_19 = arith.constant 0 : i32
    %scan3A_20 = arith.constant 0 : i32
    %scan3A_21 = arith.constant 50 : i32
    %scan3A_22 = arith.addi %scan3A_20, %scan3A_21 : i32
    %scan3A_23 = arith.constant 1 : i32
    scf.for %scan3A_25 = %scan3A_20 to %scan3A_22 step %scan3A_23  : i32 {
      %mul3A_26 = arith.constant 8 : i32
      %mul3A_27 = arith.muli %scan3A_25, %mul3A_26 : i32
      %add3A_28 = arith.constant 0 : i32
      %add3A_29 = arith.addi %mul3A_27, %add3A_28 : i32
      %mul3A_30 = arith.constant 16 : i32
      %mul3A_31 = arith.muli %add3A_29, %mul3A_30 : i32
      %get3A = arith.index_cast %mul3A_31 : i32 to index
      %get3A_32 = tpu.vector_load %arg6[%get3A] {strides = array<i32>} : memref<6400xi32, #tpu.memory_space<vmem>>, vector<16xi32>,
      %mul3A_33 = arith.constant 8 : i32
      %mul3A_34 = arith.muli %scan3A_25, %mul3A_33 : i32
      %add3A_35 = arith.constant 0 : i32
      %add3A_36 = arith.addi %mul3A_34, %add3A_35 : i32
      %mul3A_37 = arith.constant 16 : i32
      %mul3A_38 = arith.muli %add3A_36, %mul3A_37 : i32
      %get3A_39 = arith.index_cast %mul3A_38 : i32 to index
      %get3A_40 = tpu.vector_load %arg7[%get3A_39] {strides = array<i32>} : memref<6400xf32, #tpu.memory_space<vmem>>, vector<16xf32>,
      tpu.vector_store_idx %arg10[%get3A_32], %get3A_40 {add = true} : memref<10000xf32, #tpu.memory_space<vmem>>[vector<16xi32>], vector<16xf32>,
      %mul3A_41 = arith.constant 8 : i32
      %mul3A_42 = arith.muli %scan3A_25, %mul3A_41 : i32
      %add3A_43 = arith.constant 1 : i32
      %add3A_44 = arith.addi %mul3A_42, %add3A_43 : i32
      %mul3A_45 = arith.constant 16 : i32
      %mul3A_46 = arith.muli %add3A_44, %mul3A_45 : i32
      %get3A_47 = arith.index_cast %mul3A_46 : i32 to index
      %get3A_48 = tpu.vector_load %arg6[%get3A_47] {strides = array<i32>} : memref<6400xi32, #tpu.memory_space<vmem>>, vector<16xi32>,
      %mul3A_49 = arith.constant 8 : i32
      %mul3A_50 = arith.muli %scan3A_25, %mul3A_49 : i32
      %add3A_51 = arith.constant 1 : i32
      %add3A_52 = arith.addi %mul3A_50, %add3A_51 : i32
      %mul3A_53 = arith.constant 16 : i32
      %mul3A_54 = arith.muli %add3A_52, %mul3A_53 : i32
      %get3A_55 = arith.index_cast %mul3A_54 : i32 to index
      %get3A_56 = tpu.vector_load %arg7[%get3A_55] {strides = array<i32>} : memref<6400xf32, #tpu.memory_space<vmem>>, vector<16xf32>,
      tpu.vector_store_idx %arg10[%get3A_48], %get3A_56 {add = true} : memref<10000xf32, #tpu.memory_space<vmem>>[vector<16xi32>], vector<16xf32>,
      %mul3A_57 = arith.constant 8 : i32
      %mul3A_58 = arith.muli %scan3A_25, %mul3A_57 : i32
      %add3A_59 = arith.constant 2 : i32
      %add3A_60 = arith.addi %mul3A_58, %add3A_59 : i32
      %mul3A_61 = arith.constant 16 : i32
      %mul3A_62 = arith.muli %add3A_60, %mul3A_61 : i32
      %get3A_63 = arith.index_cast %mul3A_62 : i32 to index
      %get3A_64 = tpu.vector_load %arg6[%get3A_63] {strides = array<i32>} : memref<6400xi32, #tpu.memory_space<vmem>>, vector<16xi32>,
      %mul3A_65 = arith.constant 8 : i32
      %mul3A_66 = arith.muli %scan3A_25, %mul3A_65 : i32
      %add3A_67 = arith.constant 2 : i32
      %add3A_68 = arith.addi %mul3A_66, %add3A_67 : i32
      %mul3A_69 = arith.constant 16 : i32
      %mul3A_70 = arith.muli %add3A_68, %mul3A_69 : i32
      %get3A_71 = arith.index_cast %mul3A_70 : i32 to index
      %get3A_72 = tpu.vector_load %arg7[%get3A_71] {strides = array<i32>} : memref<6400xf32, #tpu.memory_space<vmem>>, vector<16xf32>,
      tpu.vector_store_idx %arg10[%get3A_64], %get3A_72 {add = true} : memref<10000xf32, #tpu.memory_space<vmem>>[vector<16xi32>], vector<16xf32>,
      %mul3A_73 = arith.constant 8 : i32
      %mul3A_74 = arith.muli %scan3A_25, %mul3A_73 : i32
      %add3A_75 = arith.constant 3 : i32
      %add3A_76 = arith.addi %mul3A_74, %add3A_75 : i32
      %mul3A_77 = arith.constant 16 : i32
      %mul3A_78 = arith.muli %add3A_76, %mul3A_77 : i32
      %get3A_79 = arith.index_cast %mul3A_78 : i32 to index
      %get3A_80 = tpu.vector_load %arg6[%get3A_79] {strides = array<i32>} : memref<6400xi32, #tpu.memory_space<vmem>>, vector<16xi32>,
      %mul3A_81 = arith.constant 8 : i32
      %mul3A_82 = arith.muli %scan3A_25, %mul3A_81 : i32
      %add3A_83 = arith.constant 3 : i32
      %add3A_84 = arith.addi %mul3A_82, %add3A_83 : i32
      %mul3A_85 = arith.constant 16 : i32
      %mul3A_86 = arith.muli %add3A_84, %mul3A_85 : i32
      %get3A_87 = arith.index_cast %mul3A_86 : i32 to index
      %get3A_88 = tpu.vector_load %arg7[%get3A_87] {strides = array<i32>} : memref<6400xf32, #tpu.memory_space<vmem>>, vector<16xf32>,
      tpu.vector_store_idx %arg10[%get3A_80], %get3A_88 {add = true} : memref<10000xf32, #tpu.memory_space<vmem>>[vector<16xi32>], vector<16xf32>,
      %mul3A_89 = arith.constant 8 : i32
      %mul3A_90 = arith.muli %scan3A_25, %mul3A_89 : i32
      %add3A_91 = arith.constant 4 : i32
      %add3A_92 = arith.addi %mul3A_90, %add3A_91 : i32
      %mul3A_93 = arith.constant 16 : i32
      %mul3A_94 = arith.muli %add3A_92, %mul3A_93 : i32
      %get3A_95 = arith.index_cast %mul3A_94 : i32 to index
      %get3A_96 = tpu.vector_load %arg6[%get3A_95] {strides = array<i32>} : memref<6400xi32, #tpu.memory_space<vmem>>, vector<16xi32>,
      %mul3A_97 = arith.constant 8 : i32
      %mul3A_98 = arith.muli %scan3A_25, %mul3A_97 : i32
      %add3A_99 = arith.constant 4 : i32
      %add3A_100 = arith.addi %mul3A_98, %add3A_99 : i32
      %mul3A_101 = arith.constant 16 : i32
      %mul3A_102 = arith.muli %add3A_100, %mul3A_101 : i32
      %get3A_103 = arith.index_cast %mul3A_102 : i32 to index
      %get3A_104 = tpu.vector_load %arg7[%get3A_103] {strides = array<i32>} : memref<6400xf32, #tpu.memory_space<vmem>>, vector<16xf32>,
      tpu.vector_store_idx %arg10[%get3A_96], %get3A_104 {add = true} : memref<10000xf32, #tpu.memory_space<vmem>>[vector<16xi32>], vector<16xf32>,
      %mul3A_105 = arith.constant 8 : i32
      %mul3A_106 = arith.muli %scan3A_25, %mul3A_105 : i32
      %add3A_107 = arith.constant 5 : i32
      %add3A_108 = arith.addi %mul3A_106, %add3A_107 : i32
      %mul3A_109 = arith.constant 16 : i32
      %mul3A_110 = arith.muli %add3A_108, %mul3A_109 : i32
      %get3A_111 = arith.index_cast %mul3A_110 : i32 to index
      %get3A_112 = tpu.vector_load %arg6[%get3A_111] {strides = array<i32>} : memref<6400xi32, #tpu.memory_space<vmem>>, vector<16xi32>,
      %mul3A_113 = arith.constant 8 : i32
      %mul3A_114 = arith.muli %scan3A_25, %mul3A_113 : i32
      %add3A_115 = arith.constant 5 : i32
      %add3A_116 = arith.addi %mul3A_114, %add3A_115 : i32
      %mul3A_117 = arith.constant 16 : i32
      %mul3A_118 = arith.muli %add3A_116, %mul3A_117 : i32
      %get3A_119 = arith.index_cast %mul3A_118 : i32 to index
      %get3A_120 = tpu.vector_load %arg7[%get3A_119] {strides = array<i32>} : memref<6400xf32, #tpu.memory_space<vmem>>, vector<16xf32>,
      tpu.vector_store_idx %arg10[%get3A_112], %get3A_120 {add = true} : memref<10000xf32, #tpu.memory_space<vmem>>[vector<16xi32>], vector<16xf32>,
      %mul3A_121 = arith.constant 8 : i32
      %mul3A_122 = arith.muli %scan3A_25, %mul3A_121 : i32
      %add3A_123 = arith.constant 6 : i32
      %add3A_124 = arith.addi %mul3A_122, %add3A_123 : i32
      %mul3A_125 = arith.constant 16 : i32
      %mul3A_126 = arith.muli %add3A_124, %mul3A_125 : i32
      %get3A_127 = arith.index_cast %mul3A_126 : i32 to index
      %get3A_128 = tpu.vector_load %arg6[%get3A_127] {strides = array<i32>} : memref<6400xi32, #tpu.memory_space<vmem>>, vector<16xi32>,
      %mul3A_129 = arith.constant 8 : i32
      %mul3A_130 = arith.muli %scan3A_25, %mul3A_129 : i32
      %add3A_131 = arith.constant 6 : i32
      %add3A_132 = arith.addi %mul3A_130, %add3A_131 : i32
      %mul3A_133 = arith.constant 16 : i32
      %mul3A_134 = arith.muli %add3A_132, %mul3A_133 : i32
      %get3A_135 = arith.index_cast %mul3A_134 : i32 to index
      %get3A_136 = tpu.vector_load %arg7[%get3A_135] {strides = array<i32>} : memref<6400xf32, #tpu.memory_space<vmem>>, vector<16xf32>,
      tpu.vector_store_idx %arg10[%get3A_128], %get3A_136 {add = true} : memref<10000xf32, #tpu.memory_space<vmem>>[vector<16xi32>], vector<16xf32>,
      %mul3A_137 = arith.constant 8 : i32
      %mul3A_138 = arith.muli %scan3A_25, %mul3A_137 : i32
      %add3A_139 = arith.constant 7 : i32
      %add3A_140 = arith.addi %mul3A_138, %add3A_139 : i32
      %mul3A_141 = arith.constant 16 : i32
      %mul3A_142 = arith.muli %add3A_140, %mul3A_141 : i32
      %get3A_143 = arith.index_cast %mul3A_142 : i32 to index
      %get3A_144 = tpu.vector_load %arg6[%get3A_143] {strides = array<i32>} : memref<6400xi32, #tpu.memory_space<vmem>>, vector<16xi32>,
      %mul3A_145 = arith.constant 8 : i32
      %mul3A_146 = arith.muli %scan3A_25, %mul3A_145 : i32
      %add3A_147 = arith.constant 7 : i32
      %add3A_148 = arith.addi %mul3A_146, %add3A_147 : i32
      %mul3A_149 = arith.constant 16 : i32
      %mul3A_150 = arith.muli %add3A_148, %mul3A_149 : i32
      %get3A_151 = arith.index_cast %mul3A_150 : i32 to index
      %get3A_152 = tpu.vector_load %arg7[%get3A_151] {strides = array<i32>} : memref<6400xf32, #tpu.memory_space<vmem>>, vector<16xf32>,
      tpu.vector_store_idx %arg10[%get3A_144], %get3A_152 {add = true} : memref<10000xf32, #tpu.memory_space<vmem>>[vector<16xi32>], vector<16xf32>,
    }
    %scan3A_24 = arith.constant 50 : i32
    "tpu.region"() ({
      %run_scoped3A = tpu.sem_alloc : memref<!tpu.dma_semaphore, #tpu.memory_space<semaphore_mem>>
      %dma_start3A_25 = arith.constant 0 : i32
      %dma_start3A_26 = tpu.memref_slice %arg5[%arg0, %arg1, %dma_start3A_25] : memref<2x16x10000xf32, #tpu.memory_space<hbm>> -> memref<1x1x10000xf32, #tpu.memory_space<hbm>>
      %dma_start3A_27 = tpu.memref_squeeze %dma_start3A_26 : memref<1x1x10000xf32, #tpu.memory_space<hbm>> -> memref<10000xf32, #tpu.memory_space<hbm>>
      %dma_start3A_28 = arith.constant 0 : i32
      %dma_start3A_29 = tpu.memref_slice %arg5[%arg0, %arg1, %dma_start3A_28] : memref<2x16x10000xf32, #tpu.memory_space<hbm>> -> memref<1x1x10000xf32, #tpu.memory_space<hbm>>
      %dma_start3A_30 = tpu.memref_squeeze %dma_start3A_29 : memref<1x1x10000xf32, #tpu.memory_space<hbm>> -> memref<10000xf32, #tpu.memory_space<hbm>>
      tpu.enqueue_dma source(%arg10 : memref<10000xf32, #tpu.memory_space<vmem>>) target(%dma_start3A_30 : memref<10000xf32, #tpu.memory_space<hbm>>) target_semaphore(%run_scoped3A : memref<!tpu.dma_semaphore, #tpu.memory_space<semaphore_mem>>)
      %dma_wait3A_31 = arith.constant 0 : i32
      %dma_wait3A_32 = tpu.memref_slice %arg5[%arg0, %arg1, %dma_wait3A_31] : memref<2x16x10000xf32, #tpu.memory_space<hbm>> -> memref<1x1x10000xf32, #tpu.memory_space<hbm>>
      %dma_wait3A_33 = tpu.memref_squeeze %dma_wait3A_32 : memref<1x1x10000xf32, #tpu.memory_space<hbm>> -> memref<10000xf32, #tpu.memory_space<hbm>>
      %dma_wait3A_34 = arith.constant 0 : i32
      %dma_wait3A_35 = tpu.memref_slice %arg5[%arg0, %arg1, %dma_wait3A_34] : memref<2x16x10000xf32, #tpu.memory_space<hbm>> -> memref<1x1x10000xf32, #tpu.memory_space<hbm>>
      %dma_wait3A_36 = tpu.memref_squeeze %dma_wait3A_35 : memref<1x1x10000xf32, #tpu.memory_space<hbm>> -> memref<10000xf32, #tpu.memory_space<hbm>>
      tpu.wait_dma2 semaphore(%run_scoped3A : memref<!tpu.dma_semaphore, #tpu.memory_space<semaphore_mem>>) src(%arg10 : memref<10000xf32, #tpu.memory_space<vmem>>) dst(%dma_wait3A_36 : memref<10000xf32, #tpu.memory_space<hbm>>)
      tpu.yield
    }) : () -> ()
    return
  }
}

#map = affine_map<(d0, d1) -> (0, 0)>
#map1 = affine_map<(d0, d1) -> (0)>
module attributes {stable_mosaic.version = 14 : i64} {
  func.func @_sc_gather(%arg0: i32, %arg1: i32, %arg2: memref<10000x64xi32, #tpu.memory_space<hbm>>, %arg3: memref<10000x64xi32, #tpu.memory_space<hbm>>, %arg4: memref<320000xi32, #tpu.memory_space<hbm>>, %arg5: memref<320000xi32, #tpu.memory_space<hbm>>, %arg6: memref<320000x64xi32, #tpu.memory_space<hbm>>, %arg7: memref<400xi32, #tpu.memory_space<vmem>>, %arg8: memref<400xi32, #tpu.memory_space<vmem>>, %arg9: memref<400xi32, #tpu.memory_space<vmem>>, %arg10: memref<400xi32, #tpu.memory_space<vmem>>, %arg11: memref<400x64xi32, #tpu.memory_space<vmem>>, %arg12: memref<400x64xi32, #tpu.memory_space<vmem>>, %arg13: memref<400x64xi32, #tpu.memory_space<vmem>>, %arg14: memref<400x64xi32, #tpu.memory_space<vmem>>, %arg15: memref<!tpu.dma_semaphore, #tpu.memory_space<semaphore_mem>>, %arg16: memref<!tpu.dma_semaphore, #tpu.memory_space<semaphore_mem>>, %arg17: memref<!tpu.dma_semaphore, #tpu.memory_space<semaphore_mem>>, %arg18: memref<!tpu.dma_semaphore, #tpu.memory_space<semaphore_mem>>) attributes {dimension_semantics = [#tpu.dimension_semantics<core_parallel>, #tpu.dimension_semantics<subcore_parallel>], iteration_bounds = array<i64: 2, 16>, scalar_prefetch = 0 : i64, scratch_operands = 12 : i64, tpu.core_type = #tpu.core_type<sc_vector_subcore>, window_params = [{transform_indices = #map}, {transform_indices = #map}, {transform_indices = #map1}, {transform_indices = #map1}, {transform_indices = #map}]} {
    %mul3A = arith.constant 2 : i32
    %mul3A_0 = arith.muli %arg1, %mul3A : i32
    %add3A = arith.addi %mul3A_0, %arg0 : i32
    %mul3A_1 = arith.constant 25 : i32
    %mul3A_2 = arith.muli %add3A, %mul3A_1 : i32
    %scan3A = arith.constant 0 : i32
    %scan3A_3 = arith.constant 0 : i32
    %scan3A_4 = arith.constant 12 : i32
    %scan3A_5 = arith.addi %scan3A_3, %scan3A_4 : i32
    %scan3A_6 = arith.constant 1 : i32
    scf.for %scan3A_134 = %scan3A_3 to %scan3A_5 step %scan3A_6  : i32 {
      %mul3A_135 = arith.constant 2 : i32
      %mul3A_136 = arith.muli %mul3A_135, %scan3A_134 : i32
      %add3A_137 = arith.addi %mul3A_2, %mul3A_136 : i32
      %add3A_138 = arith.constant 1 : i32
      %add3A_139 = arith.addi %add3A_137, %add3A_138 : i32
      %gt3A = arith.constant 0 : i32
      %gt3A_140 = arith.cmpi sgt, %scan3A_134, %gt3A : i32
      %convert_element_type3A = arith.extui %gt3A_140 : i1 to i32
      %cond3A = arith.constant 0 : i32
      %cond3A_141 = arith.cmpi ne, %convert_element_type3A, %cond3A : i32
      scf.if %cond3A_141 {
        %dma_wait3A_363 = arith.constant 0 : i32
        %dma_wait3A_364 = arith.constant 0 : i32
        %dma_wait3A_365 = tpu.memref_slice %arg6[%dma_wait3A_363, %dma_wait3A_364] : memref<320000x64xi32, #tpu.memory_space<hbm>> -> memref<400x64xi32, #tpu.memory_space<hbm>>
        %dma_wait3A_366 = arith.constant 0 : i32
        %dma_wait3A_367 = arith.constant 0 : i32
        %dma_wait3A_368 = tpu.memref_slice %arg6[%dma_wait3A_366, %dma_wait3A_367] : memref<320000x64xi32, #tpu.memory_space<hbm>> -> memref<400x64xi32, #tpu.memory_space<hbm>>
        tpu.wait_dma2 semaphore(%arg17 : memref<!tpu.dma_semaphore, #tpu.memory_space<semaphore_mem>>) src(%arg11 : memref<400x64xi32, #tpu.memory_space<vmem>>) dst(%dma_wait3A_368 : memref<400x64xi32, #tpu.memory_space<hbm>>)
      } else {
      }
      %mul3A_142 = arith.constant 400 : i32
      %mul3A_143 = arith.muli %add3A_137, %mul3A_142 : i32
      "tpu.region"() ({
        %run_scoped3A = tpu.sem_alloc : memref<!tpu.dma_semaphore, #tpu.memory_space<semaphore_mem>>
        %dma_start3A_363 = tpu.memref_slice %arg4[%mul3A_143] : memref<320000xi32, #tpu.memory_space<hbm>> -> memref<400xi32, #tpu.memory_space<hbm>>
        %dma_start3A_364 = tpu.memref_slice %arg4[%mul3A_143] : memref<320000xi32, #tpu.memory_space<hbm>> -> memref<400xi32, #tpu.memory_space<hbm>>
        tpu.enqueue_dma source(%dma_start3A_364 : memref<400xi32, #tpu.memory_space<hbm>>) target(%arg7 : memref<400xi32, #tpu.memory_space<vmem>>) target_semaphore(%run_scoped3A : memref<!tpu.dma_semaphore, #tpu.memory_space<semaphore_mem>>)
        %dma_wait3A_365 = tpu.memref_slice %arg4[%mul3A_143] : memref<320000xi32, #tpu.memory_space<hbm>> -> memref<400xi32, #tpu.memory_space<hbm>>
        %dma_wait3A_366 = tpu.memref_slice %arg4[%mul3A_143] : memref<320000xi32, #tpu.memory_space<hbm>> -> memref<400xi32, #tpu.memory_space<hbm>>
        tpu.wait_dma2 semaphore(%run_scoped3A : memref<!tpu.dma_semaphore, #tpu.memory_space<semaphore_mem>>) src(%dma_wait3A_366 : memref<400xi32, #tpu.memory_space<hbm>>) dst(%arg7 : memref<400xi32, #tpu.memory_space<vmem>>)
        tpu.yield
      }) : () -> ()
      %mul3A_144 = arith.constant 400 : i32
      %mul3A_145 = arith.muli %add3A_137, %mul3A_144 : i32
      "tpu.region"() ({
        %run_scoped3A = tpu.sem_alloc : memref<!tpu.dma_semaphore, #tpu.memory_space<semaphore_mem>>
        %dma_start3A_363 = tpu.memref_slice %arg5[%mul3A_145] : memref<320000xi32, #tpu.memory_space<hbm>> -> memref<400xi32, #tpu.memory_space<hbm>>
        %dma_start3A_364 = tpu.memref_slice %arg5[%mul3A_145] : memref<320000xi32, #tpu.memory_space<hbm>> -> memref<400xi32, #tpu.memory_space<hbm>>
        tpu.enqueue_dma source(%dma_start3A_364 : memref<400xi32, #tpu.memory_space<hbm>>) target(%arg8 : memref<400xi32, #tpu.memory_space<vmem>>) target_semaphore(%run_scoped3A : memref<!tpu.dma_semaphore, #tpu.memory_space<semaphore_mem>>)
        %dma_wait3A_365 = tpu.memref_slice %arg5[%mul3A_145] : memref<320000xi32, #tpu.memory_space<hbm>> -> memref<400xi32, #tpu.memory_space<hbm>>
        %dma_wait3A_366 = tpu.memref_slice %arg5[%mul3A_145] : memref<320000xi32, #tpu.memory_space<hbm>> -> memref<400xi32, #tpu.memory_space<hbm>>
        tpu.wait_dma2 semaphore(%run_scoped3A : memref<!tpu.dma_semaphore, #tpu.memory_space<semaphore_mem>>) src(%dma_wait3A_366 : memref<400xi32, #tpu.memory_space<hbm>>) dst(%arg8 : memref<400xi32, #tpu.memory_space<vmem>>)
        tpu.yield
      }) : () -> ()
      %dma_start3A_146 = arith.constant 0 : i32
      %dma_start3A_147 = arith.constant 0 : i32
      %dma_start3A_148 = tpu.memref_slice %arg11[%dma_start3A_146, %dma_start3A_147] : memref<400x64xi32, #tpu.memory_space<vmem>> -> memref<80x64xi32, #tpu.memory_space<vmem>>
      %dma_start3A_149 = arith.constant 0 : i32
      %dma_start3A_150 = tpu.memref_slice %arg7[%dma_start3A_149] : memref<400xi32, #tpu.memory_space<vmem>> -> memref<80xi32, #tpu.memory_space<vmem>>
      %dma_start3A_151 = arith.constant 0 : i32
      %dma_start3A_152 = arith.constant 0 : i32
      %dma_start3A_153 = tpu.memref_slice %arg2[%dma_start3A_151, %dma_start3A_152] : memref<10000x64xi32, #tpu.memory_space<hbm>> -> memref<10000x64xi32, #tpu.memory_space<hbm>>
      tpu.enqueue_indirect_dma source(%dma_start3A_153 : memref<10000x64xi32, #tpu.memory_space<hbm>>) target(%dma_start3A_148 : memref<80x64xi32, #tpu.memory_space<vmem>>) offsets(%dma_start3A_150 : memref<80xi32, #tpu.memory_space<vmem>>) semaphore(%arg15 : memref<!tpu.dma_semaphore, #tpu.memory_space<semaphore_mem>>)
      %dma_start3A_154 = arith.constant 0 : i32
      %dma_start3A_155 = arith.constant 0 : i32
      %dma_start3A_156 = tpu.memref_slice %arg12[%dma_start3A_154, %dma_start3A_155] : memref<400x64xi32, #tpu.memory_space<vmem>> -> memref<80x64xi32, #tpu.memory_space<vmem>>
      %dma_start3A_157 = arith.constant 0 : i32
      %dma_start3A_158 = tpu.memref_slice %arg8[%dma_start3A_157] : memref<400xi32, #tpu.memory_space<vmem>> -> memref<80xi32, #tpu.memory_space<vmem>>
      %dma_start3A_159 = arith.constant 0 : i32
      %dma_start3A_160 = arith.constant 0 : i32
      %dma_start3A_161 = tpu.memref_slice %arg3[%dma_start3A_159, %dma_start3A_160] : memref<10000x64xi32, #tpu.memory_space<hbm>> -> memref<10000x64xi32, #tpu.memory_space<hbm>>
      tpu.enqueue_indirect_dma source(%dma_start3A_161 : memref<10000x64xi32, #tpu.memory_space<hbm>>) target(%dma_start3A_156 : memref<80x64xi32, #tpu.memory_space<vmem>>) offsets(%dma_start3A_158 : memref<80xi32, #tpu.memory_space<vmem>>) semaphore(%arg15 : memref<!tpu.dma_semaphore, #tpu.memory_space<semaphore_mem>>)
      %dma_start3A_162 = arith.constant 80 : i32
      %dma_start3A_163 = arith.constant 0 : i32
      %dma_start3A_164 = tpu.memref_slice %arg11[%dma_start3A_162, %dma_start3A_163] : memref<400x64xi32, #tpu.memory_space<vmem>> -> memref<80x64xi32, #tpu.memory_space<vmem>>
      %dma_start3A_165 = arith.constant 80 : i32
      %dma_start3A_166 = tpu.memref_slice %arg7[%dma_start3A_165] : memref<400xi32, #tpu.memory_space<vmem>> -> memref<80xi32, #tpu.memory_space<vmem>>
      %dma_start3A_167 = arith.constant 0 : i32
      %dma_start3A_168 = arith.constant 0 : i32
      %dma_start3A_169 = tpu.memref_slice %arg2[%dma_start3A_167, %dma_start3A_168] : memref<10000x64xi32, #tpu.memory_space<hbm>> -> memref<10000x64xi32, #tpu.memory_space<hbm>>
      tpu.enqueue_indirect_dma source(%dma_start3A_169 : memref<10000x64xi32, #tpu.memory_space<hbm>>) target(%dma_start3A_164 : memref<80x64xi32, #tpu.memory_space<vmem>>) offsets(%dma_start3A_166 : memref<80xi32, #tpu.memory_space<vmem>>) semaphore(%arg15 : memref<!tpu.dma_semaphore, #tpu.memory_space<semaphore_mem>>)
      %dma_start3A_170 = arith.constant 80 : i32
      %dma_start3A_171 = arith.constant 0 : i32
      %dma_start3A_172 = tpu.memref_slice %arg12[%dma_start3A_170, %dma_start3A_171] : memref<400x64xi32, #tpu.memory_space<vmem>> -> memref<80x64xi32, #tpu.memory_space<vmem>>
      %dma_start3A_173 = arith.constant 80 : i32
      %dma_start3A_174 = tpu.memref_slice %arg8[%dma_start3A_173] : memref<400xi32, #tpu.memory_space<vmem>> -> memref<80xi32, #tpu.memory_space<vmem>>
      %dma_start3A_175 = arith.constant 0 : i32
      %dma_start3A_176 = arith.constant 0 : i32
      %dma_start3A_177 = tpu.memref_slice %arg3[%dma_start3A_175, %dma_start3A_176] : memref<10000x64xi32, #tpu.memory_space<hbm>> -> memref<10000x64xi32, #tpu.memory_space<hbm>>
      tpu.enqueue_indirect_dma source(%dma_start3A_177 : memref<10000x64xi32, #tpu.memory_space<hbm>>) target(%dma_start3A_172 : memref<80x64xi32, #tpu.memory_space<vmem>>) offsets(%dma_start3A_174 : memref<80xi32, #tpu.memory_space<vmem>>) semaphore(%arg15 : memref<!tpu.dma_semaphore, #tpu.memory_space<semaphore_mem>>)
      %dma_start3A_178 = arith.constant 160 : i32
      %dma_start3A_179 = arith.constant 0 : i32
      %dma_start3A_180 = tpu.memref_slice %arg11[%dma_start3A_178, %dma_start3A_179] : memref<400x64xi32, #tpu.memory_space<vmem>> -> memref<80x64xi32, #tpu.memory_space<vmem>>
      %dma_start3A_181 = arith.constant 160 : i32
      %dma_start3A_182 = tpu.memref_slice %arg7[%dma_start3A_181] : memref<400xi32, #tpu.memory_space<vmem>> -> memref<80xi32, #tpu.memory_space<vmem>>
      %dma_start3A_183 = arith.constant 0 : i32
      %dma_start3A_184 = arith.constant 0 : i32
      %dma_start3A_185 = tpu.memref_slice %arg2[%dma_start3A_183, %dma_start3A_184] : memref<10000x64xi32, #tpu.memory_space<hbm>> -> memref<10000x64xi32, #tpu.memory_space<hbm>>
      tpu.enqueue_indirect_dma source(%dma_start3A_185 : memref<10000x64xi32, #tpu.memory_space<hbm>>) target(%dma_start3A_180 : memref<80x64xi32, #tpu.memory_space<vmem>>) offsets(%dma_start3A_182 : memref<80xi32, #tpu.memory_space<vmem>>) semaphore(%arg15 : memref<!tpu.dma_semaphore, #tpu.memory_space<semaphore_mem>>)
      %dma_start3A_186 = arith.constant 160 : i32
      %dma_start3A_187 = arith.constant 0 : i32
      %dma_start3A_188 = tpu.memref_slice %arg12[%dma_start3A_186, %dma_start3A_187] : memref<400x64xi32, #tpu.memory_space<vmem>> -> memref<80x64xi32, #tpu.memory_space<vmem>>
      %dma_start3A_189 = arith.constant 160 : i32
      %dma_start3A_190 = tpu.memref_slice %arg8[%dma_start3A_189] : memref<400xi32, #tpu.memory_space<vmem>> -> memref<80xi32, #tpu.memory_space<vmem>>
      %dma_start3A_191 = arith.constant 0 : i32
      %dma_start3A_192 = arith.constant 0 : i32
      %dma_start3A_193 = tpu.memref_slice %arg3[%dma_start3A_191, %dma_start3A_192] : memref<10000x64xi32, #tpu.memory_space<hbm>> -> memref<10000x64xi32, #tpu.memory_space<hbm>>
      tpu.enqueue_indirect_dma source(%dma_start3A_193 : memref<10000x64xi32, #tpu.memory_space<hbm>>) target(%dma_start3A_188 : memref<80x64xi32, #tpu.memory_space<vmem>>) offsets(%dma_start3A_190 : memref<80xi32, #tpu.memory_space<vmem>>) semaphore(%arg15 : memref<!tpu.dma_semaphore, #tpu.memory_space<semaphore_mem>>)
      %dma_start3A_194 = arith.constant 240 : i32
      %dma_start3A_195 = arith.constant 0 : i32
      %dma_start3A_196 = tpu.memref_slice %arg11[%dma_start3A_194, %dma_start3A_195] : memref<400x64xi32, #tpu.memory_space<vmem>> -> memref<80x64xi32, #tpu.memory_space<vmem>>
      %dma_start3A_197 = arith.constant 240 : i32
      %dma_start3A_198 = tpu.memref_slice %arg7[%dma_start3A_197] : memref<400xi32, #tpu.memory_space<vmem>> -> memref<80xi32, #tpu.memory_space<vmem>>
      %dma_start3A_199 = arith.constant 0 : i32
      %dma_start3A_200 = arith.constant 0 : i32
      %dma_start3A_201 = tpu.memref_slice %arg2[%dma_start3A_199, %dma_start3A_200] : memref<10000x64xi32, #tpu.memory_space<hbm>> -> memref<10000x64xi32, #tpu.memory_space<hbm>>
      tpu.enqueue_indirect_dma source(%dma_start3A_201 : memref<10000x64xi32, #tpu.memory_space<hbm>>) target(%dma_start3A_196 : memref<80x64xi32, #tpu.memory_space<vmem>>) offsets(%dma_start3A_198 : memref<80xi32, #tpu.memory_space<vmem>>) semaphore(%arg15 : memref<!tpu.dma_semaphore, #tpu.memory_space<semaphore_mem>>)
      %dma_start3A_202 = arith.constant 240 : i32
      %dma_start3A_203 = arith.constant 0 : i32
      %dma_start3A_204 = tpu.memref_slice %arg12[%dma_start3A_202, %dma_start3A_203] : memref<400x64xi32, #tpu.memory_space<vmem>> -> memref<80x64xi32, #tpu.memory_space<vmem>>
      %dma_start3A_205 = arith.constant 240 : i32
      %dma_start3A_206 = tpu.memref_slice %arg8[%dma_start3A_205] : memref<400xi32, #tpu.memory_space<vmem>> -> memref<80xi32, #tpu.memory_space<vmem>>
      %dma_start3A_207 = arith.constant 0 : i32
      %dma_start3A_208 = arith.constant 0 : i32
      %dma_start3A_209 = tpu.memref_slice %arg3[%dma_start3A_207, %dma_start3A_208] : memref<10000x64xi32, #tpu.memory_space<hbm>> -> memref<10000x64xi32, #tpu.memory_space<hbm>>
      tpu.enqueue_indirect_dma source(%dma_start3A_209 : memref<10000x64xi32, #tpu.memory_space<hbm>>) target(%dma_start3A_204 : memref<80x64xi32, #tpu.memory_space<vmem>>) offsets(%dma_start3A_206 : memref<80xi32, #tpu.memory_space<vmem>>) semaphore(%arg15 : memref<!tpu.dma_semaphore, #tpu.memory_space<semaphore_mem>>)
      %dma_start3A_210 = arith.constant 320 : i32
      %dma_start3A_211 = arith.constant 0 : i32
      %dma_start3A_212 = tpu.memref_slice %arg11[%dma_start3A_210, %dma_start3A_211] : memref<400x64xi32, #tpu.memory_space<vmem>> -> memref<80x64xi32, #tpu.memory_space<vmem>>
      %dma_start3A_213 = arith.constant 320 : i32
      %dma_start3A_214 = tpu.memref_slice %arg7[%dma_start3A_213] : memref<400xi32, #tpu.memory_space<vmem>> -> memref<80xi32, #tpu.memory_space<vmem>>
      %dma_start3A_215 = arith.constant 0 : i32
      %dma_start3A_216 = arith.constant 0 : i32
      %dma_start3A_217 = tpu.memref_slice %arg2[%dma_start3A_215, %dma_start3A_216] : memref<10000x64xi32, #tpu.memory_space<hbm>> -> memref<10000x64xi32, #tpu.memory_space<hbm>>
      tpu.enqueue_indirect_dma source(%dma_start3A_217 : memref<10000x64xi32, #tpu.memory_space<hbm>>) target(%dma_start3A_212 : memref<80x64xi32, #tpu.memory_space<vmem>>) offsets(%dma_start3A_214 : memref<80xi32, #tpu.memory_space<vmem>>) semaphore(%arg15 : memref<!tpu.dma_semaphore, #tpu.memory_space<semaphore_mem>>)
      %dma_start3A_218 = arith.constant 320 : i32
      %dma_start3A_219 = arith.constant 0 : i32
      %dma_start3A_220 = tpu.memref_slice %arg12[%dma_start3A_218, %dma_start3A_219] : memref<400x64xi32, #tpu.memory_space<vmem>> -> memref<80x64xi32, #tpu.memory_space<vmem>>
      %dma_start3A_221 = arith.constant 320 : i32
      %dma_start3A_222 = tpu.memref_slice %arg8[%dma_start3A_221] : memref<400xi32, #tpu.memory_space<vmem>> -> memref<80xi32, #tpu.memory_space<vmem>>
      %dma_start3A_223 = arith.constant 0 : i32
      %dma_start3A_224 = arith.constant 0 : i32
      %dma_start3A_225 = tpu.memref_slice %arg3[%dma_start3A_223, %dma_start3A_224] : memref<10000x64xi32, #tpu.memory_space<hbm>> -> memref<10000x64xi32, #tpu.memory_space<hbm>>
      tpu.enqueue_indirect_dma source(%dma_start3A_225 : memref<10000x64xi32, #tpu.memory_space<hbm>>) target(%dma_start3A_220 : memref<80x64xi32, #tpu.memory_space<vmem>>) offsets(%dma_start3A_222 : memref<80xi32, #tpu.memory_space<vmem>>) semaphore(%arg15 : memref<!tpu.dma_semaphore, #tpu.memory_space<semaphore_mem>>)
      %gt3A_226 = arith.constant 0 : i32
      %gt3A_227 = arith.cmpi sgt, %scan3A_134, %gt3A_226 : i32
      %convert_element_type3A_228 = arith.extui %gt3A_227 : i1 to i32
      %cond3A_229 = arith.constant 0 : i32
      %cond3A_230 = arith.cmpi ne, %convert_element_type3A_228, %cond3A_229 : i32
      scf.if %cond3A_230 {
        %dma_wait3A_363 = arith.constant 0 : i32
        %dma_wait3A_364 = arith.constant 0 : i32
        %dma_wait3A_365 = tpu.memref_slice %arg6[%dma_wait3A_363, %dma_wait3A_364] : memref<320000x64xi32, #tpu.memory_space<hbm>> -> memref<400x64xi32, #tpu.memory_space<hbm>>
        %dma_wait3A_366 = arith.constant 0 : i32
        %dma_wait3A_367 = arith.constant 0 : i32
        %dma_wait3A_368 = tpu.memref_slice %arg6[%dma_wait3A_366, %dma_wait3A_367] : memref<320000x64xi32, #tpu.memory_space<hbm>> -> memref<400x64xi32, #tpu.memory_space<hbm>>
        tpu.wait_dma2 semaphore(%arg18 : memref<!tpu.dma_semaphore, #tpu.memory_space<semaphore_mem>>) src(%arg13 : memref<400x64xi32, #tpu.memory_space<vmem>>) dst(%dma_wait3A_368 : memref<400x64xi32, #tpu.memory_space<hbm>>)
      } else {
      }
      %mul3A_231 = arith.constant 400 : i32
      %mul3A_232 = arith.muli %add3A_139, %mul3A_231 : i32
      "tpu.region"() ({
        %run_scoped3A = tpu.sem_alloc : memref<!tpu.dma_semaphore, #tpu.memory_space<semaphore_mem>>
        %dma_start3A_363 = tpu.memref_slice %arg4[%mul3A_232] : memref<320000xi32, #tpu.memory_space<hbm>> -> memref<400xi32, #tpu.memory_space<hbm>>
        %dma_start3A_364 = tpu.memref_slice %arg4[%mul3A_232] : memref<320000xi32, #tpu.memory_space<hbm>> -> memref<400xi32, #tpu.memory_space<hbm>>
        tpu.enqueue_dma source(%dma_start3A_364 : memref<400xi32, #tpu.memory_space<hbm>>) target(%arg9 : memref<400xi32, #tpu.memory_space<vmem>>) target_semaphore(%run_scoped3A : memref<!tpu.dma_semaphore, #tpu.memory_space<semaphore_mem>>)
        %dma_wait3A_365 = tpu.memref_slice %arg4[%mul3A_232] : memref<320000xi32, #tpu.memory_space<hbm>> -> memref<400xi32, #tpu.memory_space<hbm>>
        %dma_wait3A_366 = tpu.memref_slice %arg4[%mul3A_232] : memref<320000xi32, #tpu.memory_space<hbm>> -> memref<400xi32, #tpu.memory_space<hbm>>
        tpu.wait_dma2 semaphore(%run_scoped3A : memref<!tpu.dma_semaphore, #tpu.memory_space<semaphore_mem>>) src(%dma_wait3A_366 : memref<400xi32, #tpu.memory_space<hbm>>) dst(%arg9 : memref<400xi32, #tpu.memory_space<vmem>>)
        tpu.yield
      }) : () -> ()
      %mul3A_233 = arith.constant 400 : i32
      %mul3A_234 = arith.muli %add3A_139, %mul3A_233 : i32
      "tpu.region"() ({
        %run_scoped3A = tpu.sem_alloc : memref<!tpu.dma_semaphore, #tpu.memory_space<semaphore_mem>>
        %dma_start3A_363 = tpu.memref_slice %arg5[%mul3A_234] : memref<320000xi32, #tpu.memory_space<hbm>> -> memref<400xi32, #tpu.memory_space<hbm>>
        %dma_start3A_364 = tpu.memref_slice %arg5[%mul3A_234] : memref<320000xi32, #tpu.memory_space<hbm>> -> memref<400xi32, #tpu.memory_space<hbm>>
        tpu.enqueue_dma source(%dma_start3A_364 : memref<400xi32, #tpu.memory_space<hbm>>) target(%arg10 : memref<400xi32, #tpu.memory_space<vmem>>) target_semaphore(%run_scoped3A : memref<!tpu.dma_semaphore, #tpu.memory_space<semaphore_mem>>)
        %dma_wait3A_365 = tpu.memref_slice %arg5[%mul3A_234] : memref<320000xi32, #tpu.memory_space<hbm>> -> memref<400xi32, #tpu.memory_space<hbm>>
        %dma_wait3A_366 = tpu.memref_slice %arg5[%mul3A_234] : memref<320000xi32, #tpu.memory_space<hbm>> -> memref<400xi32, #tpu.memory_space<hbm>>
        tpu.wait_dma2 semaphore(%run_scoped3A : memref<!tpu.dma_semaphore, #tpu.memory_space<semaphore_mem>>) src(%dma_wait3A_366 : memref<400xi32, #tpu.memory_space<hbm>>) dst(%arg10 : memref<400xi32, #tpu.memory_space<vmem>>)
        tpu.yield
      }) : () -> ()
      %dma_start3A_235 = arith.constant 0 : i32
      %dma_start3A_236 = arith.constant 0 : i32
      %dma_start3A_237 = tpu.memref_slice %arg13[%dma_start3A_235, %dma_start3A_236] : memref<400x64xi32, #tpu.memory_space<vmem>> -> memref<80x64xi32, #tpu.memory_space<vmem>>
      %dma_start3A_238 = arith.constant 0 : i32
      %dma_start3A_239 = tpu.memref_slice %arg9[%dma_start3A_238] : memref<400xi32, #tpu.memory_space<vmem>> -> memref<80xi32, #tpu.memory_space<vmem>>
      %dma_start3A_240 = arith.constant 0 : i32
      %dma_start3A_241 = arith.constant 0 : i32
      %dma_start3A_242 = tpu.memref_slice %arg2[%dma_start3A_240, %dma_start3A_241] : memref<10000x64xi32, #tpu.memory_space<hbm>> -> memref<10000x64xi32, #tpu.memory_space<hbm>>
      tpu.enqueue_indirect_dma source(%dma_start3A_242 : memref<10000x64xi32, #tpu.memory_space<hbm>>) target(%dma_start3A_237 : memref<80x64xi32, #tpu.memory_space<vmem>>) offsets(%dma_start3A_239 : memref<80xi32, #tpu.memory_space<vmem>>) semaphore(%arg16 : memref<!tpu.dma_semaphore, #tpu.memory_space<semaphore_mem>>)
      %dma_start3A_243 = arith.constant 0 : i32
      %dma_start3A_244 = arith.constant 0 : i32
      %dma_start3A_245 = tpu.memref_slice %arg14[%dma_start3A_243, %dma_start3A_244] : memref<400x64xi32, #tpu.memory_space<vmem>> -> memref<80x64xi32, #tpu.memory_space<vmem>>
      %dma_start3A_246 = arith.constant 0 : i32
      %dma_start3A_247 = tpu.memref_slice %arg10[%dma_start3A_246] : memref<400xi32, #tpu.memory_space<vmem>> -> memref<80xi32, #tpu.memory_space<vmem>>
      %dma_start3A_248 = arith.constant 0 : i32
      %dma_start3A_249 = arith.constant 0 : i32
      %dma_start3A_250 = tpu.memref_slice %arg3[%dma_start3A_248, %dma_start3A_249] : memref<10000x64xi32, #tpu.memory_space<hbm>> -> memref<10000x64xi32, #tpu.memory_space<hbm>>
      tpu.enqueue_indirect_dma source(%dma_start3A_250 : memref<10000x64xi32, #tpu.memory_space<hbm>>) target(%dma_start3A_245 : memref<80x64xi32, #tpu.memory_space<vmem>>) offsets(%dma_start3A_247 : memref<80xi32, #tpu.memory_space<vmem>>) semaphore(%arg16 : memref<!tpu.dma_semaphore, #tpu.memory_space<semaphore_mem>>)
      %dma_start3A_251 = arith.constant 80 : i32
      %dma_start3A_252 = arith.constant 0 : i32
      %dma_start3A_253 = tpu.memref_slice %arg13[%dma_start3A_251, %dma_start3A_252] : memref<400x64xi32, #tpu.memory_space<vmem>> -> memref<80x64xi32, #tpu.memory_space<vmem>>
      %dma_start3A_254 = arith.constant 80 : i32
      %dma_start3A_255 = tpu.memref_slice %arg9[%dma_start3A_254] : memref<400xi32, #tpu.memory_space<vmem>> -> memref<80xi32, #tpu.memory_space<vmem>>
      %dma_start3A_256 = arith.constant 0 : i32
      %dma_start3A_257 = arith.constant 0 : i32
      %dma_start3A_258 = tpu.memref_slice %arg2[%dma_start3A_256, %dma_start3A_257] : memref<10000x64xi32, #tpu.memory_space<hbm>> -> memref<10000x64xi32, #tpu.memory_space<hbm>>
      tpu.enqueue_indirect_dma source(%dma_start3A_258 : memref<10000x64xi32, #tpu.memory_space<hbm>>) target(%dma_start3A_253 : memref<80x64xi32, #tpu.memory_space<vmem>>) offsets(%dma_start3A_255 : memref<80xi32, #tpu.memory_space<vmem>>) semaphore(%arg16 : memref<!tpu.dma_semaphore, #tpu.memory_space<semaphore_mem>>)
      %dma_start3A_259 = arith.constant 80 : i32
      %dma_start3A_260 = arith.constant 0 : i32
      %dma_start3A_261 = tpu.memref_slice %arg14[%dma_start3A_259, %dma_start3A_260] : memref<400x64xi32, #tpu.memory_space<vmem>> -> memref<80x64xi32, #tpu.memory_space<vmem>>
      %dma_start3A_262 = arith.constant 80 : i32
      %dma_start3A_263 = tpu.memref_slice %arg10[%dma_start3A_262] : memref<400xi32, #tpu.memory_space<vmem>> -> memref<80xi32, #tpu.memory_space<vmem>>
      %dma_start3A_264 = arith.constant 0 : i32
      %dma_start3A_265 = arith.constant 0 : i32
      %dma_start3A_266 = tpu.memref_slice %arg3[%dma_start3A_264, %dma_start3A_265] : memref<10000x64xi32, #tpu.memory_space<hbm>> -> memref<10000x64xi32, #tpu.memory_space<hbm>>
      tpu.enqueue_indirect_dma source(%dma_start3A_266 : memref<10000x64xi32, #tpu.memory_space<hbm>>) target(%dma_start3A_261 : memref<80x64xi32, #tpu.memory_space<vmem>>) offsets(%dma_start3A_263 : memref<80xi32, #tpu.memory_space<vmem>>) semaphore(%arg16 : memref<!tpu.dma_semaphore, #tpu.memory_space<semaphore_mem>>)
      %dma_start3A_267 = arith.constant 160 : i32
      %dma_start3A_268 = arith.constant 0 : i32
      %dma_start3A_269 = tpu.memref_slice %arg13[%dma_start3A_267, %dma_start3A_268] : memref<400x64xi32, #tpu.memory_space<vmem>> -> memref<80x64xi32, #tpu.memory_space<vmem>>
      %dma_start3A_270 = arith.constant 160 : i32
      %dma_start3A_271 = tpu.memref_slice %arg9[%dma_start3A_270] : memref<400xi32, #tpu.memory_space<vmem>> -> memref<80xi32, #tpu.memory_space<vmem>>
      %dma_start3A_272 = arith.constant 0 : i32
      %dma_start3A_273 = arith.constant 0 : i32
      %dma_start3A_274 = tpu.memref_slice %arg2[%dma_start3A_272, %dma_start3A_273] : memref<10000x64xi32, #tpu.memory_space<hbm>> -> memref<10000x64xi32, #tpu.memory_space<hbm>>
      tpu.enqueue_indirect_dma source(%dma_start3A_274 : memref<10000x64xi32, #tpu.memory_space<hbm>>) target(%dma_start3A_269 : memref<80x64xi32, #tpu.memory_space<vmem>>) offsets(%dma_start3A_271 : memref<80xi32, #tpu.memory_space<vmem>>) semaphore(%arg16 : memref<!tpu.dma_semaphore, #tpu.memory_space<semaphore_mem>>)
      %dma_start3A_275 = arith.constant 160 : i32
      %dma_start3A_276 = arith.constant 0 : i32
      %dma_start3A_277 = tpu.memref_slice %arg14[%dma_start3A_275, %dma_start3A_276] : memref<400x64xi32, #tpu.memory_space<vmem>> -> memref<80x64xi32, #tpu.memory_space<vmem>>
      %dma_start3A_278 = arith.constant 160 : i32
      %dma_start3A_279 = tpu.memref_slice %arg10[%dma_start3A_278] : memref<400xi32, #tpu.memory_space<vmem>> -> memref<80xi32, #tpu.memory_space<vmem>>
      %dma_start3A_280 = arith.constant 0 : i32
      %dma_start3A_281 = arith.constant 0 : i32
      %dma_start3A_282 = tpu.memref_slice %arg3[%dma_start3A_280, %dma_start3A_281] : memref<10000x64xi32, #tpu.memory_space<hbm>> -> memref<10000x64xi32, #tpu.memory_space<hbm>>
      tpu.enqueue_indirect_dma source(%dma_start3A_282 : memref<10000x64xi32, #tpu.memory_space<hbm>>) target(%dma_start3A_277 : memref<80x64xi32, #tpu.memory_space<vmem>>) offsets(%dma_start3A_279 : memref<80xi32, #tpu.memory_space<vmem>>) semaphore(%arg16 : memref<!tpu.dma_semaphore, #tpu.memory_space<semaphore_mem>>)
      %dma_start3A_283 = arith.constant 240 : i32
      %dma_start3A_284 = arith.constant 0 : i32
      %dma_start3A_285 = tpu.memref_slice %arg13[%dma_start3A_283, %dma_start3A_284] : memref<400x64xi32, #tpu.memory_space<vmem>> -> memref<80x64xi32, #tpu.memory_space<vmem>>
      %dma_start3A_286 = arith.constant 240 : i32
      %dma_start3A_287 = tpu.memref_slice %arg9[%dma_start3A_286] : memref<400xi32, #tpu.memory_space<vmem>> -> memref<80xi32, #tpu.memory_space<vmem>>
      %dma_start3A_288 = arith.constant 0 : i32
      %dma_start3A_289 = arith.constant 0 : i32
      %dma_start3A_290 = tpu.memref_slice %arg2[%dma_start3A_288, %dma_start3A_289] : memref<10000x64xi32, #tpu.memory_space<hbm>> -> memref<10000x64xi32, #tpu.memory_space<hbm>>
      tpu.enqueue_indirect_dma source(%dma_start3A_290 : memref<10000x64xi32, #tpu.memory_space<hbm>>) target(%dma_start3A_285 : memref<80x64xi32, #tpu.memory_space<vmem>>) offsets(%dma_start3A_287 : memref<80xi32, #tpu.memory_space<vmem>>) semaphore(%arg16 : memref<!tpu.dma_semaphore, #tpu.memory_space<semaphore_mem>>)
      %dma_start3A_291 = arith.constant 240 : i32
      %dma_start3A_292 = arith.constant 0 : i32
      %dma_start3A_293 = tpu.memref_slice %arg14[%dma_start3A_291, %dma_start3A_292] : memref<400x64xi32, #tpu.memory_space<vmem>> -> memref<80x64xi32, #tpu.memory_space<vmem>>
      %dma_start3A_294 = arith.constant 240 : i32
      %dma_start3A_295 = tpu.memref_slice %arg10[%dma_start3A_294] : memref<400xi32, #tpu.memory_space<vmem>> -> memref<80xi32, #tpu.memory_space<vmem>>
      %dma_start3A_296 = arith.constant 0 : i32
      %dma_start3A_297 = arith.constant 0 : i32
      %dma_start3A_298 = tpu.memref_slice %arg3[%dma_start3A_296, %dma_start3A_297] : memref<10000x64xi32, #tpu.memory_space<hbm>> -> memref<10000x64xi32, #tpu.memory_space<hbm>>
      tpu.enqueue_indirect_dma source(%dma_start3A_298 : memref<10000x64xi32, #tpu.memory_space<hbm>>) target(%dma_start3A_293 : memref<80x64xi32, #tpu.memory_space<vmem>>) offsets(%dma_start3A_295 : memref<80xi32, #tpu.memory_space<vmem>>) semaphore(%arg16 : memref<!tpu.dma_semaphore, #tpu.memory_space<semaphore_mem>>)
      %dma_start3A_299 = arith.constant 320 : i32
      %dma_start3A_300 = arith.constant 0 : i32
      %dma_start3A_301 = tpu.memref_slice %arg13[%dma_start3A_299, %dma_start3A_300] : memref<400x64xi32, #tpu.memory_space<vmem>> -> memref<80x64xi32, #tpu.memory_space<vmem>>
      %dma_start3A_302 = arith.constant 320 : i32
      %dma_start3A_303 = tpu.memref_slice %arg9[%dma_start3A_302] : memref<400xi32, #tpu.memory_space<vmem>> -> memref<80xi32, #tpu.memory_space<vmem>>
      %dma_start3A_304 = arith.constant 0 : i32
      %dma_start3A_305 = arith.constant 0 : i32
      %dma_start3A_306 = tpu.memref_slice %arg2[%dma_start3A_304, %dma_start3A_305] : memref<10000x64xi32, #tpu.memory_space<hbm>> -> memref<10000x64xi32, #tpu.memory_space<hbm>>
      tpu.enqueue_indirect_dma source(%dma_start3A_306 : memref<10000x64xi32, #tpu.memory_space<hbm>>) target(%dma_start3A_301 : memref<80x64xi32, #tpu.memory_space<vmem>>) offsets(%dma_start3A_303 : memref<80xi32, #tpu.memory_space<vmem>>) semaphore(%arg16 : memref<!tpu.dma_semaphore, #tpu.memory_space<semaphore_mem>>)
      %dma_start3A_307 = arith.constant 320 : i32
      %dma_start3A_308 = arith.constant 0 : i32
      %dma_start3A_309 = tpu.memref_slice %arg14[%dma_start3A_307, %dma_start3A_308] : memref<400x64xi32, #tpu.memory_space<vmem>> -> memref<80x64xi32, #tpu.memory_space<vmem>>
      %dma_start3A_310 = arith.constant 320 : i32
      %dma_start3A_311 = tpu.memref_slice %arg10[%dma_start3A_310] : memref<400xi32, #tpu.memory_space<vmem>> -> memref<80xi32, #tpu.memory_space<vmem>>
      %dma_start3A_312 = arith.constant 0 : i32
      %dma_start3A_313 = arith.constant 0 : i32
      %dma_start3A_314 = tpu.memref_slice %arg3[%dma_start3A_312, %dma_start3A_313] : memref<10000x64xi32, #tpu.memory_space<hbm>> -> memref<10000x64xi32, #tpu.memory_space<hbm>>
      tpu.enqueue_indirect_dma source(%dma_start3A_314 : memref<10000x64xi32, #tpu.memory_space<hbm>>) target(%dma_start3A_309 : memref<80x64xi32, #tpu.memory_space<vmem>>) offsets(%dma_start3A_311 : memref<80xi32, #tpu.memory_space<vmem>>) semaphore(%arg16 : memref<!tpu.dma_semaphore, #tpu.memory_space<semaphore_mem>>)
      %dma_wait3A_315 = arith.constant 0 : i32
      %dma_wait3A_316 = arith.constant 0 : i32
      %dma_wait3A_317 = tpu.memref_slice %arg6[%dma_wait3A_315, %dma_wait3A_316] : memref<320000x64xi32, #tpu.memory_space<hbm>> -> memref<400x64xi32, #tpu.memory_space<hbm>>
      %dma_wait3A_318 = arith.constant 0 : i32
      %dma_wait3A_319 = arith.constant 0 : i32
      %dma_wait3A_320 = tpu.memref_slice %arg6[%dma_wait3A_318, %dma_wait3A_319] : memref<320000x64xi32, #tpu.memory_space<hbm>> -> memref<400x64xi32, #tpu.memory_space<hbm>>
      tpu.wait_dma2 semaphore(%arg15 : memref<!tpu.dma_semaphore, #tpu.memory_space<semaphore_mem>>) src(%dma_wait3A_320 : memref<400x64xi32, #tpu.memory_space<hbm>>) dst(%arg11 : memref<400x64xi32, #tpu.memory_space<vmem>>)
      %dma_wait3A_321 = arith.constant 0 : i32
      %dma_wait3A_322 = arith.constant 0 : i32
      %dma_wait3A_323 = tpu.memref_slice %arg6[%dma_wait3A_321, %dma_wait3A_322] : memref<320000x64xi32, #tpu.memory_space<hbm>> -> memref<400x64xi32, #tpu.memory_space<hbm>>
      %dma_wait3A_324 = arith.constant 0 : i32
      %dma_wait3A_325 = arith.constant 0 : i32
      %dma_wait3A_326 = tpu.memref_slice %arg6[%dma_wait3A_324, %dma_wait3A_325] : memref<320000x64xi32, #tpu.memory_space<hbm>> -> memref<400x64xi32, #tpu.memory_space<hbm>>
      tpu.wait_dma2 semaphore(%arg15 : memref<!tpu.dma_semaphore, #tpu.memory_space<semaphore_mem>>) src(%dma_wait3A_326 : memref<400x64xi32, #tpu.memory_space<hbm>>) dst(%arg12 : memref<400x64xi32, #tpu.memory_space<vmem>>)
      %scan3A_327 = arith.constant 0 : i32
      %scan3A_328 = arith.constant 0 : i32
      %scan3A_329 = arith.constant 200 : i32
      %scan3A_330 = arith.addi %scan3A_328, %scan3A_329 : i32
      %scan3A_331 = arith.constant 1 : i32
      scf.for %scan3A_363 = %scan3A_328 to %scan3A_330 step %scan3A_331  : i32 {
        %mul3A_364 = arith.constant 2 : i32
        %mul3A_365 = arith.muli %scan3A_363, %mul3A_364 : i32
        %add3A_366 = arith.constant 0 : i32
        %add3A_367 = arith.addi %mul3A_365, %add3A_366 : i32
        %get3A = arith.index_cast %add3A_367 : i32 to index
        %get3A_368 = arith.constant 0 : index
        %get3A_369 = tpu.vector_load %arg11[%get3A, %get3A_368] {strides = array<i32>} : memref<400x64xi32, #tpu.memory_space<vmem>>, vector<16xi32>,
        %bitcast3A = vector.bitcast %get3A_369 : vector<16xi32> to vector<32xbf16>
        %get3A_370 = arith.index_cast %add3A_367 : i32 to index
        %get3A_371 = arith.constant 0 : index
        %get3A_372 = tpu.vector_load %arg12[%get3A_370, %get3A_371] {strides = array<i32>} : memref<400x64xi32, #tpu.memory_space<vmem>>, vector<16xi32>,
        %bitcast3A_373 = vector.bitcast %get3A_372 : vector<16xi32> to vector<32xbf16>
        %add3A_374 = arith.addf %bitcast3A, %bitcast3A_373 : vector<32xbf16>
        %bitcast3A_375 = vector.bitcast %add3A_374 : vector<32xbf16> to vector<16xi32>
        %swap3A = arith.index_cast %add3A_367 : i32 to index
        %swap3A_376 = arith.constant 0 : index
        %swap3A_377 = tpu.vector_load %arg11[%swap3A, %swap3A_376] {strides = array<i32>} : memref<400x64xi32, #tpu.memory_space<vmem>>, vector<16xi32>,
        tpu.vector_store %arg11[%swap3A, %swap3A_376], %bitcast3A_375 {strides = array<i32>} : memref<400x64xi32, #tpu.memory_space<vmem>>, vector<16xi32>,
        %get3A_378 = arith.index_cast %add3A_367 : i32 to index
        %get3A_379 = arith.constant 16 : index
        %get3A_380 = tpu.vector_load %arg11[%get3A_378, %get3A_379] {strides = array<i32>} : memref<400x64xi32, #tpu.memory_space<vmem>>, vector<16xi32>,
        %bitcast3A_381 = vector.bitcast %get3A_380 : vector<16xi32> to vector<32xbf16>
        %get3A_382 = arith.index_cast %add3A_367 : i32 to index
        %get3A_383 = arith.constant 16 : index
        %get3A_384 = tpu.vector_load %arg12[%get3A_382, %get3A_383] {strides = array<i32>} : memref<400x64xi32, #tpu.memory_space<vmem>>, vector<16xi32>,
        %bitcast3A_385 = vector.bitcast %get3A_384 : vector<16xi32> to vector<32xbf16>
        %add3A_386 = arith.addf %bitcast3A_381, %bitcast3A_385 : vector<32xbf16>
        %bitcast3A_387 = vector.bitcast %add3A_386 : vector<32xbf16> to vector<16xi32>
        %swap3A_388 = arith.index_cast %add3A_367 : i32 to index
        %swap3A_389 = arith.constant 16 : index
        %swap3A_390 = tpu.vector_load %arg11[%swap3A_388, %swap3A_389] {strides = array<i32>} : memref<400x64xi32, #tpu.memory_space<vmem>>, vector<16xi32>,
        tpu.vector_store %arg11[%swap3A_388, %swap3A_389], %bitcast3A_387 {strides = array<i32>} : memref<400x64xi32, #tpu.memory_space<vmem>>, vector<16xi32>,
        %get3A_391 = arith.index_cast %add3A_367 : i32 to index
        %get3A_392 = arith.constant 32 : index
        %get3A_393 = tpu.vector_load %arg11[%get3A_391, %get3A_392] {strides = array<i32>} : memref<400x64xi32, #tpu.memory_space<vmem>>, vector<16xi32>,
        %bitcast3A_394 = vector.bitcast %get3A_393 : vector<16xi32> to vector<32xbf16>
        %get3A_395 = arith.index_cast %add3A_367 : i32 to index
        %get3A_396 = arith.constant 32 : index
        %get3A_397 = tpu.vector_load %arg12[%get3A_395, %get3A_396] {strides = array<i32>} : memref<400x64xi32, #tpu.memory_space<vmem>>, vector<16xi32>,
        %bitcast3A_398 = vector.bitcast %get3A_397 : vector<16xi32> to vector<32xbf16>
        %add3A_399 = arith.addf %bitcast3A_394, %bitcast3A_398 : vector<32xbf16>
        %bitcast3A_400 = vector.bitcast %add3A_399 : vector<32xbf16> to vector<16xi32>
        %swap3A_401 = arith.index_cast %add3A_367 : i32 to index
        %swap3A_402 = arith.constant 32 : index
        %swap3A_403 = tpu.vector_load %arg11[%swap3A_401, %swap3A_402] {strides = array<i32>} : memref<400x64xi32, #tpu.memory_space<vmem>>, vector<16xi32>,
        tpu.vector_store %arg11[%swap3A_401, %swap3A_402], %bitcast3A_400 {strides = array<i32>} : memref<400x64xi32, #tpu.memory_space<vmem>>, vector<16xi32>,
        %get3A_404 = arith.index_cast %add3A_367 : i32 to index
        %get3A_405 = arith.constant 48 : index
        %get3A_406 = tpu.vector_load %arg11[%get3A_404, %get3A_405] {strides = array<i32>} : memref<400x64xi32, #tpu.memory_space<vmem>>, vector<16xi32>,
        %bitcast3A_407 = vector.bitcast %get3A_406 : vector<16xi32> to vector<32xbf16>
        %get3A_408 = arith.index_cast %add3A_367 : i32 to index
        %get3A_409 = arith.constant 48 : index
        %get3A_410 = tpu.vector_load %arg12[%get3A_408, %get3A_409] {strides = array<i32>} : memref<400x64xi32, #tpu.memory_space<vmem>>, vector<16xi32>,
        %bitcast3A_411 = vector.bitcast %get3A_410 : vector<16xi32> to vector<32xbf16>
        %add3A_412 = arith.addf %bitcast3A_407, %bitcast3A_411 : vector<32xbf16>
        %bitcast3A_413 = vector.bitcast %add3A_412 : vector<32xbf16> to vector<16xi32>
        %swap3A_414 = arith.index_cast %add3A_367 : i32 to index
        %swap3A_415 = arith.constant 48 : index
        %swap3A_416 = tpu.vector_load %arg11[%swap3A_414, %swap3A_415] {strides = array<i32>} : memref<400x64xi32, #tpu.memory_space<vmem>>, vector<16xi32>,
        tpu.vector_store %arg11[%swap3A_414, %swap3A_415], %bitcast3A_413 {strides = array<i32>} : memref<400x64xi32, #tpu.memory_space<vmem>>, vector<16xi32>,
        %mul3A_417 = arith.constant 2 : i32
        %mul3A_418 = arith.muli %scan3A_363, %mul3A_417 : i32
        %add3A_419 = arith.constant 1 : i32
        %add3A_420 = arith.addi %mul3A_418, %add3A_419 : i32
        %get3A_421 = arith.index_cast %add3A_420 : i32 to index
        %get3A_422 = arith.constant 0 : index
        %get3A_423 = tpu.vector_load %arg11[%get3A_421, %get3A_422] {strides = array<i32>} : memref<400x64xi32, #tpu.memory_space<vmem>>, vector<16xi32>,
        %bitcast3A_424 = vector.bitcast %get3A_423 : vector<16xi32> to vector<32xbf16>
        %get3A_425 = arith.index_cast %add3A_420 : i32 to index
        %get3A_426 = arith.constant 0 : index
        %get3A_427 = tpu.vector_load %arg12[%get3A_425, %get3A_426] {strides = array<i32>} : memref<400x64xi32, #tpu.memory_space<vmem>>, vector<16xi32>,
        %bitcast3A_428 = vector.bitcast %get3A_427 : vector<16xi32> to vector<32xbf16>
        %add3A_429 = arith.addf %bitcast3A_424, %bitcast3A_428 : vector<32xbf16>
        %bitcast3A_430 = vector.bitcast %add3A_429 : vector<32xbf16> to vector<16xi32>
        %swap3A_431 = arith.index_cast %add3A_420 : i32 to index
        %swap3A_432 = arith.constant 0 : index
        %swap3A_433 = tpu.vector_load %arg11[%swap3A_431, %swap3A_432] {strides = array<i32>} : memref<400x64xi32, #tpu.memory_space<vmem>>, vector<16xi32>,
        tpu.vector_store %arg11[%swap3A_431, %swap3A_432], %bitcast3A_430 {strides = array<i32>} : memref<400x64xi32, #tpu.memory_space<vmem>>, vector<16xi32>,
        %get3A_434 = arith.index_cast %add3A_420 : i32 to index
        %get3A_435 = arith.constant 16 : index
        %get3A_436 = tpu.vector_load %arg11[%get3A_434, %get3A_435] {strides = array<i32>} : memref<400x64xi32, #tpu.memory_space<vmem>>, vector<16xi32>,
        %bitcast3A_437 = vector.bitcast %get3A_436 : vector<16xi32> to vector<32xbf16>
        %get3A_438 = arith.index_cast %add3A_420 : i32 to index
        %get3A_439 = arith.constant 16 : index
        %get3A_440 = tpu.vector_load %arg12[%get3A_438, %get3A_439] {strides = array<i32>} : memref<400x64xi32, #tpu.memory_space<vmem>>, vector<16xi32>,
        %bitcast3A_441 = vector.bitcast %get3A_440 : vector<16xi32> to vector<32xbf16>
        %add3A_442 = arith.addf %bitcast3A_437, %bitcast3A_441 : vector<32xbf16>
        %bitcast3A_443 = vector.bitcast %add3A_442 : vector<32xbf16> to vector<16xi32>
        %swap3A_444 = arith.index_cast %add3A_420 : i32 to index
        %swap3A_445 = arith.constant 16 : index
        %swap3A_446 = tpu.vector_load %arg11[%swap3A_444, %swap3A_445] {strides = array<i32>} : memref<400x64xi32, #tpu.memory_space<vmem>>, vector<16xi32>,
        tpu.vector_store %arg11[%swap3A_444, %swap3A_445], %bitcast3A_443 {strides = array<i32>} : memref<400x64xi32, #tpu.memory_space<vmem>>, vector<16xi32>,
        %get3A_447 = arith.index_cast %add3A_420 : i32 to index
        %get3A_448 = arith.constant 32 : index
        %get3A_449 = tpu.vector_load %arg11[%get3A_447, %get3A_448] {strides = array<i32>} : memref<400x64xi32, #tpu.memory_space<vmem>>, vector<16xi32>,
        %bitcast3A_450 = vector.bitcast %get3A_449 : vector<16xi32> to vector<32xbf16>
        %get3A_451 = arith.index_cast %add3A_420 : i32 to index
        %get3A_452 = arith.constant 32 : index
        %get3A_453 = tpu.vector_load %arg12[%get3A_451, %get3A_452] {strides = array<i32>} : memref<400x64xi32, #tpu.memory_space<vmem>>, vector<16xi32>,
        %bitcast3A_454 = vector.bitcast %get3A_453 : vector<16xi32> to vector<32xbf16>
        %add3A_455 = arith.addf %bitcast3A_450, %bitcast3A_454 : vector<32xbf16>
        %bitcast3A_456 = vector.bitcast %add3A_455 : vector<32xbf16> to vector<16xi32>
        %swap3A_457 = arith.index_cast %add3A_420 : i32 to index
        %swap3A_458 = arith.constant 32 : index
        %swap3A_459 = tpu.vector_load %arg11[%swap3A_457, %swap3A_458] {strides = array<i32>} : memref<400x64xi32, #tpu.memory_space<vmem>>, vector<16xi32>,
        tpu.vector_store %arg11[%swap3A_457, %swap3A_458], %bitcast3A_456 {strides = array<i32>} : memref<400x64xi32, #tpu.memory_space<vmem>>, vector<16xi32>,
        %get3A_460 = arith.index_cast %add3A_420 : i32 to index
        %get3A_461 = arith.constant 48 : index
        %get3A_462 = tpu.vector_load %arg11[%get3A_460, %get3A_461] {strides = array<i32>} : memref<400x64xi32, #tpu.memory_space<vmem>>, vector<16xi32>,
        %bitcast3A_463 = vector.bitcast %get3A_462 : vector<16xi32> to vector<32xbf16>
        %get3A_464 = arith.index_cast %add3A_420 : i32 to index
        %get3A_465 = arith.constant 48 : index
        %get3A_466 = tpu.vector_load %arg12[%get3A_464, %get3A_465] {strides = array<i32>} : memref<400x64xi32, #tpu.memory_space<vmem>>, vector<16xi32>,
        %bitcast3A_467 = vector.bitcast %get3A_466 : vector<16xi32> to vector<32xbf16>
        %add3A_468 = arith.addf %bitcast3A_463, %bitcast3A_467 : vector<32xbf16>
        %bitcast3A_469 = vector.bitcast %add3A_468 : vector<32xbf16> to vector<16xi32>
        %swap3A_470 = arith.index_cast %add3A_420 : i32 to index
        %swap3A_471 = arith.constant 48 : index
        %swap3A_472 = tpu.vector_load %arg11[%swap3A_470, %swap3A_471] {strides = array<i32>} : memref<400x64xi32, #tpu.memory_space<vmem>>, vector<16xi32>,
        tpu.vector_store %arg11[%swap3A_470, %swap3A_471], %bitcast3A_469 {strides = array<i32>} : memref<400x64xi32, #tpu.memory_space<vmem>>, vector<16xi32>,
      }
      %scan3A_332 = arith.constant 200 : i32
      %mul3A_333 = arith.constant 400 : i32
      %mul3A_334 = arith.muli %add3A_137, %mul3A_333 : i32
      %dma_start3A_335 = arith.constant 0 : i32
      %dma_start3A_336 = tpu.memref_slice %arg6[%mul3A_334, %dma_start3A_335] : memref<320000x64xi32, #tpu.memory_space<hbm>> -> memref<400x64xi32, #tpu.memory_space<hbm>>
      %dma_start3A_337 = arith.constant 0 : i32
      %dma_start3A_338 = tpu.memref_slice %arg6[%mul3A_334, %dma_start3A_337] : memref<320000x64xi32, #tpu.memory_space<hbm>> -> memref<400x64xi32, #tpu.memory_space<hbm>>
      tpu.enqueue_dma source(%arg11 : memref<400x64xi32, #tpu.memory_space<vmem>>) target(%dma_start3A_338 : memref<400x64xi32, #tpu.memory_space<hbm>>) target_semaphore(%arg17 : memref<!tpu.dma_semaphore, #tpu.memory_space<semaphore_mem>>)
      %dma_wait3A_339 = arith.constant 0 : i32
      %dma_wait3A_340 = arith.constant 0 : i32
      %dma_wait3A_341 = tpu.memref_slice %arg6[%dma_wait3A_339, %dma_wait3A_340] : memref<320000x64xi32, #tpu.memory_space<hbm>> -> memref<400x64xi32, #tpu.memory_space<hbm>>
      %dma_wait3A_342 = arith.constant 0 : i32
      %dma_wait3A_343 = arith.constant 0 : i32
      %dma_wait3A_344 = tpu.memref_slice %arg6[%dma_wait3A_342, %dma_wait3A_343] : memref<320000x64xi32, #tpu.memory_space<hbm>> -> memref<400x64xi32, #tpu.memory_space<hbm>>
      tpu.wait_dma2 semaphore(%arg16 : memref<!tpu.dma_semaphore, #tpu.memory_space<semaphore_mem>>) src(%dma_wait3A_344 : memref<400x64xi32, #tpu.memory_space<hbm>>) dst(%arg13 : memref<400x64xi32, #tpu.memory_space<vmem>>)
      %dma_wait3A_345 = arith.constant 0 : i32
      %dma_wait3A_346 = arith.constant 0 : i32
      %dma_wait3A_347 = tpu.memref_slice %arg6[%dma_wait3A_345, %dma_wait3A_346] : memref<320000x64xi32, #tpu.memory_space<hbm>> -> memref<400x64xi32, #tpu.memory_space<hbm>>
      %dma_wait3A_348 = arith.constant 0 : i32
      %dma_wait3A_349 = arith.constant 0 : i32
      %dma_wait3A_350 = tpu.memref_slice %arg6[%dma_wait3A_348, %dma_wait3A_349] : memref<320000x64xi32, #tpu.memory_space<hbm>> -> memref<400x64xi32, #tpu.memory_space<hbm>>
      tpu.wait_dma2 semaphore(%arg16 : memref<!tpu.dma_semaphore, #tpu.memory_space<semaphore_mem>>) src(%dma_wait3A_350 : memref<400x64xi32, #tpu.memory_space<hbm>>) dst(%arg14 : memref<400x64xi32, #tpu.memory_space<vmem>>)
      %scan3A_351 = arith.constant 0 : i32
      %scan3A_352 = arith.constant 0 : i32
      %scan3A_353 = arith.constant 200 : i32
      %scan3A_354 = arith.addi %scan3A_352, %scan3A_353 : i32
      %scan3A_355 = arith.constant 1 : i32
      scf.for %scan3A_363 = %scan3A_352 to %scan3A_354 step %scan3A_355  : i32 {
        %mul3A_364 = arith.constant 2 : i32
        %mul3A_365 = arith.muli %scan3A_363, %mul3A_364 : i32
        %add3A_366 = arith.constant 0 : i32
        %add3A_367 = arith.addi %mul3A_365, %add3A_366 : i32
        %get3A = arith.index_cast %add3A_367 : i32 to index
        %get3A_368 = arith.constant 0 : index
        %get3A_369 = tpu.vector_load %arg13[%get3A, %get3A_368] {strides = array<i32>} : memref<400x64xi32, #tpu.memory_space<vmem>>, vector<16xi32>,
        %bitcast3A = vector.bitcast %get3A_369 : vector<16xi32> to vector<32xbf16>
        %get3A_370 = arith.index_cast %add3A_367 : i32 to index
        %get3A_371 = arith.constant 0 : index
        %get3A_372 = tpu.vector_load %arg14[%get3A_370, %get3A_371] {strides = array<i32>} : memref<400x64xi32, #tpu.memory_space<vmem>>, vector<16xi32>,
        %bitcast3A_373 = vector.bitcast %get3A_372 : vector<16xi32> to vector<32xbf16>
        %add3A_374 = arith.addf %bitcast3A, %bitcast3A_373 : vector<32xbf16>
        %bitcast3A_375 = vector.bitcast %add3A_374 : vector<32xbf16> to vector<16xi32>
        %swap3A = arith.index_cast %add3A_367 : i32 to index
        %swap3A_376 = arith.constant 0 : index
        %swap3A_377 = tpu.vector_load %arg13[%swap3A, %swap3A_376] {strides = array<i32>} : memref<400x64xi32, #tpu.memory_space<vmem>>, vector<16xi32>,
        tpu.vector_store %arg13[%swap3A, %swap3A_376], %bitcast3A_375 {strides = array<i32>} : memref<400x64xi32, #tpu.memory_space<vmem>>, vector<16xi32>,
        %get3A_378 = arith.index_cast %add3A_367 : i32 to index
        %get3A_379 = arith.constant 16 : index
        %get3A_380 = tpu.vector_load %arg13[%get3A_378, %get3A_379] {strides = array<i32>} : memref<400x64xi32, #tpu.memory_space<vmem>>, vector<16xi32>,
        %bitcast3A_381 = vector.bitcast %get3A_380 : vector<16xi32> to vector<32xbf16>
        %get3A_382 = arith.index_cast %add3A_367 : i32 to index
        %get3A_383 = arith.constant 16 : index
        %get3A_384 = tpu.vector_load %arg14[%get3A_382, %get3A_383] {strides = array<i32>} : memref<400x64xi32, #tpu.memory_space<vmem>>, vector<16xi32>,
        %bitcast3A_385 = vector.bitcast %get3A_384 : vector<16xi32> to vector<32xbf16>
        %add3A_386 = arith.addf %bitcast3A_381, %bitcast3A_385 : vector<32xbf16>
        %bitcast3A_387 = vector.bitcast %add3A_386 : vector<32xbf16> to vector<16xi32>
        %swap3A_388 = arith.index_cast %add3A_367 : i32 to index
        %swap3A_389 = arith.constant 16 : index
        %swap3A_390 = tpu.vector_load %arg13[%swap3A_388, %swap3A_389] {strides = array<i32>} : memref<400x64xi32, #tpu.memory_space<vmem>>, vector<16xi32>,
        tpu.vector_store %arg13[%swap3A_388, %swap3A_389], %bitcast3A_387 {strides = array<i32>} : memref<400x64xi32, #tpu.memory_space<vmem>>, vector<16xi32>,
        %get3A_391 = arith.index_cast %add3A_367 : i32 to index
        %get3A_392 = arith.constant 32 : index
        %get3A_393 = tpu.vector_load %arg13[%get3A_391, %get3A_392] {strides = array<i32>} : memref<400x64xi32, #tpu.memory_space<vmem>>, vector<16xi32>,
        %bitcast3A_394 = vector.bitcast %get3A_393 : vector<16xi32> to vector<32xbf16>
        %get3A_395 = arith.index_cast %add3A_367 : i32 to index
        %get3A_396 = arith.constant 32 : index
        %get3A_397 = tpu.vector_load %arg14[%get3A_395, %get3A_396] {strides = array<i32>} : memref<400x64xi32, #tpu.memory_space<vmem>>, vector<16xi32>,
        %bitcast3A_398 = vector.bitcast %get3A_397 : vector<16xi32> to vector<32xbf16>
        %add3A_399 = arith.addf %bitcast3A_394, %bitcast3A_398 : vector<32xbf16>
        %bitcast3A_400 = vector.bitcast %add3A_399 : vector<32xbf16> to vector<16xi32>
        %swap3A_401 = arith.index_cast %add3A_367 : i32 to index
        %swap3A_402 = arith.constant 32 : index
        %swap3A_403 = tpu.vector_load %arg13[%swap3A_401, %swap3A_402] {strides = array<i32>} : memref<400x64xi32, #tpu.memory_space<vmem>>, vector<16xi32>,
        tpu.vector_store %arg13[%swap3A_401, %swap3A_402], %bitcast3A_400 {strides = array<i32>} : memref<400x64xi32, #tpu.memory_space<vmem>>, vector<16xi32>,
        %get3A_404 = arith.index_cast %add3A_367 : i32 to index
        %get3A_405 = arith.constant 48 : index
        %get3A_406 = tpu.vector_load %arg13[%get3A_404, %get3A_405] {strides = array<i32>} : memref<400x64xi32, #tpu.memory_space<vmem>>, vector<16xi32>,
        %bitcast3A_407 = vector.bitcast %get3A_406 : vector<16xi32> to vector<32xbf16>
        %get3A_408 = arith.index_cast %add3A_367 : i32 to index
        %get3A_409 = arith.constant 48 : index
        %get3A_410 = tpu.vector_load %arg14[%get3A_408, %get3A_409] {strides = array<i32>} : memref<400x64xi32, #tpu.memory_space<vmem>>, vector<16xi32>,
        %bitcast3A_411 = vector.bitcast %get3A_410 : vector<16xi32> to vector<32xbf16>
        %add3A_412 = arith.addf %bitcast3A_407, %bitcast3A_411 : vector<32xbf16>
        %bitcast3A_413 = vector.bitcast %add3A_412 : vector<32xbf16> to vector<16xi32>
        %swap3A_414 = arith.index_cast %add3A_367 : i32 to index
        %swap3A_415 = arith.constant 48 : index
        %swap3A_416 = tpu.vector_load %arg13[%swap3A_414, %swap3A_415] {strides = array<i32>} : memref<400x64xi32, #tpu.memory_space<vmem>>, vector<16xi32>,
        tpu.vector_store %arg13[%swap3A_414, %swap3A_415], %bitcast3A_413 {strides = array<i32>} : memref<400x64xi32, #tpu.memory_space<vmem>>, vector<16xi32>,
        %mul3A_417 = arith.constant 2 : i32
        %mul3A_418 = arith.muli %scan3A_363, %mul3A_417 : i32
        %add3A_419 = arith.constant 1 : i32
        %add3A_420 = arith.addi %mul3A_418, %add3A_419 : i32
        %get3A_421 = arith.index_cast %add3A_420 : i32 to index
        %get3A_422 = arith.constant 0 : index
        %get3A_423 = tpu.vector_load %arg13[%get3A_421, %get3A_422] {strides = array<i32>} : memref<400x64xi32, #tpu.memory_space<vmem>>, vector<16xi32>,
        %bitcast3A_424 = vector.bitcast %get3A_423 : vector<16xi32> to vector<32xbf16>
        %get3A_425 = arith.index_cast %add3A_420 : i32 to index
        %get3A_426 = arith.constant 0 : index
        %get3A_427 = tpu.vector_load %arg14[%get3A_425, %get3A_426] {strides = array<i32>} : memref<400x64xi32, #tpu.memory_space<vmem>>, vector<16xi32>,
        %bitcast3A_428 = vector.bitcast %get3A_427 : vector<16xi32> to vector<32xbf16>
        %add3A_429 = arith.addf %bitcast3A_424, %bitcast3A_428 : vector<32xbf16>
        %bitcast3A_430 = vector.bitcast %add3A_429 : vector<32xbf16> to vector<16xi32>
        %swap3A_431 = arith.index_cast %add3A_420 : i32 to index
        %swap3A_432 = arith.constant 0 : index
        %swap3A_433 = tpu.vector_load %arg13[%swap3A_431, %swap3A_432] {strides = array<i32>} : memref<400x64xi32, #tpu.memory_space<vmem>>, vector<16xi32>,
        tpu.vector_store %arg13[%swap3A_431, %swap3A_432], %bitcast3A_430 {strides = array<i32>} : memref<400x64xi32, #tpu.memory_space<vmem>>, vector<16xi32>,
        %get3A_434 = arith.index_cast %add3A_420 : i32 to index
        %get3A_435 = arith.constant 16 : index
        %get3A_436 = tpu.vector_load %arg13[%get3A_434, %get3A_435] {strides = array<i32>} : memref<400x64xi32, #tpu.memory_space<vmem>>, vector<16xi32>,
        %bitcast3A_437 = vector.bitcast %get3A_436 : vector<16xi32> to vector<32xbf16>
        %get3A_438 = arith.index_cast %add3A_420 : i32 to index
        %get3A_439 = arith.constant 16 : index
        %get3A_440 = tpu.vector_load %arg14[%get3A_438, %get3A_439] {strides = array<i32>} : memref<400x64xi32, #tpu.memory_space<vmem>>, vector<16xi32>,
        %bitcast3A_441 = vector.bitcast %get3A_440 : vector<16xi32> to vector<32xbf16>
        %add3A_442 = arith.addf %bitcast3A_437, %bitcast3A_441 : vector<32xbf16>
        %bitcast3A_443 = vector.bitcast %add3A_442 : vector<32xbf16> to vector<16xi32>
        %swap3A_444 = arith.index_cast %add3A_420 : i32 to index
        %swap3A_445 = arith.constant 16 : index
        %swap3A_446 = tpu.vector_load %arg13[%swap3A_444, %swap3A_445] {strides = array<i32>} : memref<400x64xi32, #tpu.memory_space<vmem>>, vector<16xi32>,
        tpu.vector_store %arg13[%swap3A_444, %swap3A_445], %bitcast3A_443 {strides = array<i32>} : memref<400x64xi32, #tpu.memory_space<vmem>>, vector<16xi32>,
        %get3A_447 = arith.index_cast %add3A_420 : i32 to index
        %get3A_448 = arith.constant 32 : index
        %get3A_449 = tpu.vector_load %arg13[%get3A_447, %get3A_448] {strides = array<i32>} : memref<400x64xi32, #tpu.memory_space<vmem>>, vector<16xi32>,
        %bitcast3A_450 = vector.bitcast %get3A_449 : vector<16xi32> to vector<32xbf16>
        %get3A_451 = arith.index_cast %add3A_420 : i32 to index
        %get3A_452 = arith.constant 32 : index
        %get3A_453 = tpu.vector_load %arg14[%get3A_451, %get3A_452] {strides = array<i32>} : memref<400x64xi32, #tpu.memory_space<vmem>>, vector<16xi32>,
        %bitcast3A_454 = vector.bitcast %get3A_453 : vector<16xi32> to vector<32xbf16>
        %add3A_455 = arith.addf %bitcast3A_450, %bitcast3A_454 : vector<32xbf16>
        %bitcast3A_456 = vector.bitcast %add3A_455 : vector<32xbf16> to vector<16xi32>
        %swap3A_457 = arith.index_cast %add3A_420 : i32 to index
        %swap3A_458 = arith.constant 32 : index
        %swap3A_459 = tpu.vector_load %arg13[%swap3A_457, %swap3A_458] {strides = array<i32>} : memref<400x64xi32, #tpu.memory_space<vmem>>, vector<16xi32>,
        tpu.vector_store %arg13[%swap3A_457, %swap3A_458], %bitcast3A_456 {strides = array<i32>} : memref<400x64xi32, #tpu.memory_space<vmem>>, vector<16xi32>,
        %get3A_460 = arith.index_cast %add3A_420 : i32 to index
        %get3A_461 = arith.constant 48 : index
        %get3A_462 = tpu.vector_load %arg13[%get3A_460, %get3A_461] {strides = array<i32>} : memref<400x64xi32, #tpu.memory_space<vmem>>, vector<16xi32>,
        %bitcast3A_463 = vector.bitcast %get3A_462 : vector<16xi32> to vector<32xbf16>
        %get3A_464 = arith.index_cast %add3A_420 : i32 to index
        %get3A_465 = arith.constant 48 : index
        %get3A_466 = tpu.vector_load %arg14[%get3A_464, %get3A_465] {strides = array<i32>} : memref<400x64xi32, #tpu.memory_space<vmem>>, vector<16xi32>,
        %bitcast3A_467 = vector.bitcast %get3A_466 : vector<16xi32> to vector<32xbf16>
        %add3A_468 = arith.addf %bitcast3A_463, %bitcast3A_467 : vector<32xbf16>
        %bitcast3A_469 = vector.bitcast %add3A_468 : vector<32xbf16> to vector<16xi32>
        %swap3A_470 = arith.index_cast %add3A_420 : i32 to index
        %swap3A_471 = arith.constant 48 : index
        %swap3A_472 = tpu.vector_load %arg13[%swap3A_470, %swap3A_471] {strides = array<i32>} : memref<400x64xi32, #tpu.memory_space<vmem>>, vector<16xi32>,
        tpu.vector_store %arg13[%swap3A_470, %swap3A_471], %bitcast3A_469 {strides = array<i32>} : memref<400x64xi32, #tpu.memory_space<vmem>>, vector<16xi32>,
      }
      %scan3A_356 = arith.constant 200 : i32
      %mul3A_357 = arith.constant 400 : i32
      %mul3A_358 = arith.muli %add3A_139, %mul3A_357 : i32
      %dma_start3A_359 = arith.constant 0 : i32
      %dma_start3A_360 = tpu.memref_slice %arg6[%mul3A_358, %dma_start3A_359] : memref<320000x64xi32, #tpu.memory_space<hbm>> -> memref<400x64xi32, #tpu.memory_space<hbm>>
      %dma_start3A_361 = arith.constant 0 : i32
      %dma_start3A_362 = tpu.memref_slice %arg6[%mul3A_358, %dma_start3A_361] : memref<320000x64xi32, #tpu.memory_space<hbm>> -> memref<400x64xi32, #tpu.memory_space<hbm>>
      tpu.enqueue_dma source(%arg13 : memref<400x64xi32, #tpu.memory_space<vmem>>) target(%dma_start3A_362 : memref<400x64xi32, #tpu.memory_space<hbm>>) target_semaphore(%arg18 : memref<!tpu.dma_semaphore, #tpu.memory_space<semaphore_mem>>)
    }
    %scan3A_7 = arith.constant 12 : i32
    %add3A_8 = arith.constant 24 : i32
    %add3A_9 = arith.addi %mul3A_2, %add3A_8 : i32
    %dma_wait3A = arith.constant 0 : i32
    %dma_wait3A_10 = arith.constant 0 : i32
    %dma_wait3A_11 = tpu.memref_slice %arg6[%dma_wait3A, %dma_wait3A_10] : memref<320000x64xi32, #tpu.memory_space<hbm>> -> memref<400x64xi32, #tpu.memory_space<hbm>>
    %dma_wait3A_12 = arith.constant 0 : i32
    %dma_wait3A_13 = arith.constant 0 : i32
    %dma_wait3A_14 = tpu.memref_slice %arg6[%dma_wait3A_12, %dma_wait3A_13] : memref<320000x64xi32, #tpu.memory_space<hbm>> -> memref<400x64xi32, #tpu.memory_space<hbm>>
    tpu.wait_dma2 semaphore(%arg17 : memref<!tpu.dma_semaphore, #tpu.memory_space<semaphore_mem>>) src(%arg11 : memref<400x64xi32, #tpu.memory_space<vmem>>) dst(%dma_wait3A_14 : memref<400x64xi32, #tpu.memory_space<hbm>>)
    %mul3A_15 = arith.constant 400 : i32
    %mul3A_16 = arith.muli %add3A_9, %mul3A_15 : i32
    "tpu.region"() ({
      %run_scoped3A = tpu.sem_alloc : memref<!tpu.dma_semaphore, #tpu.memory_space<semaphore_mem>>
      %dma_start3A_134 = tpu.memref_slice %arg4[%mul3A_16] : memref<320000xi32, #tpu.memory_space<hbm>> -> memref<400xi32, #tpu.memory_space<hbm>>
      %dma_start3A_135 = tpu.memref_slice %arg4[%mul3A_16] : memref<320000xi32, #tpu.memory_space<hbm>> -> memref<400xi32, #tpu.memory_space<hbm>>
      tpu.enqueue_dma source(%dma_start3A_135 : memref<400xi32, #tpu.memory_space<hbm>>) target(%arg7 : memref<400xi32, #tpu.memory_space<vmem>>) target_semaphore(%run_scoped3A : memref<!tpu.dma_semaphore, #tpu.memory_space<semaphore_mem>>)
      %dma_wait3A_136 = tpu.memref_slice %arg4[%mul3A_16] : memref<320000xi32, #tpu.memory_space<hbm>> -> memref<400xi32, #tpu.memory_space<hbm>>
      %dma_wait3A_137 = tpu.memref_slice %arg4[%mul3A_16] : memref<320000xi32, #tpu.memory_space<hbm>> -> memref<400xi32, #tpu.memory_space<hbm>>
      tpu.wait_dma2 semaphore(%run_scoped3A : memref<!tpu.dma_semaphore, #tpu.memory_space<semaphore_mem>>) src(%dma_wait3A_137 : memref<400xi32, #tpu.memory_space<hbm>>) dst(%arg7 : memref<400xi32, #tpu.memory_space<vmem>>)
      tpu.yield
    }) : () -> ()
    %mul3A_17 = arith.constant 400 : i32
    %mul3A_18 = arith.muli %add3A_9, %mul3A_17 : i32
    "tpu.region"() ({
      %run_scoped3A = tpu.sem_alloc : memref<!tpu.dma_semaphore, #tpu.memory_space<semaphore_mem>>
      %dma_start3A_134 = tpu.memref_slice %arg5[%mul3A_18] : memref<320000xi32, #tpu.memory_space<hbm>> -> memref<400xi32, #tpu.memory_space<hbm>>
      %dma_start3A_135 = tpu.memref_slice %arg5[%mul3A_18] : memref<320000xi32, #tpu.memory_space<hbm>> -> memref<400xi32, #tpu.memory_space<hbm>>
      tpu.enqueue_dma source(%dma_start3A_135 : memref<400xi32, #tpu.memory_space<hbm>>) target(%arg8 : memref<400xi32, #tpu.memory_space<vmem>>) target_semaphore(%run_scoped3A : memref<!tpu.dma_semaphore, #tpu.memory_space<semaphore_mem>>)
      %dma_wait3A_136 = tpu.memref_slice %arg5[%mul3A_18] : memref<320000xi32, #tpu.memory_space<hbm>> -> memref<400xi32, #tpu.memory_space<hbm>>
      %dma_wait3A_137 = tpu.memref_slice %arg5[%mul3A_18] : memref<320000xi32, #tpu.memory_space<hbm>> -> memref<400xi32, #tpu.memory_space<hbm>>
      tpu.wait_dma2 semaphore(%run_scoped3A : memref<!tpu.dma_semaphore, #tpu.memory_space<semaphore_mem>>) src(%dma_wait3A_137 : memref<400xi32, #tpu.memory_space<hbm>>) dst(%arg8 : memref<400xi32, #tpu.memory_space<vmem>>)
      tpu.yield
    }) : () -> ()
    %dma_start3A = arith.constant 0 : i32
    %dma_start3A_19 = arith.constant 0 : i32
    %dma_start3A_20 = tpu.memref_slice %arg11[%dma_start3A, %dma_start3A_19] : memref<400x64xi32, #tpu.memory_space<vmem>> -> memref<80x64xi32, #tpu.memory_space<vmem>>
    %dma_start3A_21 = arith.constant 0 : i32
    %dma_start3A_22 = tpu.memref_slice %arg7[%dma_start3A_21] : memref<400xi32, #tpu.memory_space<vmem>> -> memref<80xi32, #tpu.memory_space<vmem>>
    %dma_start3A_23 = arith.constant 0 : i32
    %dma_start3A_24 = arith.constant 0 : i32
    %dma_start3A_25 = tpu.memref_slice %arg2[%dma_start3A_23, %dma_start3A_24] : memref<10000x64xi32, #tpu.memory_space<hbm>> -> memref<10000x64xi32, #tpu.memory_space<hbm>>
    tpu.enqueue_indirect_dma source(%dma_start3A_25 : memref<10000x64xi32, #tpu.memory_space<hbm>>) target(%dma_start3A_20 : memref<80x64xi32, #tpu.memory_space<vmem>>) offsets(%dma_start3A_22 : memref<80xi32, #tpu.memory_space<vmem>>) semaphore(%arg15 : memref<!tpu.dma_semaphore, #tpu.memory_space<semaphore_mem>>)
    %dma_start3A_26 = arith.constant 0 : i32
    %dma_start3A_27 = arith.constant 0 : i32
    %dma_start3A_28 = tpu.memref_slice %arg12[%dma_start3A_26, %dma_start3A_27] : memref<400x64xi32, #tpu.memory_space<vmem>> -> memref<80x64xi32, #tpu.memory_space<vmem>>
    %dma_start3A_29 = arith.constant 0 : i32
    %dma_start3A_30 = tpu.memref_slice %arg8[%dma_start3A_29] : memref<400xi32, #tpu.memory_space<vmem>> -> memref<80xi32, #tpu.memory_space<vmem>>
    %dma_start3A_31 = arith.constant 0 : i32
    %dma_start3A_32 = arith.constant 0 : i32
    %dma_start3A_33 = tpu.memref_slice %arg3[%dma_start3A_31, %dma_start3A_32] : memref<10000x64xi32, #tpu.memory_space<hbm>> -> memref<10000x64xi32, #tpu.memory_space<hbm>>
    tpu.enqueue_indirect_dma source(%dma_start3A_33 : memref<10000x64xi32, #tpu.memory_space<hbm>>) target(%dma_start3A_28 : memref<80x64xi32, #tpu.memory_space<vmem>>) offsets(%dma_start3A_30 : memref<80xi32, #tpu.memory_space<vmem>>) semaphore(%arg15 : memref<!tpu.dma_semaphore, #tpu.memory_space<semaphore_mem>>)
    %dma_start3A_34 = arith.constant 80 : i32
    %dma_start3A_35 = arith.constant 0 : i32
    %dma_start3A_36 = tpu.memref_slice %arg11[%dma_start3A_34, %dma_start3A_35] : memref<400x64xi32, #tpu.memory_space<vmem>> -> memref<80x64xi32, #tpu.memory_space<vmem>>
    %dma_start3A_37 = arith.constant 80 : i32
    %dma_start3A_38 = tpu.memref_slice %arg7[%dma_start3A_37] : memref<400xi32, #tpu.memory_space<vmem>> -> memref<80xi32, #tpu.memory_space<vmem>>
    %dma_start3A_39 = arith.constant 0 : i32
    %dma_start3A_40 = arith.constant 0 : i32
    %dma_start3A_41 = tpu.memref_slice %arg2[%dma_start3A_39, %dma_start3A_40] : memref<10000x64xi32, #tpu.memory_space<hbm>> -> memref<10000x64xi32, #tpu.memory_space<hbm>>
    tpu.enqueue_indirect_dma source(%dma_start3A_41 : memref<10000x64xi32, #tpu.memory_space<hbm>>) target(%dma_start3A_36 : memref<80x64xi32, #tpu.memory_space<vmem>>) offsets(%dma_start3A_38 : memref<80xi32, #tpu.memory_space<vmem>>) semaphore(%arg15 : memref<!tpu.dma_semaphore, #tpu.memory_space<semaphore_mem>>)
    %dma_start3A_42 = arith.constant 80 : i32
    %dma_start3A_43 = arith.constant 0 : i32
    %dma_start3A_44 = tpu.memref_slice %arg12[%dma_start3A_42, %dma_start3A_43] : memref<400x64xi32, #tpu.memory_space<vmem>> -> memref<80x64xi32, #tpu.memory_space<vmem>>
    %dma_start3A_45 = arith.constant 80 : i32
    %dma_start3A_46 = tpu.memref_slice %arg8[%dma_start3A_45] : memref<400xi32, #tpu.memory_space<vmem>> -> memref<80xi32, #tpu.memory_space<vmem>>
    %dma_start3A_47 = arith.constant 0 : i32
    %dma_start3A_48 = arith.constant 0 : i32
    %dma_start3A_49 = tpu.memref_slice %arg3[%dma_start3A_47, %dma_start3A_48] : memref<10000x64xi32, #tpu.memory_space<hbm>> -> memref<10000x64xi32, #tpu.memory_space<hbm>>
    tpu.enqueue_indirect_dma source(%dma_start3A_49 : memref<10000x64xi32, #tpu.memory_space<hbm>>) target(%dma_start3A_44 : memref<80x64xi32, #tpu.memory_space<vmem>>) offsets(%dma_start3A_46 : memref<80xi32, #tpu.memory_space<vmem>>) semaphore(%arg15 : memref<!tpu.dma_semaphore, #tpu.memory_space<semaphore_mem>>)
    %dma_start3A_50 = arith.constant 160 : i32
    %dma_start3A_51 = arith.constant 0 : i32
    %dma_start3A_52 = tpu.memref_slice %arg11[%dma_start3A_50, %dma_start3A_51] : memref<400x64xi32, #tpu.memory_space<vmem>> -> memref<80x64xi32, #tpu.memory_space<vmem>>
    %dma_start3A_53 = arith.constant 160 : i32
    %dma_start3A_54 = tpu.memref_slice %arg7[%dma_start3A_53] : memref<400xi32, #tpu.memory_space<vmem>> -> memref<80xi32, #tpu.memory_space<vmem>>
    %dma_start3A_55 = arith.constant 0 : i32
    %dma_start3A_56 = arith.constant 0 : i32
    %dma_start3A_57 = tpu.memref_slice %arg2[%dma_start3A_55, %dma_start3A_56] : memref<10000x64xi32, #tpu.memory_space<hbm>> -> memref<10000x64xi32, #tpu.memory_space<hbm>>
    tpu.enqueue_indirect_dma source(%dma_start3A_57 : memref<10000x64xi32, #tpu.memory_space<hbm>>) target(%dma_start3A_52 : memref<80x64xi32, #tpu.memory_space<vmem>>) offsets(%dma_start3A_54 : memref<80xi32, #tpu.memory_space<vmem>>) semaphore(%arg15 : memref<!tpu.dma_semaphore, #tpu.memory_space<semaphore_mem>>)
    %dma_start3A_58 = arith.constant 160 : i32
    %dma_start3A_59 = arith.constant 0 : i32
    %dma_start3A_60 = tpu.memref_slice %arg12[%dma_start3A_58, %dma_start3A_59] : memref<400x64xi32, #tpu.memory_space<vmem>> -> memref<80x64xi32, #tpu.memory_space<vmem>>
    %dma_start3A_61 = arith.constant 160 : i32
    %dma_start3A_62 = tpu.memref_slice %arg8[%dma_start3A_61] : memref<400xi32, #tpu.memory_space<vmem>> -> memref<80xi32, #tpu.memory_space<vmem>>
    %dma_start3A_63 = arith.constant 0 : i32
    %dma_start3A_64 = arith.constant 0 : i32
    %dma_start3A_65 = tpu.memref_slice %arg3[%dma_start3A_63, %dma_start3A_64] : memref<10000x64xi32, #tpu.memory_space<hbm>> -> memref<10000x64xi32, #tpu.memory_space<hbm>>
    tpu.enqueue_indirect_dma source(%dma_start3A_65 : memref<10000x64xi32, #tpu.memory_space<hbm>>) target(%dma_start3A_60 : memref<80x64xi32, #tpu.memory_space<vmem>>) offsets(%dma_start3A_62 : memref<80xi32, #tpu.memory_space<vmem>>) semaphore(%arg15 : memref<!tpu.dma_semaphore, #tpu.memory_space<semaphore_mem>>)
    %dma_start3A_66 = arith.constant 240 : i32
    %dma_start3A_67 = arith.constant 0 : i32
    %dma_start3A_68 = tpu.memref_slice %arg11[%dma_start3A_66, %dma_start3A_67] : memref<400x64xi32, #tpu.memory_space<vmem>> -> memref<80x64xi32, #tpu.memory_space<vmem>>
    %dma_start3A_69 = arith.constant 240 : i32
    %dma_start3A_70 = tpu.memref_slice %arg7[%dma_start3A_69] : memref<400xi32, #tpu.memory_space<vmem>> -> memref<80xi32, #tpu.memory_space<vmem>>
    %dma_start3A_71 = arith.constant 0 : i32
    %dma_start3A_72 = arith.constant 0 : i32
    %dma_start3A_73 = tpu.memref_slice %arg2[%dma_start3A_71, %dma_start3A_72] : memref<10000x64xi32, #tpu.memory_space<hbm>> -> memref<10000x64xi32, #tpu.memory_space<hbm>>
    tpu.enqueue_indirect_dma source(%dma_start3A_73 : memref<10000x64xi32, #tpu.memory_space<hbm>>) target(%dma_start3A_68 : memref<80x64xi32, #tpu.memory_space<vmem>>) offsets(%dma_start3A_70 : memref<80xi32, #tpu.memory_space<vmem>>) semaphore(%arg15 : memref<!tpu.dma_semaphore, #tpu.memory_space<semaphore_mem>>)
    %dma_start3A_74 = arith.constant 240 : i32
    %dma_start3A_75 = arith.constant 0 : i32
    %dma_start3A_76 = tpu.memref_slice %arg12[%dma_start3A_74, %dma_start3A_75] : memref<400x64xi32, #tpu.memory_space<vmem>> -> memref<80x64xi32, #tpu.memory_space<vmem>>
    %dma_start3A_77 = arith.constant 240 : i32
    %dma_start3A_78 = tpu.memref_slice %arg8[%dma_start3A_77] : memref<400xi32, #tpu.memory_space<vmem>> -> memref<80xi32, #tpu.memory_space<vmem>>
    %dma_start3A_79 = arith.constant 0 : i32
    %dma_start3A_80 = arith.constant 0 : i32
    %dma_start3A_81 = tpu.memref_slice %arg3[%dma_start3A_79, %dma_start3A_80] : memref<10000x64xi32, #tpu.memory_space<hbm>> -> memref<10000x64xi32, #tpu.memory_space<hbm>>
    tpu.enqueue_indirect_dma source(%dma_start3A_81 : memref<10000x64xi32, #tpu.memory_space<hbm>>) target(%dma_start3A_76 : memref<80x64xi32, #tpu.memory_space<vmem>>) offsets(%dma_start3A_78 : memref<80xi32, #tpu.memory_space<vmem>>) semaphore(%arg15 : memref<!tpu.dma_semaphore, #tpu.memory_space<semaphore_mem>>)
    %dma_start3A_82 = arith.constant 320 : i32
    %dma_start3A_83 = arith.constant 0 : i32
    %dma_start3A_84 = tpu.memref_slice %arg11[%dma_start3A_82, %dma_start3A_83] : memref<400x64xi32, #tpu.memory_space<vmem>> -> memref<80x64xi32, #tpu.memory_space<vmem>>
    %dma_start3A_85 = arith.constant 320 : i32
    %dma_start3A_86 = tpu.memref_slice %arg7[%dma_start3A_85] : memref<400xi32, #tpu.memory_space<vmem>> -> memref<80xi32, #tpu.memory_space<vmem>>
    %dma_start3A_87 = arith.constant 0 : i32
    %dma_start3A_88 = arith.constant 0 : i32
    %dma_start3A_89 = tpu.memref_slice %arg2[%dma_start3A_87, %dma_start3A_88] : memref<10000x64xi32, #tpu.memory_space<hbm>> -> memref<10000x64xi32, #tpu.memory_space<hbm>>
    tpu.enqueue_indirect_dma source(%dma_start3A_89 : memref<10000x64xi32, #tpu.memory_space<hbm>>) target(%dma_start3A_84 : memref<80x64xi32, #tpu.memory_space<vmem>>) offsets(%dma_start3A_86 : memref<80xi32, #tpu.memory_space<vmem>>) semaphore(%arg15 : memref<!tpu.dma_semaphore, #tpu.memory_space<semaphore_mem>>)
    %dma_start3A_90 = arith.constant 320 : i32
    %dma_start3A_91 = arith.constant 0 : i32
    %dma_start3A_92 = tpu.memref_slice %arg12[%dma_start3A_90, %dma_start3A_91] : memref<400x64xi32, #tpu.memory_space<vmem>> -> memref<80x64xi32, #tpu.memory_space<vmem>>
    %dma_start3A_93 = arith.constant 320 : i32
    %dma_start3A_94 = tpu.memref_slice %arg8[%dma_start3A_93] : memref<400xi32, #tpu.memory_space<vmem>> -> memref<80xi32, #tpu.memory_space<vmem>>
    %dma_start3A_95 = arith.constant 0 : i32
    %dma_start3A_96 = arith.constant 0 : i32
    %dma_start3A_97 = tpu.memref_slice %arg3[%dma_start3A_95, %dma_start3A_96] : memref<10000x64xi32, #tpu.memory_space<hbm>> -> memref<10000x64xi32, #tpu.memory_space<hbm>>
    tpu.enqueue_indirect_dma source(%dma_start3A_97 : memref<10000x64xi32, #tpu.memory_space<hbm>>) target(%dma_start3A_92 : memref<80x64xi32, #tpu.memory_space<vmem>>) offsets(%dma_start3A_94 : memref<80xi32, #tpu.memory_space<vmem>>) semaphore(%arg15 : memref<!tpu.dma_semaphore, #tpu.memory_space<semaphore_mem>>)
    %dma_wait3A_98 = arith.constant 0 : i32
    %dma_wait3A_99 = arith.constant 0 : i32
    %dma_wait3A_100 = tpu.memref_slice %arg6[%dma_wait3A_98, %dma_wait3A_99] : memref<320000x64xi32, #tpu.memory_space<hbm>> -> memref<400x64xi32, #tpu.memory_space<hbm>>
    %dma_wait3A_101 = arith.constant 0 : i32
    %dma_wait3A_102 = arith.constant 0 : i32
    %dma_wait3A_103 = tpu.memref_slice %arg6[%dma_wait3A_101, %dma_wait3A_102] : memref<320000x64xi32, #tpu.memory_space<hbm>> -> memref<400x64xi32, #tpu.memory_space<hbm>>
    tpu.wait_dma2 semaphore(%arg15 : memref<!tpu.dma_semaphore, #tpu.memory_space<semaphore_mem>>) src(%dma_wait3A_103 : memref<400x64xi32, #tpu.memory_space<hbm>>) dst(%arg11 : memref<400x64xi32, #tpu.memory_space<vmem>>)
    %dma_wait3A_104 = arith.constant 0 : i32
    %dma_wait3A_105 = arith.constant 0 : i32
    %dma_wait3A_106 = tpu.memref_slice %arg6[%dma_wait3A_104, %dma_wait3A_105] : memref<320000x64xi32, #tpu.memory_space<hbm>> -> memref<400x64xi32, #tpu.memory_space<hbm>>
    %dma_wait3A_107 = arith.constant 0 : i32
    %dma_wait3A_108 = arith.constant 0 : i32
    %dma_wait3A_109 = tpu.memref_slice %arg6[%dma_wait3A_107, %dma_wait3A_108] : memref<320000x64xi32, #tpu.memory_space<hbm>> -> memref<400x64xi32, #tpu.memory_space<hbm>>
    tpu.wait_dma2 semaphore(%arg15 : memref<!tpu.dma_semaphore, #tpu.memory_space<semaphore_mem>>) src(%dma_wait3A_109 : memref<400x64xi32, #tpu.memory_space<hbm>>) dst(%arg12 : memref<400x64xi32, #tpu.memory_space<vmem>>)
    %scan3A_110 = arith.constant 0 : i32
    %scan3A_111 = arith.constant 0 : i32
    %scan3A_112 = arith.constant 200 : i32
    %scan3A_113 = arith.addi %scan3A_111, %scan3A_112 : i32
    %scan3A_114 = arith.constant 1 : i32
    scf.for %scan3A_134 = %scan3A_111 to %scan3A_113 step %scan3A_114  : i32 {
      %mul3A_135 = arith.constant 2 : i32
      %mul3A_136 = arith.muli %scan3A_134, %mul3A_135 : i32
      %add3A_137 = arith.constant 0 : i32
      %add3A_138 = arith.addi %mul3A_136, %add3A_137 : i32
      %get3A = arith.index_cast %add3A_138 : i32 to index
      %get3A_139 = arith.constant 0 : index
      %get3A_140 = tpu.vector_load %arg11[%get3A, %get3A_139] {strides = array<i32>} : memref<400x64xi32, #tpu.memory_space<vmem>>, vector<16xi32>,
      %bitcast3A = vector.bitcast %get3A_140 : vector<16xi32> to vector<32xbf16>
      %get3A_141 = arith.index_cast %add3A_138 : i32 to index
      %get3A_142 = arith.constant 0 : index
      %get3A_143 = tpu.vector_load %arg12[%get3A_141, %get3A_142] {strides = array<i32>} : memref<400x64xi32, #tpu.memory_space<vmem>>, vector<16xi32>,
      %bitcast3A_144 = vector.bitcast %get3A_143 : vector<16xi32> to vector<32xbf16>
      %add3A_145 = arith.addf %bitcast3A, %bitcast3A_144 : vector<32xbf16>
      %bitcast3A_146 = vector.bitcast %add3A_145 : vector<32xbf16> to vector<16xi32>
      %swap3A = arith.index_cast %add3A_138 : i32 to index
      %swap3A_147 = arith.constant 0 : index
      %swap3A_148 = tpu.vector_load %arg11[%swap3A, %swap3A_147] {strides = array<i32>} : memref<400x64xi32, #tpu.memory_space<vmem>>, vector<16xi32>,
      tpu.vector_store %arg11[%swap3A, %swap3A_147], %bitcast3A_146 {strides = array<i32>} : memref<400x64xi32, #tpu.memory_space<vmem>>, vector<16xi32>,
      %get3A_149 = arith.index_cast %add3A_138 : i32 to index
      %get3A_150 = arith.constant 16 : index
      %get3A_151 = tpu.vector_load %arg11[%get3A_149, %get3A_150] {strides = array<i32>} : memref<400x64xi32, #tpu.memory_space<vmem>>, vector<16xi32>,
      %bitcast3A_152 = vector.bitcast %get3A_151 : vector<16xi32> to vector<32xbf16>
      %get3A_153 = arith.index_cast %add3A_138 : i32 to index
      %get3A_154 = arith.constant 16 : index
      %get3A_155 = tpu.vector_load %arg12[%get3A_153, %get3A_154] {strides = array<i32>} : memref<400x64xi32, #tpu.memory_space<vmem>>, vector<16xi32>,
      %bitcast3A_156 = vector.bitcast %get3A_155 : vector<16xi32> to vector<32xbf16>
      %add3A_157 = arith.addf %bitcast3A_152, %bitcast3A_156 : vector<32xbf16>
      %bitcast3A_158 = vector.bitcast %add3A_157 : vector<32xbf16> to vector<16xi32>
      %swap3A_159 = arith.index_cast %add3A_138 : i32 to index
      %swap3A_160 = arith.constant 16 : index
      %swap3A_161 = tpu.vector_load %arg11[%swap3A_159, %swap3A_160] {strides = array<i32>} : memref<400x64xi32, #tpu.memory_space<vmem>>, vector<16xi32>,
      tpu.vector_store %arg11[%swap3A_159, %swap3A_160], %bitcast3A_158 {strides = array<i32>} : memref<400x64xi32, #tpu.memory_space<vmem>>, vector<16xi32>,
      %get3A_162 = arith.index_cast %add3A_138 : i32 to index
      %get3A_163 = arith.constant 32 : index
      %get3A_164 = tpu.vector_load %arg11[%get3A_162, %get3A_163] {strides = array<i32>} : memref<400x64xi32, #tpu.memory_space<vmem>>, vector<16xi32>,
      %bitcast3A_165 = vector.bitcast %get3A_164 : vector<16xi32> to vector<32xbf16>
      %get3A_166 = arith.index_cast %add3A_138 : i32 to index
      %get3A_167 = arith.constant 32 : index
      %get3A_168 = tpu.vector_load %arg12[%get3A_166, %get3A_167] {strides = array<i32>} : memref<400x64xi32, #tpu.memory_space<vmem>>, vector<16xi32>,
      %bitcast3A_169 = vector.bitcast %get3A_168 : vector<16xi32> to vector<32xbf16>
      %add3A_170 = arith.addf %bitcast3A_165, %bitcast3A_169 : vector<32xbf16>
      %bitcast3A_171 = vector.bitcast %add3A_170 : vector<32xbf16> to vector<16xi32>
      %swap3A_172 = arith.index_cast %add3A_138 : i32 to index
      %swap3A_173 = arith.constant 32 : index
      %swap3A_174 = tpu.vector_load %arg11[%swap3A_172, %swap3A_173] {strides = array<i32>} : memref<400x64xi32, #tpu.memory_space<vmem>>, vector<16xi32>,
      tpu.vector_store %arg11[%swap3A_172, %swap3A_173], %bitcast3A_171 {strides = array<i32>} : memref<400x64xi32, #tpu.memory_space<vmem>>, vector<16xi32>,
      %get3A_175 = arith.index_cast %add3A_138 : i32 to index
      %get3A_176 = arith.constant 48 : index
      %get3A_177 = tpu.vector_load %arg11[%get3A_175, %get3A_176] {strides = array<i32>} : memref<400x64xi32, #tpu.memory_space<vmem>>, vector<16xi32>,
      %bitcast3A_178 = vector.bitcast %get3A_177 : vector<16xi32> to vector<32xbf16>
      %get3A_179 = arith.index_cast %add3A_138 : i32 to index
      %get3A_180 = arith.constant 48 : index
      %get3A_181 = tpu.vector_load %arg12[%get3A_179, %get3A_180] {strides = array<i32>} : memref<400x64xi32, #tpu.memory_space<vmem>>, vector<16xi32>,
      %bitcast3A_182 = vector.bitcast %get3A_181 : vector<16xi32> to vector<32xbf16>
      %add3A_183 = arith.addf %bitcast3A_178, %bitcast3A_182 : vector<32xbf16>
      %bitcast3A_184 = vector.bitcast %add3A_183 : vector<32xbf16> to vector<16xi32>
      %swap3A_185 = arith.index_cast %add3A_138 : i32 to index
      %swap3A_186 = arith.constant 48 : index
      %swap3A_187 = tpu.vector_load %arg11[%swap3A_185, %swap3A_186] {strides = array<i32>} : memref<400x64xi32, #tpu.memory_space<vmem>>, vector<16xi32>,
      tpu.vector_store %arg11[%swap3A_185, %swap3A_186], %bitcast3A_184 {strides = array<i32>} : memref<400x64xi32, #tpu.memory_space<vmem>>, vector<16xi32>,
      %mul3A_188 = arith.constant 2 : i32
      %mul3A_189 = arith.muli %scan3A_134, %mul3A_188 : i32
      %add3A_190 = arith.constant 1 : i32
      %add3A_191 = arith.addi %mul3A_189, %add3A_190 : i32
      %get3A_192 = arith.index_cast %add3A_191 : i32 to index
      %get3A_193 = arith.constant 0 : index
      %get3A_194 = tpu.vector_load %arg11[%get3A_192, %get3A_193] {strides = array<i32>} : memref<400x64xi32, #tpu.memory_space<vmem>>, vector<16xi32>,
      %bitcast3A_195 = vector.bitcast %get3A_194 : vector<16xi32> to vector<32xbf16>
      %get3A_196 = arith.index_cast %add3A_191 : i32 to index
      %get3A_197 = arith.constant 0 : index
      %get3A_198 = tpu.vector_load %arg12[%get3A_196, %get3A_197] {strides = array<i32>} : memref<400x64xi32, #tpu.memory_space<vmem>>, vector<16xi32>,
      %bitcast3A_199 = vector.bitcast %get3A_198 : vector<16xi32> to vector<32xbf16>
      %add3A_200 = arith.addf %bitcast3A_195, %bitcast3A_199 : vector<32xbf16>
      %bitcast3A_201 = vector.bitcast %add3A_200 : vector<32xbf16> to vector<16xi32>
      %swap3A_202 = arith.index_cast %add3A_191 : i32 to index
      %swap3A_203 = arith.constant 0 : index
      %swap3A_204 = tpu.vector_load %arg11[%swap3A_202, %swap3A_203] {strides = array<i32>} : memref<400x64xi32, #tpu.memory_space<vmem>>, vector<16xi32>,
      tpu.vector_store %arg11[%swap3A_202, %swap3A_203], %bitcast3A_201 {strides = array<i32>} : memref<400x64xi32, #tpu.memory_space<vmem>>, vector<16xi32>,
      %get3A_205 = arith.index_cast %add3A_191 : i32 to index
      %get3A_206 = arith.constant 16 : index
      %get3A_207 = tpu.vector_load %arg11[%get3A_205, %get3A_206] {strides = array<i32>} : memref<400x64xi32, #tpu.memory_space<vmem>>, vector<16xi32>,
      %bitcast3A_208 = vector.bitcast %get3A_207 : vector<16xi32> to vector<32xbf16>
      %get3A_209 = arith.index_cast %add3A_191 : i32 to index
      %get3A_210 = arith.constant 16 : index
      %get3A_211 = tpu.vector_load %arg12[%get3A_209, %get3A_210] {strides = array<i32>} : memref<400x64xi32, #tpu.memory_space<vmem>>, vector<16xi32>,
      %bitcast3A_212 = vector.bitcast %get3A_211 : vector<16xi32> to vector<32xbf16>
      %add3A_213 = arith.addf %bitcast3A_208, %bitcast3A_212 : vector<32xbf16>
      %bitcast3A_214 = vector.bitcast %add3A_213 : vector<32xbf16> to vector<16xi32>
      %swap3A_215 = arith.index_cast %add3A_191 : i32 to index
      %swap3A_216 = arith.constant 16 : index
      %swap3A_217 = tpu.vector_load %arg11[%swap3A_215, %swap3A_216] {strides = array<i32>} : memref<400x64xi32, #tpu.memory_space<vmem>>, vector<16xi32>,
      tpu.vector_store %arg11[%swap3A_215, %swap3A_216], %bitcast3A_214 {strides = array<i32>} : memref<400x64xi32, #tpu.memory_space<vmem>>, vector<16xi32>,
      %get3A_218 = arith.index_cast %add3A_191 : i32 to index
      %get3A_219 = arith.constant 32 : index
      %get3A_220 = tpu.vector_load %arg11[%get3A_218, %get3A_219] {strides = array<i32>} : memref<400x64xi32, #tpu.memory_space<vmem>>, vector<16xi32>,
      %bitcast3A_221 = vector.bitcast %get3A_220 : vector<16xi32> to vector<32xbf16>
      %get3A_222 = arith.index_cast %add3A_191 : i32 to index
      %get3A_223 = arith.constant 32 : index
      %get3A_224 = tpu.vector_load %arg12[%get3A_222, %get3A_223] {strides = array<i32>} : memref<400x64xi32, #tpu.memory_space<vmem>>, vector<16xi32>,
      %bitcast3A_225 = vector.bitcast %get3A_224 : vector<16xi32> to vector<32xbf16>
      %add3A_226 = arith.addf %bitcast3A_221, %bitcast3A_225 : vector<32xbf16>
      %bitcast3A_227 = vector.bitcast %add3A_226 : vector<32xbf16> to vector<16xi32>
      %swap3A_228 = arith.index_cast %add3A_191 : i32 to index
      %swap3A_229 = arith.constant 32 : index
      %swap3A_230 = tpu.vector_load %arg11[%swap3A_228, %swap3A_229] {strides = array<i32>} : memref<400x64xi32, #tpu.memory_space<vmem>>, vector<16xi32>,
      tpu.vector_store %arg11[%swap3A_228, %swap3A_229], %bitcast3A_227 {strides = array<i32>} : memref<400x64xi32, #tpu.memory_space<vmem>>, vector<16xi32>,
      %get3A_231 = arith.index_cast %add3A_191 : i32 to index
      %get3A_232 = arith.constant 48 : index
      %get3A_233 = tpu.vector_load %arg11[%get3A_231, %get3A_232] {strides = array<i32>} : memref<400x64xi32, #tpu.memory_space<vmem>>, vector<16xi32>,
      %bitcast3A_234 = vector.bitcast %get3A_233 : vector<16xi32> to vector<32xbf16>
      %get3A_235 = arith.index_cast %add3A_191 : i32 to index
      %get3A_236 = arith.constant 48 : index
      %get3A_237 = tpu.vector_load %arg12[%get3A_235, %get3A_236] {strides = array<i32>} : memref<400x64xi32, #tpu.memory_space<vmem>>, vector<16xi32>,
      %bitcast3A_238 = vector.bitcast %get3A_237 : vector<16xi32> to vector<32xbf16>
      %add3A_239 = arith.addf %bitcast3A_234, %bitcast3A_238 : vector<32xbf16>
      %bitcast3A_240 = vector.bitcast %add3A_239 : vector<32xbf16> to vector<16xi32>
      %swap3A_241 = arith.index_cast %add3A_191 : i32 to index
      %swap3A_242 = arith.constant 48 : index
      %swap3A_243 = tpu.vector_load %arg11[%swap3A_241, %swap3A_242] {strides = array<i32>} : memref<400x64xi32, #tpu.memory_space<vmem>>, vector<16xi32>,
      tpu.vector_store %arg11[%swap3A_241, %swap3A_242], %bitcast3A_240 {strides = array<i32>} : memref<400x64xi32, #tpu.memory_space<vmem>>, vector<16xi32>,
    }
    %scan3A_115 = arith.constant 200 : i32
    %mul3A_116 = arith.constant 400 : i32
    %mul3A_117 = arith.muli %add3A_9, %mul3A_116 : i32
    %dma_start3A_118 = arith.constant 0 : i32
    %dma_start3A_119 = tpu.memref_slice %arg6[%mul3A_117, %dma_start3A_118] : memref<320000x64xi32, #tpu.memory_space<hbm>> -> memref<400x64xi32, #tpu.memory_space<hbm>>
    %dma_start3A_120 = arith.constant 0 : i32
    %dma_start3A_121 = tpu.memref_slice %arg6[%mul3A_117, %dma_start3A_120] : memref<320000x64xi32, #tpu.memory_space<hbm>> -> memref<400x64xi32, #tpu.memory_space<hbm>>
    tpu.enqueue_dma source(%arg11 : memref<400x64xi32, #tpu.memory_space<vmem>>) target(%dma_start3A_121 : memref<400x64xi32, #tpu.memory_space<hbm>>) target_semaphore(%arg17 : memref<!tpu.dma_semaphore, #tpu.memory_space<semaphore_mem>>)
    %dma_wait3A_122 = arith.constant 0 : i32
    %dma_wait3A_123 = arith.constant 0 : i32
    %dma_wait3A_124 = tpu.memref_slice %arg6[%dma_wait3A_122, %dma_wait3A_123] : memref<320000x64xi32, #tpu.memory_space<hbm>> -> memref<400x64xi32, #tpu.memory_space<hbm>>
    %dma_wait3A_125 = arith.constant 0 : i32
    %dma_wait3A_126 = arith.constant 0 : i32
    %dma_wait3A_127 = tpu.memref_slice %arg6[%dma_wait3A_125, %dma_wait3A_126] : memref<320000x64xi32, #tpu.memory_space<hbm>> -> memref<400x64xi32, #tpu.memory_space<hbm>>
    tpu.wait_dma2 semaphore(%arg17 : memref<!tpu.dma_semaphore, #tpu.memory_space<semaphore_mem>>) src(%arg11 : memref<400x64xi32, #tpu.memory_space<vmem>>) dst(%dma_wait3A_127 : memref<400x64xi32, #tpu.memory_space<hbm>>)
    %dma_wait3A_128 = arith.constant 0 : i32
    %dma_wait3A_129 = arith.constant 0 : i32
    %dma_wait3A_130 = tpu.memref_slice %arg6[%dma_wait3A_128, %dma_wait3A_129] : memref<320000x64xi32, #tpu.memory_space<hbm>> -> memref<400x64xi32, #tpu.memory_space<hbm>>
    %dma_wait3A_131 = arith.constant 0 : i32
    %dma_wait3A_132 = arith.constant 0 : i32
    %dma_wait3A_133 = tpu.memref_slice %arg6[%dma_wait3A_131, %dma_wait3A_132] : memref<320000x64xi32, #tpu.memory_space<hbm>> -> memref<400x64xi32, #tpu.memory_space<hbm>>
    tpu.wait_dma2 semaphore(%arg18 : memref<!tpu.dma_semaphore, #tpu.memory_space<semaphore_mem>>) src(%arg13 : memref<400x64xi32, #tpu.memory_space<vmem>>) dst(%dma_wait3A_133 : memref<400x64xi32, #tpu.memory_space<hbm>>)
    return
  }
}

module attributes {stable_mosaic.version = 14 : i64} {
  func.func @_prep_body(%arg0: i32, %arg1: memref<2000x128xf32, #tpu.memory_space<vmem>>, %arg2: memref<128x128xf32, #tpu.memory_space<vmem>>, %arg3: memref<128x128xf32, #tpu.memory_space<vmem>>, %arg4: memref<2000x64xi32, #tpu.memory_space<vmem>>, %arg5: memref<2000x64xi32, #tpu.memory_space<vmem>>) attributes {dimension_semantics = [#tpu.dimension_semantics<arbitrary>], iteration_bounds = array<i64: 5>, scalar_prefetch = 0 : i64, scratch_operands = 0 : i64, tpu.core_type = #tpu.core_type<tc>, window_params = [{transform_indices = @transform_0, window_bounds = array<i64: 2000, 128>}, {pipeline_mode = #tpu.pipeline_mode<synchronous>, transform_indices = @transform_1, window_bounds = array<i64: 128, 128>}, {pipeline_mode = #tpu.pipeline_mode<synchronous>, transform_indices = @transform_2, window_bounds = array<i64: 128, 128>}, {transform_indices = @transform_3, window_bounds = array<i64: 2000, 64>}, {transform_indices = @transform_4, window_bounds = array<i64: 2000, 64>}]} {
    %get3A = arith.constant 0 : index
    %get3A_0 = arith.constant 0 : index
    %get3A_1 = vector.load %arg1[%get3A, %get3A_0] : memref<2000x128xf32, #tpu.memory_space<vmem>>, vector<2000x128xf32>
    %get3A_2 = arith.constant 0 : index
    %get3A_3 = arith.constant 0 : index
    %get3A_4 = vector.load %arg2[%get3A_2, %get3A_3] : memref<128x128xf32, #tpu.memory_space<vmem>>, vector<128x128xf32>
    %dot_general3A = arith.constant dense<0.000000e+00> : vector<2000x128xf32>
    %dot_general3A_5 = tpu.matmul %get3A_1, %get3A_4, %dot_general3A {dimension_numbers = #tpu.dot_dimension_numbers<[1], [0], [0], [1], [0, 0, 1, 1], [], []>, transpose_lhs_hint = false} : vector<2000x128xf32>, vector<128x128xf32>, vector<2000x128xf32> -> vector<2000x128xf32>
    %get3A_6 = arith.constant 0 : index
    %get3A_7 = arith.constant 0 : index
    %get3A_8 = vector.load %arg3[%get3A_6, %get3A_7] : memref<128x128xf32, #tpu.memory_space<vmem>>, vector<128x128xf32>
    %dot_general3A_9 = arith.constant dense<0.000000e+00> : vector<2000x128xf32>
    %dot_general3A_10 = tpu.matmul %get3A_1, %get3A_8, %dot_general3A_9 {dimension_numbers = #tpu.dot_dimension_numbers<[1], [0], [0], [1], [0, 0, 1, 1], [], []>, transpose_lhs_hint = false} : vector<2000x128xf32>, vector<128x128xf32>, vector<2000x128xf32> -> vector<2000x128xf32>
    %slice3A = vector.extract_strided_slice %dot_general3A_5 {offsets = [0, 0], sizes = [2000, 64], strides = [1, 1]} : vector<2000x128xf32> to vector<2000x64xf32>
    %slice3A_11 = vector.extract_strided_slice %dot_general3A_5 {offsets = [0, 64], sizes = [2000, 64], strides = [1, 1]} : vector<2000x128xf32> to vector<2000x64xf32>
    %bitcast_convert_type3A = tpu.bitcast %slice3A : vector<2000x64xf32> -> vector<2000x64xi32>
    %add3A = arith.constant 32767 : i32
    %add3A_12 = vector.broadcast %add3A : i32 to vector<2000x64xi32>
    %add3A_13 = arith.addi %bitcast_convert_type3A, %add3A_12 : vector<2000x64xi32>
    %shift_right_logical3A = arith.constant 16 : i32
    %shift_right_logical3A_14 = vector.broadcast %shift_right_logical3A : i32 to vector<2000x64xi32>
    %shift_right_logical3A_15 = arith.shrui %bitcast_convert_type3A, %shift_right_logical3A_14 : vector<2000x64xi32>
    %and3A = arith.constant 1 : i32
    %and3A_16 = vector.broadcast %and3A : i32 to vector<2000x64xi32>
    %and3A_17 = arith.andi %shift_right_logical3A_15, %and3A_16 : vector<2000x64xi32>
    %add3A_18 = arith.addi %add3A_13, %and3A_17 : vector<2000x64xi32>
    %shift_right_logical3A_19 = arith.constant 16 : i32
    %shift_right_logical3A_20 = vector.broadcast %shift_right_logical3A_19 : i32 to vector<2000x64xi32>
    %shift_right_logical3A_21 = arith.shrui %add3A_18, %shift_right_logical3A_20 : vector<2000x64xi32>
    %bitcast_convert_type3A_22 = tpu.bitcast %slice3A_11 : vector<2000x64xf32> -> vector<2000x64xi32>
    %add3A_23 = arith.constant 32767 : i32
    %add3A_24 = vector.broadcast %add3A_23 : i32 to vector<2000x64xi32>
    %add3A_25 = arith.addi %bitcast_convert_type3A_22, %add3A_24 : vector<2000x64xi32>
    %shift_right_logical3A_26 = arith.constant 16 : i32
    %shift_right_logical3A_27 = vector.broadcast %shift_right_logical3A_26 : i32 to vector<2000x64xi32>
    %shift_right_logical3A_28 = arith.shrui %bitcast_convert_type3A_22, %shift_right_logical3A_27 : vector<2000x64xi32>
    %and3A_29 = arith.constant 1 : i32
    %and3A_30 = vector.broadcast %and3A_29 : i32 to vector<2000x64xi32>
    %and3A_31 = arith.andi %shift_right_logical3A_28, %and3A_30 : vector<2000x64xi32>
    %add3A_32 = arith.addi %add3A_25, %and3A_31 : vector<2000x64xi32>
    %shift_right_logical3A_33 = arith.constant 16 : i32
    %shift_right_logical3A_34 = vector.broadcast %shift_right_logical3A_33 : i32 to vector<2000x64xi32>
    %shift_right_logical3A_35 = arith.shrui %add3A_32, %shift_right_logical3A_34 : vector<2000x64xi32>
    %shift_left3A = arith.constant 16 : i32
    %shift_left3A_36 = vector.broadcast %shift_left3A : i32 to vector<2000x64xi32>
    %shift_left3A_37 = arith.shli %shift_right_logical3A_35, %shift_left3A_36 : vector<2000x64xi32>
    %or3A = arith.ori %shift_right_logical3A_21, %shift_left3A_37 : vector<2000x64xi32>
    %bitcast_convert_type3A_38 = tpu.bitcast %or3A : vector<2000x64xi32> -> vector<2000x64xi32>
    %swap3A = arith.constant 0 : index
    %swap3A_39 = arith.constant 0 : index
    %swap3A_40 = vector.load %arg4[%swap3A, %swap3A_39] : memref<2000x64xi32, #tpu.memory_space<vmem>>, vector<2000x64xi32>
    tpu.vector_store %arg4[%swap3A, %swap3A_39], %bitcast_convert_type3A_38 {strides = array<i32>} : memref<2000x64xi32, #tpu.memory_space<vmem>>, vector<2000x64xi32>,
    %slice3A_41 = vector.extract_strided_slice %dot_general3A_10 {offsets = [0, 0], sizes = [2000, 64], strides = [1, 1]} : vector<2000x128xf32> to vector<2000x64xf32>
    %slice3A_42 = vector.extract_strided_slice %dot_general3A_10 {offsets = [0, 64], sizes = [2000, 64], strides = [1, 1]} : vector<2000x128xf32> to vector<2000x64xf32>
    %bitcast_convert_type3A_43 = tpu.bitcast %slice3A_41 : vector<2000x64xf32> -> vector<2000x64xi32>
    %add3A_44 = arith.constant 32767 : i32
    %add3A_45 = vector.broadcast %add3A_44 : i32 to vector<2000x64xi32>
    %add3A_46 = arith.addi %bitcast_convert_type3A_43, %add3A_45 : vector<2000x64xi32>
    %shift_right_logical3A_47 = arith.constant 16 : i32
    %shift_right_logical3A_48 = vector.broadcast %shift_right_logical3A_47 : i32 to vector<2000x64xi32>
    %shift_right_logical3A_49 = arith.shrui %bitcast_convert_type3A_43, %shift_right_logical3A_48 : vector<2000x64xi32>
    %and3A_50 = arith.constant 1 : i32
    %and3A_51 = vector.broadcast %and3A_50 : i32 to vector<2000x64xi32>
    %and3A_52 = arith.andi %shift_right_logical3A_49, %and3A_51 : vector<2000x64xi32>
    %add3A_53 = arith.addi %add3A_46, %and3A_52 : vector<2000x64xi32>
    %shift_right_logical3A_54 = arith.constant 16 : i32
    %shift_right_logical3A_55 = vector.broadcast %shift_right_logical3A_54 : i32 to vector<2000x64xi32>
    %shift_right_logical3A_56 = arith.shrui %add3A_53, %shift_right_logical3A_55 : vector<2000x64xi32>
    %bitcast_convert_type3A_57 = tpu.bitcast %slice3A_42 : vector<2000x64xf32> -> vector<2000x64xi32>
    %add3A_58 = arith.constant 32767 : i32
    %add3A_59 = vector.broadcast %add3A_58 : i32 to vector<2000x64xi32>
    %add3A_60 = arith.addi %bitcast_convert_type3A_57, %add3A_59 : vector<2000x64xi32>
    %shift_right_logical3A_61 = arith.constant 16 : i32
    %shift_right_logical3A_62 = vector.broadcast %shift_right_logical3A_61 : i32 to vector<2000x64xi32>
    %shift_right_logical3A_63 = arith.shrui %bitcast_convert_type3A_57, %shift_right_logical3A_62 : vector<2000x64xi32>
    %and3A_64 = arith.constant 1 : i32
    %and3A_65 = vector.broadcast %and3A_64 : i32 to vector<2000x64xi32>
    %and3A_66 = arith.andi %shift_right_logical3A_63, %and3A_65 : vector<2000x64xi32>
    %add3A_67 = arith.addi %add3A_60, %and3A_66 : vector<2000x64xi32>
    %shift_right_logical3A_68 = arith.constant 16 : i32
    %shift_right_logical3A_69 = vector.broadcast %shift_right_logical3A_68 : i32 to vector<2000x64xi32>
    %shift_right_logical3A_70 = arith.shrui %add3A_67, %shift_right_logical3A_69 : vector<2000x64xi32>
    %shift_left3A_71 = arith.constant 16 : i32
    %shift_left3A_72 = vector.broadcast %shift_left3A_71 : i32 to vector<2000x64xi32>
    %shift_left3A_73 = arith.shli %shift_right_logical3A_70, %shift_left3A_72 : vector<2000x64xi32>
    %or3A_74 = arith.ori %shift_right_logical3A_56, %shift_left3A_73 : vector<2000x64xi32>
    %bitcast_convert_type3A_75 = tpu.bitcast %or3A_74 : vector<2000x64xi32> -> vector<2000x64xi32>
    %swap3A_76 = arith.constant 0 : index
    %swap3A_77 = arith.constant 0 : index
    %swap3A_78 = vector.load %arg5[%swap3A_76, %swap3A_77] : memref<2000x64xi32, #tpu.memory_space<vmem>>, vector<2000x64xi32>
    tpu.vector_store %arg5[%swap3A_76, %swap3A_77], %bitcast_convert_type3A_75 {strides = array<i32>} : memref<2000x64xi32, #tpu.memory_space<vmem>>, vector<2000x64xi32>,
    return
  }
  func.func @transform_0(%arg0: i32) -> (i32, i32) {
    %c0_i32 = arith.constant 0 : i32
    %c0_i32_0 = arith.constant 0 : i32
    return %arg0, %c0_i32 : i32, i32
  }
  func.func @transform_1(%arg0: i32) -> (i32, i32) {
    %c0_i32 = arith.constant 0 : i32
    %c0_i32_0 = arith.constant 0 : i32
    %c0_i32_1 = arith.constant 0 : i32
    return %c0_i32, %c0_i32_0 : i32, i32
  }
  func.func @transform_2(%arg0: i32) -> (i32, i32) {
    %c0_i32 = arith.constant 0 : i32
    %c0_i32_0 = arith.constant 0 : i32
    %c0_i32_1 = arith.constant 0 : i32
    return %c0_i32, %c0_i32_0 : i32, i32
  }
  func.func @transform_3(%arg0: i32) -> (i32, i32) {
    %c0_i32 = arith.constant 0 : i32
    %c0_i32_0 = arith.constant 0 : i32
    return %arg0, %c0_i32 : i32, i32
  }
  func.func @transform_4(%arg0: i32) -> (i32, i32) {
    %c0_i32 = arith.constant 0 : i32
    %c0_i32_0 = arith.constant 0 : i32
    return %arg0, %c0_i32 : i32, i32
  }
}

module attributes {stable_mosaic.version = 14 : i64} {
  func.func @_edge_body(%arg0: i32, %arg1: memref<2560x64xi32, #tpu.memory_space<vmem>>, %arg2: memref<2560x16xf32, #tpu.memory_space<vmem>>, %arg3: memref<16x128xf32, #tpu.memory_space<vmem>>, %arg4: memref<1x128xf32, #tpu.memory_space<vmem>>, %arg5: memref<128x16xf32, #tpu.memory_space<vmem>>, %arg6: memref<1x16xf32, #tpu.memory_space<vmem>>, %arg7: memref<2560x16xf32, #tpu.memory_space<vmem>>, %arg8: memref<16x2560xf32, #tpu.memory_space<vmem>>) attributes {dimension_semantics = [#tpu.dimension_semantics<arbitrary>], iteration_bounds = array<i64: 125>, scalar_prefetch = 0 : i64, scratch_operands = 0 : i64, tpu.core_type = #tpu.core_type<tc>, window_params = [{transform_indices = @transform_0, window_bounds = array<i64: 2560, 64>}, {transform_indices = @transform_1, window_bounds = array<i64: 2560, 16>}, {pipeline_mode = #tpu.pipeline_mode<synchronous>, transform_indices = @transform_2, window_bounds = array<i64: 16, 128>}, {pipeline_mode = #tpu.pipeline_mode<synchronous>, transform_indices = @transform_3, window_bounds = array<i64: 1, 128>}, {pipeline_mode = #tpu.pipeline_mode<synchronous>, transform_indices = @transform_4, window_bounds = array<i64: 128, 16>}, {pipeline_mode = #tpu.pipeline_mode<synchronous>, transform_indices = @transform_5, window_bounds = array<i64: 1, 16>}, {transform_indices = @transform_6, window_bounds = array<i64: 2560, 16>}, {transform_indices = @transform_7, window_bounds = array<i64: 16, 2560>}]} {
    %get3A = arith.constant 0 : index
    %get3A_0 = arith.constant 0 : index
    %get3A_1 = vector.load %arg2[%get3A, %get3A_0] : memref<2560x16xf32, #tpu.memory_space<vmem>>, vector<2560x16xf32>
    %get3A_2 = arith.constant 0 : index
    %get3A_3 = arith.constant 0 : index
    %get3A_4 = vector.load %arg1[%get3A_2, %get3A_3] : memref<2560x64xi32, #tpu.memory_space<vmem>>, vector<2560x64xi32>
    %bitcast_convert_type3A = tpu.bitcast %get3A_4 : vector<2560x64xi32> -> vector<2560x64xi32>
    %shift_left3A = arith.constant 16 : i32
    %shift_left3A_5 = vector.broadcast %shift_left3A : i32 to vector<2560x64xi32>
    %shift_left3A_6 = arith.shli %bitcast_convert_type3A, %shift_left3A_5 : vector<2560x64xi32>
    %bitcast_convert_type3A_7 = tpu.bitcast %shift_left3A_6 : vector<2560x64xi32> -> vector<2560x64xf32>
    %and3A = arith.constant -65536 : i32
    %and3A_8 = vector.broadcast %and3A : i32 to vector<2560x64xi32>
    %and3A_9 = arith.andi %bitcast_convert_type3A, %and3A_8 : vector<2560x64xi32>
    %bitcast_convert_type3A_10 = tpu.bitcast %and3A_9 : vector<2560x64xi32> -> vector<2560x64xf32>
    %get3A_11 = arith.constant 0 : index
    %get3A_12 = arith.constant 0 : index
    %get3A_13 = vector.load %arg3[%get3A_11, %get3A_12] : memref<16x128xf32, #tpu.memory_space<vmem>>, vector<16x128xf32>
    %dot_general3A = arith.constant dense<0.000000e+00> : vector<2560x128xf32>
    %dot_general3A_14 = tpu.matmul %get3A_1, %get3A_13, %dot_general3A {dimension_numbers = #tpu.dot_dimension_numbers<[1], [0], [0], [1], [0, 0, 1, 1], [], []>, transpose_lhs_hint = false} : vector<2560x16xf32>, vector<16x128xf32>, vector<2560x128xf32> -> vector<2560x128xf32>
    %get3A_15 = arith.constant 0 : index
    %get3A_16 = arith.constant 0 : index
    %get3A_17 = vector.load %arg4[%get3A_15, %get3A_16] : memref<1x128xf32, #tpu.memory_space<vmem>>, vector<1x128xf32>
    %add3A = vector.broadcast %get3A_17 : vector<1x128xf32> to vector<2560x128xf32>
    %add3A_18 = arith.addf %dot_general3A_14, %add3A : vector<2560x128xf32>
    %get3A_19 = arith.constant 0 : index
    %get3A_20 = arith.constant 0 : index
    %get3A_21 = vector.load %arg5[%get3A_19, %get3A_20] : memref<128x16xf32, #tpu.memory_space<vmem>>, vector<128x16xf32>
    %convert_element_type3A = arith.truncf %get3A_21 : vector<128x16xf32> to vector<128x16xbf16>
    %slice3A = vector.extract_strided_slice %add3A_18 {offsets = [0, 0], sizes = [2560, 64], strides = [1, 1]} : vector<2560x128xf32> to vector<2560x64xf32>
    %add3A_22 = arith.addf %bitcast_convert_type3A_7, %slice3A : vector<2560x64xf32>
    %convert_element_type3A_23 = arith.truncf %add3A_22 : vector<2560x64xf32> to vector<2560x64xbf16>
    %integer_pow3A = arith.mulf %convert_element_type3A_23, %convert_element_type3A_23 : vector<2560x64xbf16>
    %integer_pow3A_24 = arith.mulf %convert_element_type3A_23, %integer_pow3A : vector<2560x64xbf16>
    %mul3A = arith.constant 4.467770e-02 : bf16
    %mul3A_25 = vector.broadcast %mul3A : bf16 to vector<2560x64xbf16>
    %mul3A_26 = arith.mulf %mul3A_25, %integer_pow3A_24 : vector<2560x64xbf16>
    %add3A_27 = arith.addf %convert_element_type3A_23, %mul3A_26 : vector<2560x64xbf16>
    %mul3A_28 = arith.constant 7.968750e-01 : bf16
    %mul3A_29 = vector.broadcast %mul3A_28 : bf16 to vector<2560x64xbf16>
    %mul3A_30 = arith.mulf %mul3A_29, %add3A_27 : vector<2560x64xbf16>
    %tanh3A = math.tanh %mul3A_30 : vector<2560x64xbf16>
    %add3A_31 = arith.constant 1.000000e+00 : bf16
    %add3A_32 = vector.broadcast %add3A_31 : bf16 to vector<2560x64xbf16>
    %add3A_33 = arith.addf %add3A_32, %tanh3A : vector<2560x64xbf16>
    %mul3A_34 = arith.constant 5.000000e-01 : bf16
    %mul3A_35 = vector.broadcast %mul3A_34 : bf16 to vector<2560x64xbf16>
    %mul3A_36 = arith.mulf %mul3A_35, %add3A_33 : vector<2560x64xbf16>
    %mul3A_37 = arith.mulf %convert_element_type3A_23, %mul3A_36 : vector<2560x64xbf16>
    %slice3A_38 = vector.extract_strided_slice %add3A_18 {offsets = [0, 64], sizes = [2560, 64], strides = [1, 1]} : vector<2560x128xf32> to vector<2560x64xf32>
    %add3A_39 = arith.addf %bitcast_convert_type3A_10, %slice3A_38 : vector<2560x64xf32>
    %convert_element_type3A_40 = arith.truncf %add3A_39 : vector<2560x64xf32> to vector<2560x64xbf16>
    %integer_pow3A_41 = arith.mulf %convert_element_type3A_40, %convert_element_type3A_40 : vector<2560x64xbf16>
    %integer_pow3A_42 = arith.mulf %convert_element_type3A_40, %integer_pow3A_41 : vector<2560x64xbf16>
    %mul3A_43 = arith.constant 4.467770e-02 : bf16
    %mul3A_44 = vector.broadcast %mul3A_43 : bf16 to vector<2560x64xbf16>
    %mul3A_45 = arith.mulf %mul3A_44, %integer_pow3A_42 : vector<2560x64xbf16>
    %add3A_46 = arith.addf %convert_element_type3A_40, %mul3A_45 : vector<2560x64xbf16>
    %mul3A_47 = arith.constant 7.968750e-01 : bf16
    %mul3A_48 = vector.broadcast %mul3A_47 : bf16 to vector<2560x64xbf16>
    %mul3A_49 = arith.mulf %mul3A_48, %add3A_46 : vector<2560x64xbf16>
    %tanh3A_50 = math.tanh %mul3A_49 : vector<2560x64xbf16>
    %add3A_51 = arith.constant 1.000000e+00 : bf16
    %add3A_52 = vector.broadcast %add3A_51 : bf16 to vector<2560x64xbf16>
    %add3A_53 = arith.addf %add3A_52, %tanh3A_50 : vector<2560x64xbf16>
    %mul3A_54 = arith.constant 5.000000e-01 : bf16
    %mul3A_55 = vector.broadcast %mul3A_54 : bf16 to vector<2560x64xbf16>
    %mul3A_56 = arith.mulf %mul3A_55, %add3A_53 : vector<2560x64xbf16>
    %mul3A_57 = arith.mulf %convert_element_type3A_40, %mul3A_56 : vector<2560x64xbf16>
    %slice3A_58 = vector.extract_strided_slice %convert_element_type3A {offsets = [0, 0], sizes = [64, 16], strides = [1, 1]} : vector<128x16xbf16> to vector<64x16xbf16>
    %dot_general3A_59 = arith.constant dense<0.000000e+00> : vector<2560x16xf32>
    %dot_general3A_60 = tpu.matmul %mul3A_37, %slice3A_58, %dot_general3A_59 {dimension_numbers = #tpu.dot_dimension_numbers<[1], [0], [0], [1], [0, 0, 1, 1], [], []>, transpose_lhs_hint = false} : vector<2560x64xbf16>, vector<64x16xbf16>, vector<2560x16xf32> -> vector<2560x16xf32>
    %slice3A_61 = vector.extract_strided_slice %convert_element_type3A {offsets = [64, 0], sizes = [64, 16], strides = [1, 1]} : vector<128x16xbf16> to vector<64x16xbf16>
    %dot_general3A_62 = arith.constant dense<0.000000e+00> : vector<2560x16xf32>
    %dot_general3A_63 = tpu.matmul %mul3A_57, %slice3A_61, %dot_general3A_62 {dimension_numbers = #tpu.dot_dimension_numbers<[1], [0], [0], [1], [0, 0, 1, 1], [], []>, transpose_lhs_hint = false} : vector<2560x64xbf16>, vector<64x16xbf16>, vector<2560x16xf32> -> vector<2560x16xf32>
    %add3A_64 = arith.addf %dot_general3A_60, %dot_general3A_63 : vector<2560x16xf32>
    %get3A_65 = arith.constant 0 : index
    %get3A_66 = arith.constant 0 : index
    %get3A_67 = vector.load %arg6[%get3A_65, %get3A_66] : memref<1x16xf32, #tpu.memory_space<vmem>>, vector<1x16xf32>
    %add3A_68 = vector.broadcast %get3A_67 : vector<1x16xf32> to vector<2560x16xf32>
    %add3A_69 = arith.addf %add3A_64, %add3A_68 : vector<2560x16xf32>
    %add3A_70 = arith.addf %get3A_1, %add3A_69 : vector<2560x16xf32>
    %swap3A = arith.constant 0 : index
    %swap3A_71 = arith.constant 0 : index
    %swap3A_72 = vector.load %arg7[%swap3A, %swap3A_71] : memref<2560x16xf32, #tpu.memory_space<vmem>>, vector<2560x16xf32>
    tpu.vector_store %arg7[%swap3A, %swap3A_71], %add3A_70 {strides = array<i32>} : memref<2560x16xf32, #tpu.memory_space<vmem>>, vector<2560x16xf32>,
    %transpose3A = tpu.transpose %add3A_69, [1, 0] : vector<2560x16xf32> -> vector<16x2560xf32>
    %swap3A_73 = arith.constant 0 : index
    %swap3A_74 = arith.constant 0 : index
    %swap3A_75 = vector.load %arg8[%swap3A_73, %swap3A_74] : memref<16x2560xf32, #tpu.memory_space<vmem>>, vector<16x2560xf32>
    tpu.vector_store %arg8[%swap3A_73, %swap3A_74], %transpose3A {strides = array<i32>} : memref<16x2560xf32, #tpu.memory_space<vmem>>, vector<16x2560xf32>,
    return
  }
  func.func @transform_0(%arg0: i32) -> (i32, i32) {
    %c0_i32 = arith.constant 0 : i32
    %c0_i32_0 = arith.constant 0 : i32
    return %arg0, %c0_i32 : i32, i32
  }
  func.func @transform_1(%arg0: i32) -> (i32, i32) {
    %c0_i32 = arith.constant 0 : i32
    %c0_i32_0 = arith.constant 0 : i32
    return %arg0, %c0_i32 : i32, i32
  }
  func.func @transform_2(%arg0: i32) -> (i32, i32) {
    %c0_i32 = arith.constant 0 : i32
    %c0_i32_0 = arith.constant 0 : i32
    %c0_i32_1 = arith.constant 0 : i32
    return %c0_i32, %c0_i32_0 : i32, i32
  }
  func.func @transform_3(%arg0: i32) -> (i32, i32) {
    %c0_i32 = arith.constant 0 : i32
    %c0_i32_0 = arith.constant 0 : i32
    %c0_i32_1 = arith.constant 0 : i32
    return %c0_i32, %c0_i32_0 : i32, i32
  }
  func.func @transform_4(%arg0: i32) -> (i32, i32) {
    %c0_i32 = arith.constant 0 : i32
    %c0_i32_0 = arith.constant 0 : i32
    %c0_i32_1 = arith.constant 0 : i32
    return %c0_i32, %c0_i32_0 : i32, i32
  }
  func.func @transform_5(%arg0: i32) -> (i32, i32) {
    %c0_i32 = arith.constant 0 : i32
    %c0_i32_0 = arith.constant 0 : i32
    %c0_i32_1 = arith.constant 0 : i32
    return %c0_i32, %c0_i32_0 : i32, i32
  }
  func.func @transform_6(%arg0: i32) -> (i32, i32) {
    %c0_i32 = arith.constant 0 : i32
    %c0_i32_0 = arith.constant 0 : i32
    return %arg0, %c0_i32 : i32, i32
  }
  func.func @transform_7(%arg0: i32) -> (i32, i32) {
    %c0_i32 = arith.constant 0 : i32
    %c0_i32_0 = arith.constant 0 : i32
    return %c0_i32, %arg0 : i32, i32
  }
}

module attributes {stable_mosaic.version = 14 : i64} {
  func.func @_node_body(%arg0: i32, %arg1: memref<10000x128xf32, #tpu.memory_space<vmem>>, %arg2: memref<16x10000xf32, #tpu.memory_space<vmem>>, %arg3: memref<16x10000xf32, #tpu.memory_space<vmem>>, %arg4: memref<128x128xf32, #tpu.memory_space<vmem>>, %arg5: memref<16x128xf32, #tpu.memory_space<vmem>>, %arg6: memref<1x128xf32, #tpu.memory_space<vmem>>, %arg7: memref<128x128xf32, #tpu.memory_space<vmem>>, %arg8: memref<1x128xf32, #tpu.memory_space<vmem>>, %arg9: memref<10000x128xf32, #tpu.memory_space<vmem>>) attributes {dimension_semantics = [#tpu.dimension_semantics<arbitrary>], iteration_bounds = array<i64: 1>, scalar_prefetch = 0 : i64, scratch_operands = 0 : i64, tpu.core_type = #tpu.core_type<tc>, window_params = [{pipeline_mode = #tpu.pipeline_mode<synchronous>, transform_indices = @transform_0, window_bounds = array<i64: 10000, 128>}, {pipeline_mode = #tpu.pipeline_mode<synchronous>, transform_indices = @transform_1, window_bounds = array<i64: 16, 10000>}, {pipeline_mode = #tpu.pipeline_mode<synchronous>, transform_indices = @transform_2, window_bounds = array<i64: 16, 10000>}, {pipeline_mode = #tpu.pipeline_mode<synchronous>, transform_indices = @transform_3, window_bounds = array<i64: 128, 128>}, {pipeline_mode = #tpu.pipeline_mode<synchronous>, transform_indices = @transform_4, window_bounds = array<i64: 16, 128>}, {pipeline_mode = #tpu.pipeline_mode<synchronous>, transform_indices = @transform_5, window_bounds = array<i64: 1, 128>}, {pipeline_mode = #tpu.pipeline_mode<synchronous>, transform_indices = @transform_6, window_bounds = array<i64: 128, 128>}, {pipeline_mode = #tpu.pipeline_mode<synchronous>, transform_indices = @transform_7, window_bounds = array<i64: 1, 128>}, {pipeline_mode = #tpu.pipeline_mode<synchronous>, transform_indices = @transform_8, window_bounds = array<i64: 10000, 128>}]} {
    %get3A = arith.constant 0 : index
    %get3A_0 = arith.constant 0 : index
    %get3A_1 = vector.load %arg1[%get3A, %get3A_0] : memref<10000x128xf32, #tpu.memory_space<vmem>>, vector<10000x128xf32>
    %get3A_2 = arith.constant 0 : index
    %get3A_3 = arith.constant 0 : index
    %get3A_4 = vector.load %arg2[%get3A_2, %get3A_3] : memref<16x10000xf32, #tpu.memory_space<vmem>>, vector<16x10000xf32>
    %get3A_5 = arith.constant 0 : index
    %get3A_6 = arith.constant 0 : index
    %get3A_7 = vector.load %arg3[%get3A_5, %get3A_6] : memref<16x10000xf32, #tpu.memory_space<vmem>>, vector<16x10000xf32>
    %add3A = arith.addf %get3A_4, %get3A_7 : vector<16x10000xf32>
    %get3A_8 = arith.constant 0 : index
    %get3A_9 = arith.constant 0 : index
    %get3A_10 = vector.load %arg4[%get3A_8, %get3A_9] : memref<128x128xf32, #tpu.memory_space<vmem>>, vector<128x128xf32>
    %dot_general3A = arith.constant dense<0.000000e+00> : vector<10000x128xf32>
    %dot_general3A_11 = tpu.matmul %get3A_1, %get3A_10, %dot_general3A {dimension_numbers = #tpu.dot_dimension_numbers<[1], [0], [0], [1], [0, 0, 1, 1], [], []>, transpose_lhs_hint = false} : vector<10000x128xf32>, vector<128x128xf32>, vector<10000x128xf32> -> vector<10000x128xf32>
    %get3A_12 = arith.constant 0 : index
    %get3A_13 = arith.constant 0 : index
    %get3A_14 = vector.load %arg5[%get3A_12, %get3A_13] : memref<16x128xf32, #tpu.memory_space<vmem>>, vector<16x128xf32>
    %dot_general3A_15 = arith.constant dense<0.000000e+00> : vector<10000x128xf32>
    %dot_general3A_16 = tpu.matmul %add3A, %get3A_14, %dot_general3A_15 {dimension_numbers = #tpu.dot_dimension_numbers<[0], [0], [1], [1], [0, 1, 1, 1], [], []>, transpose_lhs_hint = false} : vector<16x10000xf32>, vector<16x128xf32>, vector<10000x128xf32> -> vector<10000x128xf32>
    %add3A_17 = arith.addf %dot_general3A_11, %dot_general3A_16 : vector<10000x128xf32>
    %get3A_18 = arith.constant 0 : index
    %get3A_19 = arith.constant 0 : index
    %get3A_20 = vector.load %arg6[%get3A_18, %get3A_19] : memref<1x128xf32, #tpu.memory_space<vmem>>, vector<1x128xf32>
    %add3A_21 = vector.broadcast %get3A_20 : vector<1x128xf32> to vector<10000x128xf32>
    %add3A_22 = arith.addf %add3A_17, %add3A_21 : vector<10000x128xf32>
    %integer_pow3A = arith.mulf %add3A_22, %add3A_22 : vector<10000x128xf32>
    %integer_pow3A_23 = arith.mulf %add3A_22, %integer_pow3A : vector<10000x128xf32>
    %mul3A = arith.constant 4.471500e-02 : f32
    %mul3A_24 = vector.broadcast %mul3A : f32 to vector<10000x128xf32>
    %mul3A_25 = arith.mulf %mul3A_24, %integer_pow3A_23 : vector<10000x128xf32>
    %add3A_26 = arith.addf %add3A_22, %mul3A_25 : vector<10000x128xf32>
    %mul3A_27 = arith.constant 0.797884583 : f32
    %mul3A_28 = vector.broadcast %mul3A_27 : f32 to vector<10000x128xf32>
    %mul3A_29 = arith.mulf %mul3A_28, %add3A_26 : vector<10000x128xf32>
    %tanh3A = math.tanh %mul3A_29 : vector<10000x128xf32>
    %add3A_30 = arith.constant 1.000000e+00 : f32
    %add3A_31 = vector.broadcast %add3A_30 : f32 to vector<10000x128xf32>
    %add3A_32 = arith.addf %add3A_31, %tanh3A : vector<10000x128xf32>
    %mul3A_33 = arith.constant 5.000000e-01 : f32
    %mul3A_34 = vector.broadcast %mul3A_33 : f32 to vector<10000x128xf32>
    %mul3A_35 = arith.mulf %mul3A_34, %add3A_32 : vector<10000x128xf32>
    %mul3A_36 = arith.mulf %add3A_22, %mul3A_35 : vector<10000x128xf32>
    %get3A_37 = arith.constant 0 : index
    %get3A_38 = arith.constant 0 : index
    %get3A_39 = vector.load %arg7[%get3A_37, %get3A_38] : memref<128x128xf32, #tpu.memory_space<vmem>>, vector<128x128xf32>
    %dot_general3A_40 = arith.constant dense<0.000000e+00> : vector<10000x128xf32>
    %dot_general3A_41 = tpu.matmul %mul3A_36, %get3A_39, %dot_general3A_40 {dimension_numbers = #tpu.dot_dimension_numbers<[1], [0], [0], [1], [0, 0, 1, 1], [], []>, transpose_lhs_hint = false} : vector<10000x128xf32>, vector<128x128xf32>, vector<10000x128xf32> -> vector<10000x128xf32>
    %add3A_42 = arith.addf %get3A_1, %dot_general3A_41 : vector<10000x128xf32>
    %get3A_43 = arith.constant 0 : index
    %get3A_44 = arith.constant 0 : index
    %get3A_45 = vector.load %arg8[%get3A_43, %get3A_44] : memref<1x128xf32, #tpu.memory_space<vmem>>, vector<1x128xf32>
    %add3A_46 = vector.broadcast %get3A_45 : vector<1x128xf32> to vector<10000x128xf32>
    %add3A_47 = arith.addf %add3A_42, %add3A_46 : vector<10000x128xf32>
    %swap3A = arith.constant 0 : index
    %swap3A_48 = arith.constant 0 : index
    %swap3A_49 = vector.load %arg9[%swap3A, %swap3A_48] : memref<10000x128xf32, #tpu.memory_space<vmem>>, vector<10000x128xf32>
    tpu.vector_store %arg9[%swap3A, %swap3A_48], %add3A_47 {strides = array<i32>} : memref<10000x128xf32, #tpu.memory_space<vmem>>, vector<10000x128xf32>,
    return
  }
  func.func @transform_0(%arg0: i32) -> (i32, i32) {
    %c0_i32 = arith.constant 0 : i32
    %c0_i32_0 = arith.constant 0 : i32
    %c0_i32_1 = arith.constant 0 : i32
    return %c0_i32, %c0_i32_0 : i32, i32
  }
  func.func @transform_1(%arg0: i32) -> (i32, i32) {
    %c0_i32 = arith.constant 0 : i32
    %c0_i32_0 = arith.constant 0 : i32
    %c0_i32_1 = arith.constant 0 : i32
    return %c0_i32, %c0_i32_0 : i32, i32
  }
  func.func @transform_2(%arg0: i32) -> (i32, i32) {
    %c0_i32 = arith.constant 0 : i32
    %c0_i32_0 = arith.constant 0 : i32
    %c0_i32_1 = arith.constant 0 : i32
    return %c0_i32, %c0_i32_0 : i32, i32
  }
  func.func @transform_3(%arg0: i32) -> (i32, i32) {
    %c0_i32 = arith.constant 0 : i32
    %c0_i32_0 = arith.constant 0 : i32
    %c0_i32_1 = arith.constant 0 : i32
    return %c0_i32, %c0_i32_0 : i32, i32
  }
  func.func @transform_4(%arg0: i32) -> (i32, i32) {
    %c0_i32 = arith.constant 0 : i32
    %c0_i32_0 = arith.constant 0 : i32
    %c0_i32_1 = arith.constant 0 : i32
    return %c0_i32, %c0_i32_0 : i32, i32
  }
  func.func @transform_5(%arg0: i32) -> (i32, i32) {
    %c0_i32 = arith.constant 0 : i32
    %c0_i32_0 = arith.constant 0 : i32
    %c0_i32_1 = arith.constant 0 : i32
    return %c0_i32, %c0_i32_0 : i32, i32
  }
  func.func @transform_6(%arg0: i32) -> (i32, i32) {
    %c0_i32 = arith.constant 0 : i32
    %c0_i32_0 = arith.constant 0 : i32
    %c0_i32_1 = arith.constant 0 : i32
    return %c0_i32, %c0_i32_0 : i32, i32
  }
  func.func @transform_7(%arg0: i32) -> (i32, i32) {
    %c0_i32 = arith.constant 0 : i32
    %c0_i32_0 = arith.constant 0 : i32
    %c0_i32_1 = arith.constant 0 : i32
    return %c0_i32, %c0_i32_0 : i32, i32
  }
  func.func @transform_8(%arg0: i32) -> (i32, i32) {
    %c0_i32 = arith.constant 0 : i32
    %c0_i32_0 = arith.constant 0 : i32
    %c0_i32_1 = arith.constant 0 : i32
    return %c0_i32, %c0_i32_0 : i32, i32
  }
}

</mosaic_0001>

<sc_bundles>
// kernel: kernel.10.cloned.1.call-start
scs
__scs_entry_jumppad:
0x0: {  	(pc) =	sbr.rel $0x88, $3  }
0x1: {  	(tag) =	ssettag $0x0;
	lr =	simm.s32 $0x1  }
0x2: {  	[smem:$0x3F95] =	sst lr;
	_ =	strace $0xD0000000  }
0x3: {  	_ = 	snop  }
0x4: {  	_ = 	snop  }
0x5: {  	_ = 	snop  }
0x6: {  	_ = 	snop  }
0x7: {  	_ = 	snop  }
__scs_overlays_trampoline_lowered:
0x8: {  	[smem:$0x3FA4] =	sst s0  }
0x9: {  	[smem:$0x3FA5] =	sst s1  }
0xa: {  	[smem:$0x3FA6] =	sst s2  }
0xb: {  	[smem:$0x3FA7] =	sst s3  }
0xc: {  	[smem:$0x3FA8] =	sst s4  }
0xd: {  	[smem:$0x3FA9] =	sst s5  }
0xe: {  	[smem:$0x3FAA] =	sst s6  }
0xf: {  	[smem:$0x3FAB] =	sst s7  }
0x10: {  	[smem:$0x3FAC] =	sst s8  }
0x11: {  	[smem:$0x3FAD] =	sst s9;
	s0 =	simm.s32 @!p0 $0x0  }
0x12: {  	s1 =	sld [smem:$0x3F93];
	s0 =	simm.s32 @p0 $0x1  }
0x13: {  	[smem:$0x3FAE] =	sst s0;
	s0 =	simm.s32 @!p1 $0x0  }
0x14: {  	s2 =	sld [smem:$0x3F92];
	s0 =	simm.s32 @p1 $0x1  }
0x15: {  	[smem:$0x3FAF] =	sst s0;
	s0 =	simm.s32 @!p2 $0x0  }
0x16: {  	s3 =	sld [smem:$0x3FDB];
	s0 =	simm.s32 @p2 $0x1  }
0x17: {  	s4 =	simm.s32 $0x1BF5;
	[smem:$0x3FB1] =	sst s0  }
0x18: {  	s0 =	sld [smem:$0x3F94];
	_ =	swait.ge [sflag:s4], $0x0  }
0x19: {  	s7 =	sld [smem:$0x3F95]  }
0x1a: {  	s8 =	sadd.s32 $0xFFFFE003, lr  }
0x1b: {  	s9 =	sadd.s32 $0xFFFFFEF7, lr;
	s5 =	simm.s32 $0xFFFFFFFF;
	p2 =	slt.u32 s8, $0xFFFFF086  }
0x1c: {  	p1 =	slt.u32 s9, $0xF7A;
	s5 =	simm.s32 @!p2 $0x0  }
0x1d: {  	s5 =	simm.s32 @p1 $0x1;
	p0 =	seq.s32 s7, s2  }
0x1e: {  	s7 =	smul.u32 @!p0 $0xF7A, s2;
	p2 =	seq.s32 @!p0 s5, $0x0  }
0x1f: {  	s9 =	smul.u32 $0xF7A, s1;
	s8 =	simm.s32 @!p0 $0x1BF5;
	p2 =	por !p2, p0  }
0x20: {  	[sflag:s8] =	ssyncset.s32 @!p0 $0xFFFFF086;
	s6 =	sadd.s32 @!p0 s3, s7;
	s7 =	simm.s32 @!p0 $0x108  }
0x21: {  	s3 =	sadd.s32 s3, s9;
	s6 =	sadd.s32 @!p0 $0x88, s6;
	s7 =	simm.s32 @p2 $0x1082  }
0x22: {  	[simem:s7], [sflag:s8] =	dma.local @!p0 [hbm:s6], $0xF7A  }
0x23: {  	s9 =	sor.u32 $0xD0000000, s2;
	s6 =	simm.s32 $0x108;
	_ =	swait.ge @!p0 [sflag:s8], $0x0  }
0x24: {  	s3 =	sadd.s32 $0x88, s3;
	s6 =	simm.s32 @!p1 $0x1082;
	[sflag:s4] =	ssyncset.s32 $0xFFFFF086  }
0x25: {  	[simem:s6], [sflag:s4] =	dma.local [hbm:s3], $0xF7A  }
0x26: {  	[smem:$0x3F95] =	sst s1;
	(tag) =	ssettag s2;
	_ =	strace s9  }
0x27: {  	s1 =	sld [smem:$0x3FA5]  }
0x28: {  	s2 =	sld [smem:$0x3FA6]  }
0x29: {  	s4 =	sld [smem:$0x3FA8]  }
0x2a: {  	p0 =	seq.s32 s5, $0x0;
	s5 =	sld [smem:$0x3FA9]  }
0x2b: {  	s6 =	sld [smem:$0x3FAA]  }
0x2c: {  	s7 =	sld [smem:$0x3FAB]  }
0x2d: {  	s3 =	simm.s32 $0x108;
	s8 =	sld [smem:$0x3FAC]  }
0x2e: {  	s3 =	simm.s32 @!p0 $0x1082;
	s9 =	sld [smem:$0x3FAD]  }
0x2f: {  	lr =	sadd.s32 s0, s3;
	s0 =	sld [smem:$0x3FA4]  }
0x30: {  	s3 =	sld [smem:$0x3FA7]  }
0x31: {  	[smem:$0x3FB0] =	sst s10  }
0x32: {  	s10 =	sld [smem:$0x3FAE];
	_ =	sdelay $0x3  }
0x33: {  	p0 =	seq.s32 s10, $0x1;
	s10 =	sld [smem:$0x3FB0];
	_ =	sdelay $0x3  }
0x34: {  	[smem:$0x3FB0] =	sst s10  }
0x35: {  	s10 =	sld [smem:$0x3FAF];
	_ =	sdelay $0x3  }
0x36: {  	p1 =	seq.s32 s10, $0x1;
	s10 =	sld [smem:$0x3FB0];
	_ =	sdelay $0x3  }
0x37: {  	[smem:$0x3FB0] =	sst s10  }
0x38: {  	s10 =	sld [smem:$0x3FB1]  }
0x39: {  	_ = 	snop;
	(pc) =	sbr.ind lr, $3  }
0x3a: {  	_ = 	snop  }
0x3b: {  	_ = 	snop  }
0x3c: {  	p2 =	seq.s32 s10, $0x1;
	s10 =	sld [smem:$0x3FB0]  }
0x3d: {  	_ =	shalt  }
0x3e: {  	_ =	shalt  }
0x3f: {  	_ =	shalt  }
0x40: {  	_ =	shalt  }
0x41: {  	_ =	shalt  }
0x42: {  	_ =	shalt  }
0x43: {  	_ =	shalt  }
0x44: {  	_ =	shalt  }
0x45: {  	_ =	shalt  }
0x46: {  	_ =	shalt  }
0x47: {  	_ =	shalt  }
0x48: {  	_ =	shalt  }
0x49: {  	_ =	shalt  }
0x4a: {  	_ =	shalt  }
0x4b: {  	_ =	shalt  }
0x4c: {  	_ =	shalt  }
0x4d: {  	_ =	shalt  }
0x4e: {  	_ =	shalt  }
0x4f: {  	_ =	shalt  }
0x50: {  	_ =	shalt  }
0x51: {  	_ =	shalt  }
0x52: {  	_ =	shalt  }
0x53: {  	_ =	shalt  }
0x54: {  	_ =	shalt  }
0x55: {  	_ =	shalt  }
0x56: {  	_ =	shalt  }
0x57: {  	_ =	shalt  }
0x58: {  	_ =	shalt  }
0x59: {  	_ =	shalt  }
0x5a: {  	_ =	shalt  }
0x5b: {  	_ =	shalt  }
0x5c: {  	_ =	shalt  }
0x5d: {  	_ =	shalt  }
0x5e: {  	_ =	shalt  }
0x5f: {  	_ =	shalt  }
0x60: {  	_ =	shalt  }
0x61: {  	_ =	shalt  }
0x62: {  	_ =	shalt  }
0x63: {  	_ =	shalt  }
0x64: {  	_ =	shalt  }
0x65: {  	_ =	shalt  }
0x66: {  	_ =	shalt  }
0x67: {  	_ =	shalt  }
0x68: {  	_ =	shalt  }
0x69: {  	_ =	shalt  }
0x6a: {  	_ =	shalt  }
0x6b: {  	_ =	shalt  }
0x6c: {  	_ =	shalt  }
0x6d: {  	_ =	shalt  }
0x6e: {  	_ =	shalt  }
0x6f: {  	_ =	shalt  }
0x70: {  	_ =	shalt  }
0x71: {  	_ =	shalt  }
0x72: {  	_ =	shalt  }
0x73: {  	_ =	shalt  }
0x74: {  	_ =	shalt  }
0x75: {  	_ =	shalt  }
0x76: {  	_ =	shalt  }
0x77: {  	_ =	shalt  }
0x78: {  	_ =	shalt  }
0x79: {  	_ =	shalt  }
0x7a: {  	_ =	shalt  }
0x7b: {  	_ =	shalt  }
0x7c: {  	_ =	shalt  }
0x7d: {  	_ =	shalt  }
0x7e: {  	_ =	shalt  }
0x7f: {  	_ =	shalt  }
0x80: {  	_ =	shalt  }
0x81: {  	_ =	shalt  }
0x82: {  	_ =	shalt  }
0x83: {  	_ =	shalt  }
0x84: {  	_ =	shalt  }
0x85: {  	_ =	shalt  }
0x86: {  	_ =	shalt  }
0x87: {  	_ =	shalt  }
.Lfunc_end0:
.L_simem_size_0:
called_computation.1_lowered:
.L_overlay_start_0:
0x88: {  	s2 =	sld [smem:$0x3FD9]  }
0x89: {  	s3 =	sld [smem:$0x3FFE];
	_ =	sdelay $0x1  }
0x8a: {  	s1 =	srdreg.scid  }
0x8b: {  	s0 =	sand.u32 $0x1, s1  }
0x8c: {  	s14 =	sshll.u32 s0, $0xA;
	s2 =	sadd.s32 s3, s2  }
0x8d: {  	s2 =	sadd.s32 s2, s14  }
0x8e: {  	[smem:$0x3FBC] =	sst s2  }
0x8f: {  	_ = 	snop  }
0x90: {  	s2 =	sld [smem:$0x3FD0];
	_ =	sdelay $0x2  }
0x91: {  	s4 =	simm.s32 $0xA;
	s5 =	simm.s32 $0x10;
	s15 =	sld [smem:$0x3FC7]  }
0x92: {  	[smem:s5], [sflag:s4] =	dma.local [hbm:s2], $0x1  }
0x93: {  	_ =	swait.eq [sflag:s4], $0x1  }
0x94: {  	[sflag:s4] =	ssyncset.done $0x0  }
0x95: {  	[sflag:s4] =	ssyncadd.s32 $0xFFFFFFFF  }
0x96: {  	s16 =	sld [smem:$0x10];
	(tm) =	ssettm $0x1  }
0x97: {  	s17 =	sld [smem:$0x3FFB];
	_ =	sdelay $0x3  }
0x98: {  	_ =	strace s17  }
0x99: {  	s4 =	sld [smem:$0x3FFC];
	_ =	sdelay $0x3  }
0x9a: {  	_ =	strace s4  }
0x9b: {  	s4 =	sld [smem:$0x3FFD];
	_ =	sdelay $0x3  }
0x9c: {  	_ =	strace s4  }
0x9d: {  	_ =	strace $0x8FFFFFFF  }
0x9e: {  	s18 =	sld [smem:$0x3FDB];
	_ =	sdelay $0x1  }
0x9f: {  	s19 =	simm.s32 $_scs_section_size  }
0xa0: {  	s6 =	simm.s32 $_size__tile_overlayer_lowered;
	s7 =	simm.s32 $_tile_overlayer_lowered  }
0xa1: {  	s22 =	simm.s32 $0x1BFF;
	s21 =	sshll.u32 s7, $0x1;
	s4 =	sadd.s32 s19, s18  }
0xa2: {  	s8 =	simm.s32 $0x0;
	s20 =	sshll.u32 s6, $0x1;
	s6 =	sadd.s32 s21, s4  }
0xa3: {  	[timem:s8], [sflag:s22] =	dma.local [hbm:s6], s20  }
0xa4: {  	_ =	swait.ge [sflag:s22], s20  }
0xa5: {  	s5 =	ssub.s32 $0x0, s20;
	[sflag:s22] =	ssyncset.done $0x0  }
0xa6: {  	[sflag:s22] =	ssyncadd.s32 s5;
	_ =	sdelay $0x1  }
0xa7: {  	s23 =	simm.s32 $0x1B8B  }
0xa8: {  	_ =	swait.ge [sflag:s23], $0x1  }
0xa9: {  	[sflag:s23] =	ssyncset.done $0x0  }
0xaa: {  	s25 =	simm.s32 $0x1B8E;
	s24 =	sld [smem:$0x3FFE];
	[sflag:s23] =	ssyncadd.s32 $0xFFFFFFFF  }
0xab: {  	s26 =	simm.s32 $execute0_lowered;
	[smem:$0x3FD2] =	sst s25  }
0xac: {  	s6 =	sshll.u32 s26, $0x1;
	_ =	strace $0x80000049;
	[dreg:$0x1] =	wrdreg $0xFFFFFFFF  }
0xad: {  	s28 =	simm.s32 $_size_execute0_lowered;
	s4 =	sadd.s32 s4, s6;
	[dreg:$0x0] =	wrdreg $0x0  }
0xae: {  	s6 =	sshll.u32 s28, $0x1;
	[dreg:$0x2] =	wrdreg s4  }
0xaf: {  	[dreg:$0x3] =	wrdreg s6  }
0xb0: {  	[dreg:$0x4] =	wrdreg $0xC0  }
0xb1: {  	_ =	task [dreg:s8], $0x5FFFF  }
0xb2: {  	[dreg:$0x1] =	wrdreg $0xFFFFFFFF  }
0xb3: {  	[dreg:$0x0] =	wrdreg $0x60  }
0xb4: {  	[dreg:$0x2] =	wrdreg s15  }
0xb5: {  	[dreg:$0x3] =	wrdreg s24  }
0xb6: {  	[dreg:$0x4] =	wrdreg s16  }
0xb7: {  	[dreg:$0x5] =	wrdreg $0x9  }
0xb8: {  	_ =	task.clear_ibuf [dreg:s8], $0x6FFFF;
	_ =	strace $0x90000049  }
0xb9: {  	s29 =	simm.s32 $0x9;
	_ =	strace $0x8000004B  }
0xba: {  	_ =	swait.ge [sflag:s29], $0x1  }
0xbb: {  	[sflag:s29] =	ssyncadd.s32 $0xFFFFFFFF  }
0xbc: {  	_ =	strace $0x9000004B  }
0xbd: {  	_ =	sfence  }
0xbe: {  	s30 =	sld [smem:$0x0];
	_ =	sdelay $0x2  }
0xbf: {  	s31 =	sshll.u32 s1, $0xD;
	s1 =	sshrl.u32 s1, $0x2  }
0xc0: {  	s3 =	sand.u32 $0x4000, s31;
	s1 =	sadd.s32 s1, s30  }
0xc1: {  	s0 =	sor.u32 s3, s0;
	s1 =	sshll.u32 s1, $0x11  }
0xc2: {  	s0 =	sor.u32 s1, s0  }
0xc3: {  	s0 =	sadd.s32 $0x8F2B, s0  }
0xc4: {  	[sflag:s0] =	ssyncadd.remote.s32 $0x1  }
0xc5: {  	_ =	sfence.sel $0xFFFF  }
0xc6: {  	[dreg:$0x0] =	wrdreg $0xFFFFFFFF;
	(pc) =	sbr.abs _section_cstart, $3  }
0xc7: {  	[dreg:$0x1] =	wrdreg $0xFFFFFFFF  }
0xc8: {  	_ =	task.clear_ibuf [dreg:s8], $0x2FFFF;
	_ =	strace $0x9FFFFFFF  }
0xc9: {  	(tm) =	ssettm $0x7FFFFFFF  }
tec
execute0_lowered:
.L_overlay_start_1:
0x0: {  	(tag) =	ssettag $0x1  }
0x1: {  	s1 =	rddreg [dreg:$0x0]  }
0x2: {  	s6 =	rddreg [dreg:$0x1]  }
0x3: {  	s11 =	rddreg [dreg:$0x2]  }
0x4: {  	s0 =	rddreg [dreg:$0x3]  }
0x5: {  	s3 =	simm.s32 $0x0;
	s2 =	srdreg.scid;
	s14 =	simm.s32 $0x3  }
0x6: {  	s15 =	simm.s32 $0x1900;
	s16 =	simm.s32 $0x3200;
	s17 =	simm.s32 $0x4B00  }
0x7: {  	s18 =	simm.s32 $0x1;
	s19 =	simm.s32 $0x2;
	s4 =	sand.u32 $0x1, s2  }
0x8: {  	s20 =	simm.s32 $0x0;
	s2 =	stileid.u32;
	s10 =	smul.u32 $0x27100, s4  }
0x9: {  	[smem:$0x7FF] =	sst s3;
	s7 =	ssub.s32 $0x2, s4;
	s4 =	smul.u32 $0x4E200, s2  }
0xa: {  	s5 =	sadd.s32 $0x3C00, s6;
	s9 =	smul.u32 $0x2710, s2;
	s8 =	sshrl.u32 s7, $0x1  }
0xb: {  	s6 =	sadd.s32 $0xA0000, s6;
	_ =	strace $0x8000004A;
	s12 =	ssub.s32 s7, s8  }
0xc: {  	s29 =	sadd.s32 s10, s4;
	s30 =	sshrl.u32 s10, $0x3;
	s9 =	sadd.s32 s9, s10  }
0xd: {  	s13 =	sshrl.u32 s29, $0x3;
	s7 =	sadd.s32 s1, s30;
	s31 =	sshrl.u32 s9, $0x3  }
0xe: {  	s9 =	sadd.s32 $0x1900, s10;
	s10 =	sadd.s32 $0x3200, s10;
	s12 =	smax.u32 s12, $0x1  }
0xf: {  	s8 =	sadd.s32 s5, s13;
	s11 =	sadd.s32 s11, s31;
	s13 =	simm.s32 $0x6400  }
.LBB2_1:
0x10: {  	[tilespmem:s13], [sflag:$0x3] =	stream.linear.gather [hbm4b:s6+s3], $0x2710, $0x38;
	[tilespmem:$0x8B10] =	vst v63  }
0x11: {  	_ =	swait.ge [sflag:s14], $0x2710  }
0x12: {  	[sflag:s14] =	ssyncset.done $0x0  }
0x13: {  	[sflag:s14] =	ssyncadd.s32 $0xFFFFD8F0  }
0x14: {  	[tilespmem:s3], [sflag:$0x1] =	stream.linear.gather [hbm4b:s7+s3], $0x1900, $0x38;
	[tilespmem:$0x8B10] =	vst v63  }
0x15: {  	s21 =	simm.s32 $0x0  }
0x16: {  	[tilespmem:s15], [sflag:$0x1] =	stream.linear.gather [hbm4b:s8+s3], $0x1900, $0x38;
	[tilespmem:$0x8B10] =	vst v63  }
.LBB2_2:
0x17: {  	s22 =	smul.u32 $0x3200, s21;
	_ =	sdelay $0x1  }
0x18: {  	s24 =	sadd.s32 s22, s9  }
0x19: {  	s23 =	sshrl.u32 s24, $0x3;
	s24 =	sadd.s32 s4, s24  }
0x1a: {  	s25 =	sadd.s32 s1, s23;
	s23 =	simm.s32 $0x0;
	s24 =	sshrl.u32 s24, $0x3  }
0x1b: {  	[tilespmem:s16], [sflag:$0x2] =	stream.linear.gather [hbm4b:s25+s23], $0x1900, $0x38;
	[tilespmem:$0x8B10] =	vst v63  }
0x1c: {  	s24 =	sadd.s32 s5, s24  }
0x1d: {  	[tilespmem:s17], [sflag:$0x2] =	stream.linear.gather [hbm4b:s24+s23], $0x1900, $0x38;
	[tilespmem:$0x8B10] =	vst v63  }
0x1e: {  	_ =	swait.ge [sflag:s18], $0x1900  }
0x1f: {  	[sflag:s18] =	ssyncset.done $0x0  }
0x20: {  	[sflag:s18] =	ssyncadd.s32 $0xFFFFE700  }
0x21: {  	_ =	swait.ge [sflag:s18], $0x1900  }
0x22: {  	[sflag:s18] =	ssyncset.done $0x0  }
0x23: {  	[sflag:s18] =	ssyncadd.s32 $0xFFFFE700  }
.LBB2_3:
0x24: {  	s24 =	sshra.s32 s23, $0x2  }
0x25: {  	v0 =	vld [tilespmem:s24+$0x0];
	_ =	sdelay $0x2  }
0x26: {  	v1 =	vld [tilespmem:s24+$0x1900];
	_ =	sdelay $0x4  }
0x27: {  	[tilespmem:v0+s13+$0x0] =	vst.idx.add.f32.msk $0xffff, v1  }
0x28: {  	v0 =	vld [tilespmem:s24+$0x10];
	_ =	sdelay $0x2  }
0x29: {  	v1 =	vld [tilespmem:s24+$0x1910];
	_ =	sdelay $0x4  }
0x2a: {  	[tilespmem:v0+s13+$0x0] =	vst.idx.add.f32.msk $0xffff, v1  }
0x2b: {  	v0 =	vld [tilespmem:s24+$0x20];
	_ =	sdelay $0x2  }
0x2c: {  	v1 =	vld [tilespmem:s24+$0x1920];
	_ =	sdelay $0x4  }
0x2d: {  	[tilespmem:v0+s13+$0x0] =	vst.idx.add.f32.msk $0xffff, v1  }
0x2e: {  	v0 =	vld [tilespmem:s24+$0x30];
	_ =	sdelay $0x2  }
0x2f: {  	v1 =	vld [tilespmem:s24+$0x1930];
	_ =	sdelay $0x4  }
0x30: {  	[tilespmem:v0+s13+$0x0] =	vst.idx.add.f32.msk $0xffff, v1  }
0x31: {  	v0 =	vld [tilespmem:s24+$0x40];
	_ =	sdelay $0x2  }
0x32: {  	v1 =	vld [tilespmem:s24+$0x1940];
	_ =	sdelay $0x4  }
0x33: {  	[tilespmem:v0+s13+$0x0] =	vst.idx.add.f32.msk $0xffff, v1  }
0x34: {  	v0 =	vld [tilespmem:s24+$0x50];
	_ =	sdelay $0x2  }
0x35: {  	v1 =	vld [tilespmem:s24+$0x1950];
	_ =	sdelay $0x4  }
0x36: {  	[tilespmem:v0+s13+$0x0] =	vst.idx.add.f32.msk $0xffff, v1  }
0x37: {  	v0 =	vld [tilespmem:s24+$0x60];
	_ =	sdelay $0x2  }
0x38: {  	v1 =	vld [tilespmem:s24+$0x1960];
	_ =	sdelay $0x4  }
0x39: {  	[tilespmem:v0+s13+$0x0] =	vst.idx.add.f32.msk $0xffff, v1  }
0x3a: {  	v0 =	vld [tilespmem:s24+$0x70];
	_ =	sdelay $0x2  }
0x3b: {  	p0 =	sne.s32 s23, $0x6200;
	v1 =	vld [tilespmem:s24+$0x1970]  }
.Ltmp0:
0x3c: {  	_ = 	snop;
	(pc) =	sbr.rel @p0 .LBB2_3-.Ltmp0, $2  }
0x3d: {  	_ =	sdelay $0x2  }
0x3e: {  	s23 =	sadd.s32 $0x200, s23;
	[tilespmem:v0+s13+$0x0] =	vst.idx.add.f32.msk $0xffff, v1  }
0x3f: {  	s23 =	sadd.s32 s22, s10  }
0x40: {  	s22 =	sshrl.u32 s23, $0x3;
	s23 =	sadd.s32 s4, s23  }
0x41: {  	s24 =	sadd.s32 s1, s22;
	s22 =	simm.s32 $0x0;
	s23 =	sshrl.u32 s23, $0x3  }
0x42: {  	[tilespmem:s22], [sflag:$0x1] =	stream.linear.gather [hbm4b:s24+s22], $0x1900, $0x38;
	[tilespmem:$0x8B10] =	vst v63  }
0x43: {  	s23 =	sadd.s32 s5, s23  }
0x44: {  	[tilespmem:s15], [sflag:$0x1] =	stream.linear.gather [hbm4b:s23+s22], $0x1900, $0x38;
	[tilespmem:$0x8B10] =	vst v63  }
0x45: {  	_ =	swait.ge [sflag:s19], $0x1900  }
0x46: {  	[sflag:s19] =	ssyncset.done $0x0  }
0x47: {  	[sflag:s19] =	ssyncadd.s32 $0xFFFFE700  }
0x48: {  	_ =	swait.ge [sflag:s19], $0x1900  }
0x49: {  	[sflag:s19] =	ssyncset.done $0x0  }
0x4a: {  	[sflag:s19] =	ssyncadd.s32 $0xFFFFE700  }
.LBB2_5:
0x4b: {  	s23 =	sshra.s32 s22, $0x2  }
0x4c: {  	v0 =	vld [tilespmem:s23+$0x3200];
	_ =	sdelay $0x2  }
0x4d: {  	v1 =	vld [tilespmem:s23+$0x4B00];
	_ =	sdelay $0x4  }
0x4e: {  	[tilespmem:v0+s13+$0x0] =	vst.idx.add.f32.msk $0xffff, v1  }
0x4f: {  	v0 =	vld [tilespmem:s23+$0x3210];
	_ =	sdelay $0x2  }
0x50: {  	v1 =	vld [tilespmem:s23+$0x4B10];
	_ =	sdelay $0x4  }
0x51: {  	[tilespmem:v0+s13+$0x0] =	vst.idx.add.f32.msk $0xffff, v1  }
0x52: {  	v0 =	vld [tilespmem:s23+$0x3220];
	_ =	sdelay $0x2  }
0x53: {  	v1 =	vld [tilespmem:s23+$0x4B20];
	_ =	sdelay $0x4  }
0x54: {  	[tilespmem:v0+s13+$0x0] =	vst.idx.add.f32.msk $0xffff, v1  }
0x55: {  	v0 =	vld [tilespmem:s23+$0x3230];
	_ =	sdelay $0x2  }
0x56: {  	v1 =	vld [tilespmem:s23+$0x4B30];
	_ =	sdelay $0x4  }
0x57: {  	[tilespmem:v0+s13+$0x0] =	vst.idx.add.f32.msk $0xffff, v1  }
0x58: {  	v0 =	vld [tilespmem:s23+$0x3240];
	_ =	sdelay $0x2  }
0x59: {  	v1 =	vld [tilespmem:s23+$0x4B40];
	_ =	sdelay $0x4  }
0x5a: {  	[tilespmem:v0+s13+$0x0] =	vst.idx.add.f32.msk $0xffff, v1  }
0x5b: {  	v0 =	vld [tilespmem:s23+$0x3250];
	_ =	sdelay $0x2  }
0x5c: {  	v1 =	vld [tilespmem:s23+$0x4B50];
	_ =	sdelay $0x4  }
0x5d: {  	[tilespmem:v0+s13+$0x0] =	vst.idx.add.f32.msk $0xffff, v1  }
0x5e: {  	v0 =	vld [tilespmem:s23+$0x3260];
	_ =	sdelay $0x2  }
0x5f: {  	v1 =	vld [tilespmem:s23+$0x4B60];
	_ =	sdelay $0x4  }
0x60: {  	[tilespmem:v0+s13+$0x0] =	vst.idx.add.f32.msk $0xffff, v1  }
0x61: {  	v0 =	vld [tilespmem:s23+$0x3270];
	_ =	sdelay $0x2  }
0x62: {  	p0 =	sne.s32 s22, $0x6200;
	v1 =	vld [tilespmem:s23+$0x4B70]  }
.Ltmp1:
0x63: {  	_ = 	snop;
	(pc) =	sbr.rel @p0 .LBB2_5-.Ltmp1, $2  }
0x64: {  	_ =	sdelay $0x2  }
0x65: {  	s22 =	sadd.s32 $0x200, s22;
	[tilespmem:v0+s13+$0x0] =	vst.idx.add.f32.msk $0xffff, v1  }
0x66: {  	s21 =	sadd.s32 $0x1, s21  }
0x67: {  	p0 =	sne.s32 s21, $0xC  }
.Ltmp2:
0x68: {  	_ = 	snop;
	(pc) =	sbr.rel @p0 .LBB2_2-.Ltmp2, $1  }
0x69: {  	_ =	sdelay $0x3  }
0x6a: {  	_ =	swait.ge [sflag:s18], $0x1900  }
0x6b: {  	[sflag:s18] =	ssyncset.done $0x0  }
0x6c: {  	[sflag:s18] =	ssyncadd.s32 $0xFFFFE700  }
0x6d: {  	_ =	swait.ge [sflag:s18], $0x1900  }
0x6e: {  	[sflag:s18] =	ssyncset.done $0x0  }
0x6f: {  	s21 =	simm.s32 $0x0;
	[sflag:s18] =	ssyncadd.s32 $0xFFFFE700  }
.LBB2_8:
0x70: {  	s22 =	sshra.s32 s21, $0x2  }
0x71: {  	v0 =	vld [tilespmem:s22+$0x0];
	_ =	sdelay $0x2  }
0x72: {  	v1 =	vld [tilespmem:s22+$0x1900];
	_ =	sdelay $0x4  }
0x73: {  	[tilespmem:v0+s13+$0x0] =	vst.idx.add.f32.msk $0xffff, v1  }
0x74: {  	v0 =	vld [tilespmem:s22+$0x10];
	_ =	sdelay $0x2  }
0x75: {  	v1 =	vld [tilespmem:s22+$0x1910];
	_ =	sdelay $0x4  }
0x76: {  	[tilespmem:v0+s13+$0x0] =	vst.idx.add.f32.msk $0xffff, v1  }
0x77: {  	v0 =	vld [tilespmem:s22+$0x20];
	_ =	sdelay $0x2  }
0x78: {  	v1 =	vld [tilespmem:s22+$0x1920];
	_ =	sdelay $0x4  }
0x79: {  	[tilespmem:v0+s13+$0x0] =	vst.idx.add.f32.msk $0xffff, v1  }
0x7a: {  	v0 =	vld [tilespmem:s22+$0x30];
	_ =	sdelay $0x2  }
0x7b: {  	v1 =	vld [tilespmem:s22+$0x1930];
	_ =	sdelay $0x4  }
0x7c: {  	[tilespmem:v0+s13+$0x0] =	vst.idx.add.f32.msk $0xffff, v1  }
0x7d: {  	v0 =	vld [tilespmem:s22+$0x40];
	_ =	sdelay $0x2  }
0x7e: {  	v1 =	vld [tilespmem:s22+$0x1940];
	_ =	sdelay $0x4  }
0x7f: {  	[tilespmem:v0+s13+$0x0] =	vst.idx.add.f32.msk $0xffff, v1  }
0x80: {  	v0 =	vld [tilespmem:s22+$0x50];
	_ =	sdelay $0x2  }
0x81: {  	v1 =	vld [tilespmem:s22+$0x1950];
	_ =	sdelay $0x4  }
0x82: {  	[tilespmem:v0+s13+$0x0] =	vst.idx.add.f32.msk $0xffff, v1  }
0x83: {  	v0 =	vld [tilespmem:s22+$0x60];
	_ =	sdelay $0x2  }
0x84: {  	v1 =	vld [tilespmem:s22+$0x1960];
	_ =	sdelay $0x4  }
0x85: {  	[tilespmem:v0+s13+$0x0] =	vst.idx.add.f32.msk $0xffff, v1  }
0x86: {  	v0 =	vld [tilespmem:s22+$0x70];
	_ =	sdelay $0x2  }
0x87: {  	p0 =	sne.s32 s21, $0x6200;
	v1 =	vld [tilespmem:s22+$0x1970]  }
.Ltmp3:
0x88: {  	_ = 	snop;
	(pc) =	sbr.rel @p0 .LBB2_8-.Ltmp3, $2  }
0x89: {  	_ =	sdelay $0x2  }
0x8a: {  	s21 =	sadd.s32 $0x200, s21;
	[tilespmem:v0+s13+$0x0] =	vst.idx.add.f32.msk $0xffff, v1  }
0x8b: {  	s20 =	sadd.s32 $0x1, s20  }
0x8c: {  	p0 =	sne.s32 s20, s12  }
.Ltmp4:
0x8d: {  	_ = 	snop;
	(pc) =	sbr.rel @p0 .LBB2_1-.Ltmp4, $4  }
0x8e: {  	[hbm4b:s11+s3] =	stream.linear.scatter [tilespmem:s13], [sflag:$0x3], $0x2710, $0x38;
	[tilespmem:$0x8B10] =	vst v63  }
0x8f: {  	_ =	swait.ge [sflag:s14], $0x2710  }
0x90: {  	[sflag:s14] =	ssyncset.done $0x0  }
0x91: {  	[sflag:s14] =	ssyncadd.s32 $0xFFFFD8F0  }
0x92: {  	_ =	sfence.sel $0x180000  }
0x93: {  	[bflag:$0x0] =	sbarrier.arrive $0xFFFF  }
0x94: {  	p0 =	sne.s32 s2, $0x0;
	_ =	strace $0x9000004A  }
0x95: {  	s0 =	sadd.s32 @!p0 $0x100000, s0;
	[bflag:$0x2] =	sbarrier.arrive $0xFFFF  }
0x96: {  	[sflag:s0] =	ssyncadd.tile.s32 @!p0 $0x1;
	_ =	shalt  }
.Lfunc_end2:
_tile_overlayer_lowered:
.L_overlay_start_2:
0x97: {  	(tag) =	ssettag $0x2  }
0x98: {  	s0 =	rddreg [dreg:$0x0];
	s2 =	stileid.u32  }
0x99: {  	s1 =	rddreg [dreg:$0x1];
	p0 =	sne.s32 s2, $0x0  }
0x9a: {  	s3 =	rddreg [dreg:$0x2];
	[bflag:$0x3] =	sbarrier.arrive $0xFFFF;
	s2 =	simm.s32 @!p0 $0x1C03  }
0x9b: {  	[timem:s3], [sflag:s2] =	dma.local @!p0 [hbm:s0], s1  }
0x9c: {  	s0 =	simm.s32 @!p0 $0x3  }
0x9d: {  	_ =	swait.ge @!p0 [sflag:s0], s1  }
0x9e: {  	s1 =	ssub.s32 @!p0 $0x0, s1;
	[sflag:s0] =	ssyncset.done @!p0 $0x0  }
0x9f: {  	[sflag:s0] =	ssyncadd.s32 @!p0 s1  }
0xa0: {  	[bflag:$0x3] =	sbarrier.arrive $0xFFFF  }
0xa1: {  	_ =	shalt  }

// kernel: kernel.7.cloned.1.call-start
scs
__scs_entry_jumppad:
0x0: {  	(pc) =	sbr.rel $0x88, $3  }
0x1: {  	(tag) =	ssettag $0x0;
	lr =	simm.s32 $0x1  }
0x2: {  	[smem:$0x3F95] =	sst lr;
	_ =	strace $0xD0000000  }
0x3: {  	_ = 	snop  }
0x4: {  	_ = 	snop  }
0x5: {  	_ = 	snop  }
0x6: {  	_ = 	snop  }
0x7: {  	_ = 	snop  }
__scs_overlays_trampoline_lowered:
0x8: {  	[smem:$0x3FA4] =	sst s0  }
0x9: {  	[smem:$0x3FA5] =	sst s1  }
0xa: {  	[smem:$0x3FA6] =	sst s2  }
0xb: {  	[smem:$0x3FA7] =	sst s3  }
0xc: {  	[smem:$0x3FA8] =	sst s4  }
0xd: {  	[smem:$0x3FA9] =	sst s5  }
0xe: {  	[smem:$0x3FAA] =	sst s6  }
0xf: {  	[smem:$0x3FAB] =	sst s7  }
0x10: {  	[smem:$0x3FAC] =	sst s8  }
0x11: {  	[smem:$0x3FAD] =	sst s9;
	s0 =	simm.s32 @!p0 $0x0  }
0x12: {  	s1 =	sld [smem:$0x3F93];
	s0 =	simm.s32 @p0 $0x1  }
0x13: {  	[smem:$0x3FAE] =	sst s0;
	s0 =	simm.s32 @!p1 $0x0  }
0x14: {  	s2 =	sld [smem:$0x3F92];
	s0 =	simm.s32 @p1 $0x1  }
0x15: {  	[smem:$0x3FAF] =	sst s0;
	s0 =	simm.s32 @!p2 $0x0  }
0x16: {  	s3 =	sld [smem:$0x3FDB];
	s0 =	simm.s32 @p2 $0x1  }
0x17: {  	s4 =	simm.s32 $0x1BF5;
	[smem:$0x3FB1] =	sst s0  }
0x18: {  	s0 =	sld [smem:$0x3F94];
	_ =	swait.ge [sflag:s4], $0x0  }
0x19: {  	s7 =	sld [smem:$0x3F95]  }
0x1a: {  	s8 =	sadd.s32 $0xFFFFE003, lr  }
0x1b: {  	s9 =	sadd.s32 $0xFFFFFEF7, lr;
	s5 =	simm.s32 $0xFFFFFFFF;
	p2 =	slt.u32 s8, $0xFFFFF086  }
0x1c: {  	p1 =	slt.u32 s9, $0xF7A;
	s5 =	simm.s32 @!p2 $0x0  }
0x1d: {  	s5 =	simm.s32 @p1 $0x1;
	p0 =	seq.s32 s7, s2  }
0x1e: {  	s7 =	smul.u32 @!p0 $0xF7A, s2;
	p2 =	seq.s32 @!p0 s5, $0x0  }
0x1f: {  	s9 =	smul.u32 $0xF7A, s1;
	s8 =	simm.s32 @!p0 $0x1BF5;
	p2 =	por !p2, p0  }
0x20: {  	[sflag:s8] =	ssyncset.s32 @!p0 $0xFFFFF086;
	s6 =	sadd.s32 @!p0 s3, s7;
	s7 =	simm.s32 @!p0 $0x108  }
0x21: {  	s3 =	sadd.s32 s3, s9;
	s6 =	sadd.s32 @!p0 $0x88, s6;
	s7 =	simm.s32 @p2 $0x1082  }
0x22: {  	[simem:s7], [sflag:s8] =	dma.local @!p0 [hbm:s6], $0xF7A  }
0x23: {  	s9 =	sor.u32 $0xD0000000, s2;
	s6 =	simm.s32 $0x108;
	_ =	swait.ge @!p0 [sflag:s8], $0x0  }
0x24: {  	s3 =	sadd.s32 $0x88, s3;
	s6 =	simm.s32 @!p1 $0x1082;
	[sflag:s4] =	ssyncset.s32 $0xFFFFF086  }
0x25: {  	[simem:s6], [sflag:s4] =	dma.local [hbm:s3], $0xF7A  }
0x26: {  	[smem:$0x3F95] =	sst s1;
	(tag) =	ssettag s2;
	_ =	strace s9  }
0x27: {  	s1 =	sld [smem:$0x3FA5]  }
0x28: {  	s2 =	sld [smem:$0x3FA6]  }
0x29: {  	s4 =	sld [smem:$0x3FA8]  }
0x2a: {  	p0 =	seq.s32 s5, $0x0;
	s5 =	sld [smem:$0x3FA9]  }
0x2b: {  	s6 =	sld [smem:$0x3FAA]  }
0x2c: {  	s7 =	sld [smem:$0x3FAB]  }
0x2d: {  	s3 =	simm.s32 $0x108;
	s8 =	sld [smem:$0x3FAC]  }
0x2e: {  	s3 =	simm.s32 @!p0 $0x1082;
	s9 =	sld [smem:$0x3FAD]  }
0x2f: {  	lr =	sadd.s32 s0, s3;
	s0 =	sld [smem:$0x3FA4]  }
0x30: {  	s3 =	sld [smem:$0x3FA7]  }
0x31: {  	[smem:$0x3FB0] =	sst s10  }
0x32: {  	s10 =	sld [smem:$0x3FAE];
	_ =	sdelay $0x3  }
0x33: {  	p0 =	seq.s32 s10, $0x1;
	s10 =	sld [smem:$0x3FB0];
	_ =	sdelay $0x3  }
0x34: {  	[smem:$0x3FB0] =	sst s10  }
0x35: {  	s10 =	sld [smem:$0x3FAF];
	_ =	sdelay $0x3  }
0x36: {  	p1 =	seq.s32 s10, $0x1;
	s10 =	sld [smem:$0x3FB0];
	_ =	sdelay $0x3  }
0x37: {  	[smem:$0x3FB0] =	sst s10  }
0x38: {  	s10 =	sld [smem:$0x3FB1]  }
0x39: {  	_ = 	snop;
	(pc) =	sbr.ind lr, $3  }
0x3a: {  	_ = 	snop  }
0x3b: {  	_ = 	snop  }
0x3c: {  	p2 =	seq.s32 s10, $0x1;
	s10 =	sld [smem:$0x3FB0]  }
0x3d: {  	_ =	shalt  }
0x3e: {  	_ =	shalt  }
0x3f: {  	_ =	shalt  }
0x40: {  	_ =	shalt  }
0x41: {  	_ =	shalt  }
0x42: {  	_ =	shalt  }
0x43: {  	_ =	shalt  }
0x44: {  	_ =	shalt  }
0x45: {  	_ =	shalt  }
0x46: {  	_ =	shalt  }
0x47: {  	_ =	shalt  }
0x48: {  	_ =	shalt  }
0x49: {  	_ =	shalt  }
0x4a: {  	_ =	shalt  }
0x4b: {  	_ =	shalt  }
0x4c: {  	_ =	shalt  }
0x4d: {  	_ =	shalt  }
0x4e: {  	_ =	shalt  }
0x4f: {  	_ =	shalt  }
0x50: {  	_ =	shalt  }
0x51: {  	_ =	shalt  }
0x52: {  	_ =	shalt  }
0x53: {  	_ =	shalt  }
0x54: {  	_ =	shalt  }
0x55: {  	_ =	shalt  }
0x56: {  	_ =	shalt  }
0x57: {  	_ =	shalt  }
0x58: {  	_ =	shalt  }
0x59: {  	_ =	shalt  }
0x5a: {  	_ =	shalt  }
0x5b: {  	_ =	shalt  }
0x5c: {  	_ =	shalt  }
0x5d: {  	_ =	shalt  }
0x5e: {  	_ =	shalt  }
0x5f: {  	_ =	shalt  }
0x60: {  	_ =	shalt  }
0x61: {  	_ =	shalt  }
0x62: {  	_ =	shalt  }
0x63: {  	_ =	shalt  }
0x64: {  	_ =	shalt  }
0x65: {  	_ =	shalt  }
0x66: {  	_ =	shalt  }
0x67: {  	_ =	shalt  }
0x68: {  	_ =	shalt  }
0x69: {  	_ =	shalt  }
0x6a: {  	_ =	shalt  }
0x6b: {  	_ =	shalt  }
0x6c: {  	_ =	shalt  }
0x6d: {  	_ =	shalt  }
0x6e: {  	_ =	shalt  }
0x6f: {  	_ =	shalt  }
0x70: {  	_ =	shalt  }
0x71: {  	_ =	shalt  }
0x72: {  	_ =	shalt  }
0x73: {  	_ =	shalt  }
0x74: {  	_ =	shalt  }
0x75: {  	_ =	shalt  }
0x76: {  	_ =	shalt  }
0x77: {  	_ =	shalt  }
0x78: {  	_ =	shalt  }
0x79: {  	_ =	shalt  }
0x7a: {  	_ =	shalt  }
0x7b: {  	_ =	shalt  }
0x7c: {  	_ =	shalt  }
0x7d: {  	_ =	shalt  }
0x7e: {  	_ =	shalt  }
0x7f: {  	_ =	shalt  }
0x80: {  	_ =	shalt  }
0x81: {  	_ =	shalt  }
0x82: {  	_ =	shalt  }
0x83: {  	_ =	shalt  }
0x84: {  	_ =	shalt  }
0x85: {  	_ =	shalt  }
0x86: {  	_ =	shalt  }
0x87: {  	_ =	shalt  }
.Lfunc_end0:
.L_simem_size_0:
called_computation_lowered:
.L_overlay_start_0:
0x88: {  	s2 =	sld [smem:$0x3FD9]  }
0x89: {  	s3 =	sld [smem:$0x3FFE];
	_ =	sdelay $0x1  }
0x8a: {  	s1 =	srdreg.scid  }
0x8b: {  	s0 =	sand.u32 $0x1, s1  }
0x8c: {  	s14 =	sshll.u32 s0, $0xA;
	s2 =	sadd.s32 s3, s2  }
0x8d: {  	s2 =	sadd.s32 s2, s14  }
0x8e: {  	[smem:$0x3FBC] =	sst s2  }
0x8f: {  	_ = 	snop  }
0x90: {  	s2 =	sld [smem:$0x3FD0];
	_ =	sdelay $0x1  }
0x91: {  	s15 =	sld [smem:$0x3FC7]  }
0x92: {  	s5 =	simm.s32 $0xA;
	s6 =	simm.s32 $0x10;
	s4 =	sld [smem:$0x3FC6]  }
0x93: {  	[smem:s6], [sflag:s5] =	dma.local [hbm:s2], $0x1  }
0x94: {  	_ =	swait.eq [sflag:s5], $0x1  }
0x95: {  	[sflag:s5] =	ssyncset.done $0x0  }
0x96: {  	s16 =	sld [smem:$0x10];
	[sflag:s5] =	ssyncadd.s32 $0xFFFFFFFF  }
0x97: {  	s17 =	sld [smem:$0x11];
	(tm) =	ssettm $0x1  }
0x98: {  	s18 =	sld [smem:$0x3FFB];
	_ =	sdelay $0x3  }
0x99: {  	_ =	strace s18  }
0x9a: {  	s6 =	sld [smem:$0x3FFC];
	_ =	sdelay $0x3  }
0x9b: {  	_ =	strace s6  }
0x9c: {  	s6 =	sld [smem:$0x3FFD];
	_ =	sdelay $0x3  }
0x9d: {  	_ =	strace s6  }
0x9e: {  	_ =	strace $0x8FFFFFFF  }
0x9f: {  	s19 =	sld [smem:$0x3FDB];
	_ =	sdelay $0x1  }
0xa0: {  	s7 =	simm.s32 $_scs_section_size  }
0xa1: {  	s8 =	simm.s32 $_size__tile_overlayer_lowered;
	s9 =	simm.s32 $_tile_overlayer_lowered  }
0xa2: {  	s22 =	simm.s32 $0x1BFF;
	s21 =	sshll.u32 s9, $0x1;
	s6 =	sadd.s32 s7, s19  }
0xa3: {  	s10 =	simm.s32 $0x0;
	s20 =	sshll.u32 s8, $0x1;
	s8 =	sadd.s32 s21, s6  }
0xa4: {  	[timem:s10], [sflag:s22] =	dma.local [hbm:s8], s20  }
0xa5: {  	_ =	swait.ge [sflag:s22], s20  }
0xa6: {  	s7 =	ssub.s32 $0x0, s20;
	[sflag:s22] =	ssyncset.done $0x0  }
0xa7: {  	[sflag:s22] =	ssyncadd.s32 s7;
	_ =	sdelay $0x1  }
0xa8: {  	s23 =	simm.s32 $0x1B8B  }
0xa9: {  	_ =	swait.ge [sflag:s23], $0x1  }
0xaa: {  	[sflag:s23] =	ssyncset.done $0x0  }
0xab: {  	s25 =	simm.s32 $0x1B8E;
	s24 =	sld [smem:$0x3FFE];
	[sflag:s23] =	ssyncadd.s32 $0xFFFFFFFF  }
0xac: {  	s26 =	simm.s32 $execute0_lowered;
	[smem:$0x3FD2] =	sst s25  }
0xad: {  	s8 =	sshll.u32 s26, $0x1;
	_ =	strace $0x80000046;
	[dreg:$0x1] =	wrdreg $0xFFFFFFFF  }
0xae: {  	s28 =	simm.s32 $_size_execute0_lowered;
	s6 =	sadd.s32 s6, s8;
	[dreg:$0x0] =	wrdreg $0x0  }
0xaf: {  	s8 =	sshll.u32 s28, $0x1;
	[dreg:$0x2] =	wrdreg s6  }
0xb0: {  	[dreg:$0x3] =	wrdreg s8  }
0xb1: {  	[dreg:$0x4] =	wrdreg $0xC0  }
0xb2: {  	_ =	task [dreg:s10], $0x5FFFF  }
0xb3: {  	[dreg:$0x1] =	wrdreg $0xFFFFFFFF  }
0xb4: {  	[dreg:$0x0] =	wrdreg $0x60  }
0xb5: {  	[dreg:$0x2] =	wrdreg s16  }
0xb6: {  	[dreg:$0x3] =	wrdreg s17  }
0xb7: {  	[dreg:$0x4] =	wrdreg s4  }
0xb8: {  	[dreg:$0x5] =	wrdreg s15  }
0xb9: {  	[dreg:$0x6] =	wrdreg s24  }
0xba: {  	[dreg:$0x7] =	wrdreg $0x9  }
0xbb: {  	_ =	task.clear_ibuf [dreg:s10], $0x8FFFF;
	_ =	strace $0x90000046  }
0xbc: {  	s29 =	simm.s32 $0x9;
	_ =	strace $0x80000048  }
0xbd: {  	_ =	swait.ge [sflag:s29], $0x1  }
0xbe: {  	[sflag:s29] =	ssyncadd.s32 $0xFFFFFFFF  }
0xbf: {  	_ =	strace $0x90000048  }
0xc0: {  	_ =	sfence  }
0xc1: {  	s30 =	sld [smem:$0x0];
	_ =	sdelay $0x2  }
0xc2: {  	s31 =	sshll.u32 s1, $0xD;
	s1 =	sshrl.u32 s1, $0x2  }
0xc3: {  	s3 =	sand.u32 $0x4000, s31;
	s1 =	sadd.s32 s1, s30  }
0xc4: {  	s0 =	sor.u32 s3, s0;
	s1 =	sshll.u32 s1, $0x11  }
0xc5: {  	s0 =	sor.u32 s1, s0  }
0xc6: {  	s0 =	sadd.s32 $0x8F2B, s0  }
0xc7: {  	[sflag:s0] =	ssyncadd.remote.s32 $0x1  }
0xc8: {  	_ =	sfence.sel $0xFFFF  }
0xc9: {  	[dreg:$0x0] =	wrdreg $0xFFFFFFFF;
	(pc) =	sbr.abs _section_cstart, $3  }
0xca: {  	[dreg:$0x1] =	wrdreg $0xFFFFFFFF  }
0xcb: {  	_ =	task.clear_ibuf [dreg:s10], $0x2FFFF;
	_ =	strace $0x9FFFFFFF  }
0xcc: {  	(tm) =	ssettm $0x7FFFFFFF  }
0xcd: {  	_ =	shalt  }
tec
execute0_lowered:
.L_overlay_start_1:
0x0: {  	(tag) =	ssettag $0x1  }
0x1: {  	s1 =	rddreg [dreg:$0x0]  }
0x2: {  	s2 =	rddreg [dreg:$0x1]  }
0x3: {  	s3 =	rddreg [dreg:$0x2]  }
0x4: {  	s0 =	srdreg.scid;
	s5 =	rddreg [dreg:$0x3]  }
0x5: {  	s4 =	stileid.u32;
	s7 =	rddreg [dreg:$0x4]  }
0x6: {  	s6 =	simm.s32 $0x0;
	s13 =	simm.s32 $0x5;
	s14 =	simm.s32 $0x190  }
0x7: {  	s15 =	simm.s32 $0x50;
	s16 =	simm.s32 $0x640;
	s11 =	simm.s32 $0xCE40  }
0x8: {  	s17 =	simm.s32 $0x410;
	s24 =	simm.s32 $0x10A40;
	s18 =	simm.s32 $0x5A0  }
0x9: {  	s25 =	simm.s32 $0x16E40;
	s19 =	simm.s32 $0x460;
	s20 =	simm.s32 $0x5F0  }
0xa: {  	s28 =	simm.s32 $0x18240;
	s0 =	sand.u32 $0x1, s0;
	s4 =	sshll.u32 s4, $0x1  }
0xb: {  	s21 =	simm.s32 $0x1;
	s29 =	simm.s32 $0x2;
	s4 =	sor.u32 s0, s4  }
0xc: {  	s22 =	simm.s32 $0x0;
	s0 =	ssub.s32 $0x2, s0;
	s8 =	smul.u32 $0x2710, s4  }
0xd: {  	[smem:$0x7FF] =	sst s6;
	s7 =	sadd.s32 $0x3C00, s7;
	s9 =	sshrl.u32 s0, $0x1  }
0xe: {  	_ =	strace $0x80000047;
	s0 =	ssub.s32 s0, s9;
	s10 =	sadd.s32 $0x2580, s8  }
0xf: {  	s8 =	smul.u32 $0x19, s4;
	s0 =	smax.u32 s0, $0x1;
	s26 =	sshrl.u32 s10, $0x3  }
0x10: {  	s31 =	sshll.u32 s10, $0x3;
	[dreg:$0x9] =	wrdreg s0;
	s30 =	sadd.s32 s3, s26  }
0x11: {  	s0 =	simm.s32 $0xBA40;
	s9 =	sadd.s32 s5, s26;
	[dreg:$0x6] =	wrdreg s30  }
0x12: {  	s10 =	simm.s32 $0x4B0;
	s4 =	sadd.s32 s7, s31;
	[dreg:$0x7] =	wrdreg s9  }
0x13: {  	s26 =	simm.s32 $0x11E40;
	[dreg:$0x8] =	wrdreg s4;
	s9 =	simm.s32 $0x320  }
.LBB2_1:
0x14: {  	[dreg:$0xa] =	wrdreg s22;
	s22 =	simm.s32 $0x0  }
.LBB2_2:
0x15: {  	s12 =	sshll.u32 s22, $0x1;
	p0 =	seq.s32 s22, $0x0  }
0x16: {  	s12 =	sadd.s32 s8, s12;
	s23 =	simm.s32 @!p0 $0x3  }
0x17: {  	_ =	swait.ge @!p0 [sflag:s23], $0x6400;
	s30 =	smul.u32 $0x32, s12  }
0x18: {  	[sflag:s23] =	ssyncset.done @!p0 $0x0  }
0x19: {  	[sflag:s23] =	ssyncadd.s32 @!p0 $0xFFFF9C00;
	s4 =	sadd.s32 s3, s30  }
0x1a: {  	[tilespmem:s6], [sflag:$0x5] =	stream.linear.gather [hbm4b:s4+s6], $0x190, $0x38;
	[tilespmem:$0x19640] =	vst v63  }
0x1b: {  	_ =	swait.ge [sflag:s13], $0x190  }
0x1c: {  	[sflag:s13] =	ssyncset.done $0x0  }
0x1d: {  	s4 =	sadd.s32 s5, s30;
	[sflag:s13] =	ssyncadd.s32 $0xFFFFFE70  }
0x1e: {  	[tilespmem:s14], [sflag:$0x5] =	stream.linear.gather [hbm4b:s4+s6], $0x190, $0x38;
	[tilespmem:$0x19640] =	vst v63  }
0x1f: {  	_ =	swait.ge [sflag:s13], $0x190  }
0x20: {  	[sflag:s13] =	ssyncset.done $0x0  }
0x21: {  	[sflag:s13] =	ssyncadd.s32 $0xFFFFFE70  }
0x22: {  	[tilespmem:s16], [sflag:$0x1] =	stream.indirect.gather [hbm4b:s1+s15], $0x40, s6, s15, $0xb8;
	[tilespmem:$0x19640] =	vst v63  }
0x23: {  	s4 =	simm.s32 $0x6A40  }
0x24: {  	[tilespmem:s4], [sflag:$0x1] =	stream.indirect.gather [hbm4b:s2+s15], $0x40, s14, s15, $0xb8;
	[tilespmem:$0x19640] =	vst v63  }
0x25: {  	s23 =	simm.s32 $0x1A40  }
0x26: {  	[tilespmem:s23], [sflag:$0x1] =	stream.indirect.gather [hbm4b:s1+s15], $0x40, s15, s15, $0xb8;
	[tilespmem:$0x19640] =	vst v63  }
0x27: {  	s4 =	simm.s32 $0x1E0;
	s23 =	simm.s32 $0x7E40  }
0x28: {  	[tilespmem:s23], [sflag:$0x1] =	stream.indirect.gather [hbm4b:s2+s15], $0x40, s4, s15, $0xb8;
	[tilespmem:$0x19640] =	vst v63  }
0x29: {  	s4 =	simm.s32 $0xA0;
	s23 =	simm.s32 $0x2E40  }
0x2a: {  	[tilespmem:s23], [sflag:$0x1] =	stream.indirect.gather [hbm4b:s1+s15], $0x40, s4, s15, $0xb8;
	[tilespmem:$0x19640] =	vst v63  }
0x2b: {  	s4 =	simm.s32 $0x230;
	s23 =	simm.s32 $0x9240  }
0x2c: {  	[tilespmem:s23], [sflag:$0x1] =	stream.indirect.gather [hbm4b:s2+s15], $0x40, s4, s15, $0xb8;
	[tilespmem:$0x19640] =	vst v63  }
0x2d: {  	s4 =	simm.s32 $0xF0;
	s23 =	simm.s32 $0x4240  }
0x2e: {  	[tilespmem:s23], [sflag:$0x1] =	stream.indirect.gather [hbm4b:s1+s15], $0x40, s4, s15, $0xb8;
	[tilespmem:$0x19640] =	vst v63  }
0x2f: {  	s4 =	simm.s32 $0x280;
	s23 =	simm.s32 $0xA640  }
0x30: {  	[tilespmem:s23], [sflag:$0x1] =	stream.indirect.gather [hbm4b:s2+s15], $0x40, s4, s15, $0xb8;
	[tilespmem:$0x19640] =	vst v63  }
0x31: {  	s4 =	simm.s32 $0x140;
	s23 =	simm.s32 $0x5640  }
0x32: {  	[tilespmem:s23], [sflag:$0x1] =	stream.indirect.gather [hbm4b:s1+s15], $0x40, s4, s15, $0xb8;
	[tilespmem:$0x19640] =	vst v63  }
0x33: {  	s31 =	simm.s32 @!p0 $0x4;
	s23 =	simm.s32 $0x2D0;
	s4 =	smul.u32 $0x190, s12  }
0x34: {  	[tilespmem:s0], [sflag:$0x1] =	stream.indirect.gather [hbm4b:s2+s15], $0x40, s23, s15, $0xb8;
	[tilespmem:$0x19640] =	vst v63  }
0x35: {  	s30 =	sadd.s32 $0x190, s4;
	_ =	swait.ge @!p0 [sflag:s31], $0x6400  }
0x36: {  	s23 =	sshrl.u32 s30, $0x3;
	[sflag:s31] =	ssyncset.done @!p0 $0x0  }
0x37: {  	[sflag:s31] =	ssyncadd.s32 @!p0 $0xFFFF9C00;
	s31 =	sadd.s32 s3, s23  }
0x38: {  	[tilespmem:s9], [sflag:$0x5] =	stream.linear.gather [hbm4b:s31+s6], $0x190, $0x38;
	[tilespmem:$0x19640] =	vst v63  }
0x39: {  	_ =	swait.ge [sflag:s13], $0x190  }
0x3a: {  	[sflag:s13] =	ssyncset.done $0x0  }
0x3b: {  	s23 =	sadd.s32 s5, s23;
	[sflag:s13] =	ssyncadd.s32 $0xFFFFFE70  }
0x3c: {  	[tilespmem:s10], [sflag:$0x5] =	stream.linear.gather [hbm4b:s23+s6], $0x190, $0x38;
	[tilespmem:$0x19640] =	vst v63  }
0x3d: {  	_ =	swait.ge [sflag:s13], $0x190  }
0x3e: {  	[sflag:s13] =	ssyncset.done $0x0  }
0x3f: {  	[sflag:s13] =	ssyncadd.s32 $0xFFFFFE70  }
0x40: {  	[tilespmem:s11], [sflag:$0x2] =	stream.indirect.gather [hbm4b:s1+s15], $0x40, s9, s15, $0xb8;
	[tilespmem:$0x19640] =	vst v63  }
0x41: {  	s23 =	simm.s32 $0x13240  }
0x42: {  	[tilespmem:s23], [sflag:$0x2] =	stream.indirect.gather [hbm4b:s2+s15], $0x40, s10, s15, $0xb8;
	[tilespmem:$0x19640] =	vst v63  }
0x43: {  	s4 =	simm.s32 $0x370;
	s23 =	simm.s32 $0xE240  }
0x44: {  	[tilespmem:s23], [sflag:$0x2] =	stream.indirect.gather [hbm4b:s1+s15], $0x40, s4, s15, $0xb8;
	[tilespmem:$0x19640] =	vst v63  }
0x45: {  	s4 =	simm.s32 $0x500;
	s23 =	simm.s32 $0x14640  }
0x46: {  	[tilespmem:s23], [sflag:$0x2] =	stream.indirect.gather [hbm4b:s2+s15], $0x40, s4, s15, $0xb8;
	[tilespmem:$0x19640] =	vst v63  }
0x47: {  	s4 =	simm.s32 $0x3C0;
	s23 =	simm.s32 $0xF640  }
0x48: {  	[tilespmem:s23], [sflag:$0x2] =	stream.indirect.gather [hbm4b:s1+s15], $0x40, s4, s15, $0xb8;
	[tilespmem:$0x19640] =	vst v63  }
0x49: {  	s4 =	simm.s32 $0x550;
	s23 =	simm.s32 $0x15A40  }
0x4a: {  	[tilespmem:s23], [sflag:$0x2] =	stream.indirect.gather [hbm4b:s2+s15], $0x40, s4, s15, $0xb8;
	[tilespmem:$0x19640] =	vst v63  }
0x4b: {  	_ = 	snop  }
0x4c: {  	[tilespmem:s24], [sflag:$0x2] =	stream.indirect.gather [hbm4b:s1+s15], $0x40, s17, s15, $0xb8;
	[tilespmem:$0x19640] =	vst v63  }
0x4d: {  	_ = 	snop  }
0x4e: {  	[tilespmem:s25], [sflag:$0x2] =	stream.indirect.gather [hbm4b:s2+s15], $0x40, s18, s15, $0xb8;
	[tilespmem:$0x19640] =	vst v63  }
0x4f: {  	_ = 	snop  }
0x50: {  	[tilespmem:s26], [sflag:$0x2] =	stream.indirect.gather [hbm4b:s1+s15], $0x40, s19, s15, $0xb8;
	[tilespmem:$0x19640] =	vst v63  }
0x51: {  	_ = 	snop  }
0x52: {  	[tilespmem:s28], [sflag:$0x2] =	stream.indirect.gather [hbm4b:s2+s15], $0x40, s20, s15, $0xb8;
	[tilespmem:$0x19640] =	vst v63  }
0x53: {  	_ =	swait.ge [sflag:s21], $0x6400  }
0x54: {  	[sflag:s21] =	ssyncset.done $0x0  }
0x55: {  	[sflag:s21] =	ssyncadd.s32 $0xFFFF9C00  }
0x56: {  	_ =	swait.ge [sflag:s21], $0x6400  }
0x57: {  	[sflag:s21] =	ssyncset.done $0x0  }
0x58: {  	s31 =	simm.s32 $0x70;
	[sflag:s21] =	ssyncadd.s32 $0xFFFF9C00  }
0x59: {  	v7 =	vld [tilespmem:s31+$0x69D0]  }
0x5a: {  	v11 =	vld [tilespmem:s31+$0x69E0]  }
0x5b: {  	v5 =	vld [tilespmem:s31+$0x69F0]  }
0x5c: {  	v4 =	vld [tilespmem:s31+$0x6A00]  }
0x5d: {  	v3 =	vld [tilespmem:s31+$0x6A10]  }
0x5e: {  	v2 =	vld [tilespmem:s31+$0x6A20]  }
0x5f: {  	v1 =	vld [tilespmem:s31+$0x6A30]  }
0x60: {  	v0 =	vld [tilespmem:s31+$0x6A40]  }
0x61: {  	v12 =	vld [tilespmem:s31+$0x5D0]  }
0x62: {  	v13 =	vld [tilespmem:s31+$0x5E0]  }
0x63: {  	v10 =	vld [tilespmem:s31+$0x5F0]  }
0x64: {  	v9 =	vld [tilespmem:s31+$0x600]  }
0x65: {  	v8 =	vld [tilespmem:s31+$0x610]  }
0x66: {  	v6 =	vld [tilespmem:s31+$0x620];
	v12 =	vadd.bf16 v7, v12  }
0x67: {  	s23 =	simm.s32 $0x3C0;
	v11 =	vadd.bf16 v11, v13;
	v7 =	vld [tilespmem:s31+$0x630]  }
.LBB2_3:
0x68: {  	s4 =	sshra.s32 s23, $0x2;
	p0 =	sne.s32 s23, $0x18FC0;
	[tilespmem:s31+$0x5D0] =	vst v12;
	v5 =	vadd.bf16 v5, v10;
	v10 =	vld [tilespmem:s31+$0x640]  }
0x69: {  	v12 =	vld [tilespmem:s4+$0x69D0];
	[tilespmem:s31+$0x5E0] =	vst v11;
	v4 =	vadd.bf16 v4, v9  }
0x6a: {  	v11 =	vld [tilespmem:s4+$0x69E0];
	[tilespmem:s31+$0x5F0] =	vst v5;
	v3 =	vadd.bf16 v3, v8  }
0x6b: {  	v5 =	vld [tilespmem:s4+$0x69F0];
	[tilespmem:s31+$0x600] =	vst v4;
	v2 =	vadd.bf16 v2, v6  }
0x6c: {  	v4 =	vld [tilespmem:s4+$0x6A00];
	[tilespmem:s31+$0x610] =	vst v3;
	v1 =	vadd.bf16 v1, v7  }
0x6d: {  	v3 =	vld [tilespmem:s4+$0x6A10];
	[tilespmem:s31+$0x620] =	vst v2;
	v0 =	vadd.bf16 v0, v10  }
0x6e: {  	v2 =	vld [tilespmem:s4+$0x6A20];
	[tilespmem:s31+$0x630] =	vst v1  }
0x6f: {  	v1 =	vld [tilespmem:s4+$0x6A30];
	[tilespmem:s31+$0x640] =	vst v0;
	s31 =	smov.u32 s4  }
0x70: {  	v0 =	vld [tilespmem:s31+$0x6A40]  }
0x71: {  	v6 =	vld [tilespmem:s31+$0x5D0]  }
0x72: {  	v7 =	vld [tilespmem:s31+$0x5E0]  }
.Ltmp0:
0x73: {  	v10 =	vld [tilespmem:s31+$0x5F0];
	(pc) =	sbr.rel @p0 .LBB2_3-.Ltmp0, $4  }
0x74: {  	v9 =	vld [tilespmem:s31+$0x600]  }
0x75: {  	v8 =	vld [tilespmem:s31+$0x610]  }
0x76: {  	v12 =	vadd.bf16 v12, v6;
	v6 =	vld [tilespmem:s31+$0x620]  }
0x77: {  	s23 =	sadd.s32 $0x200, s23;
	v11 =	vadd.bf16 v11, v7;
	v7 =	vld [tilespmem:s31+$0x630]  }
0x78: {  	[tilespmem:s31+$0x5D0] =	vst v12;
	v5 =	vadd.bf16 v5, v10;
	v10 =	vld [tilespmem:s31+$0x640]  }
0x79: {  	[tilespmem:s31+$0x5E0] =	vst v11;
	v4 =	vadd.bf16 v4, v9  }
0x7a: {  	[tilespmem:s31+$0x5F0] =	vst v5;
	v3 =	vadd.bf16 v3, v8  }
0x7b: {  	[tilespmem:s31+$0x600] =	vst v4;
	v2 =	vadd.bf16 v2, v6  }
0x7c: {  	[tilespmem:s31+$0x610] =	vst v3;
	v1 =	vadd.bf16 v1, v7  }
0x7d: {  	s4 =	smul.u32 $0xC80, s12;
	[tilespmem:s31+$0x620] =	vst v2;
	v0 =	vadd.bf16 v0, v10  }
0x7e: {  	[tilespmem:s31+$0x630] =	vst v1  }
0x7f: {  	s4 =	sadd.s32 s7, s4;
	[tilespmem:s31+$0x640] =	vst v0  }
0x80: {  	[hbm4b:s4+s6] =	stream.linear.scatter [tilespmem:s16], [sflag:$0x3], $0x6400, $0x38;
	[tilespmem:$0x19640] =	vst v63  }
0x81: {  	_ =	swait.ge [sflag:s29], $0x6400  }
0x82: {  	[sflag:s29] =	ssyncset.done $0x0  }
0x83: {  	[sflag:s29] =	ssyncadd.s32 $0xFFFF9C00  }
0x84: {  	_ =	swait.ge [sflag:s29], $0x6400  }
0x85: {  	[sflag:s29] =	ssyncset.done $0x0  }
0x86: {  	s12 =	simm.s32 $0x70;
	[sflag:s29] =	ssyncadd.s32 $0xFFFF9C00  }
0x87: {  	v7 =	vld [tilespmem:s12+$0x131D0]  }
0x88: {  	v11 =	vld [tilespmem:s12+$0x131E0]  }
0x89: {  	v5 =	vld [tilespmem:s12+$0x131F0]  }
0x8a: {  	v4 =	vld [tilespmem:s12+$0x13200]  }
0x8b: {  	v3 =	vld [tilespmem:s12+$0x13210]  }
0x8c: {  	v2 =	vld [tilespmem:s12+$0x13220]  }
0x8d: {  	v1 =	vld [tilespmem:s12+$0x13230]  }
0x8e: {  	v0 =	vld [tilespmem:s12+$0x13240]  }
0x8f: {  	v12 =	vld [tilespmem:s12+$0xCDD0]  }
0x90: {  	v13 =	vld [tilespmem:s12+$0xCDE0]  }
0x91: {  	v10 =	vld [tilespmem:s12+$0xCDF0]  }
0x92: {  	v9 =	vld [tilespmem:s12+$0xCE00]  }
0x93: {  	v8 =	vld [tilespmem:s12+$0xCE10]  }
0x94: {  	v6 =	vld [tilespmem:s12+$0xCE20];
	v12 =	vadd.bf16 v7, v12  }
0x95: {  	s23 =	simm.s32 $0x3C0;
	v11 =	vadd.bf16 v11, v13;
	v7 =	vld [tilespmem:s12+$0xCE30]  }
.LBB2_5:
0x96: {  	s4 =	sshra.s32 s23, $0x2;
	p0 =	sne.s32 s23, $0x18FC0;
	[tilespmem:s12+$0xCDD0] =	vst v12;
	v5 =	vadd.bf16 v5, v10;
	v10 =	vld [tilespmem:s12+$0xCE40]  }
0x97: {  	v12 =	vld [tilespmem:s4+$0x131D0];
	[tilespmem:s12+$0xCDE0] =	vst v11;
	v4 =	vadd.bf16 v4, v9  }
0x98: {  	v11 =	vld [tilespmem:s4+$0x131E0];
	[tilespmem:s12+$0xCDF0] =	vst v5;
	v3 =	vadd.bf16 v3, v8  }
0x99: {  	v5 =	vld [tilespmem:s4+$0x131F0];
	[tilespmem:s12+$0xCE00] =	vst v4;
	v2 =	vadd.bf16 v2, v6  }
0x9a: {  	v4 =	vld [tilespmem:s4+$0x13200];
	[tilespmem:s12+$0xCE10] =	vst v3;
	v1 =	vadd.bf16 v1, v7  }
0x9b: {  	v3 =	vld [tilespmem:s4+$0x13210];
	[tilespmem:s12+$0xCE20] =	vst v2;
	v0 =	vadd.bf16 v0, v10  }
0x9c: {  	v2 =	vld [tilespmem:s4+$0x13220];
	[tilespmem:s12+$0xCE30] =	vst v1  }
0x9d: {  	v1 =	vld [tilespmem:s4+$0x13230];
	[tilespmem:s12+$0xCE40] =	vst v0;
	s12 =	smov.u32 s4  }
0x9e: {  	v0 =	vld [tilespmem:s12+$0x13240]  }
0x9f: {  	v6 =	vld [tilespmem:s12+$0xCDD0]  }
0xa0: {  	v7 =	vld [tilespmem:s12+$0xCDE0]  }
.Ltmp1:
0xa1: {  	v10 =	vld [tilespmem:s12+$0xCDF0];
	(pc) =	sbr.rel @p0 .LBB2_5-.Ltmp1, $4  }
0xa2: {  	v9 =	vld [tilespmem:s12+$0xCE00]  }
0xa3: {  	v8 =	vld [tilespmem:s12+$0xCE10]  }
0xa4: {  	v12 =	vadd.bf16 v12, v6;
	v6 =	vld [tilespmem:s12+$0xCE20]  }
0xa5: {  	s23 =	sadd.s32 $0x200, s23;
	v11 =	vadd.bf16 v11, v7;
	v7 =	vld [tilespmem:s12+$0xCE30]  }
0xa6: {  	[tilespmem:s12+$0xCDD0] =	vst v12;
	v5 =	vadd.bf16 v5, v10;
	v63 =	vld [tilespmem:s12+$0xCE40]  }
0xa7: {  	[tilespmem:s12+$0xCDE0] =	vst v11;
	v4 =	vadd.bf16 v4, v9  }
0xa8: {  	s22 =	sadd.s32 $0x1, s22;
	[tilespmem:s12+$0xCDF0] =	vst v5;
	v3 =	vadd.bf16 v3, v8  }
0xa9: {  	p0 =	sne.s32 s22, $0xC;
	[tilespmem:s12+$0xCE00] =	vst v4;
	v2 =	vadd.bf16 v2, v6  }
.Ltmp2:
0xaa: {  	[tilespmem:s12+$0xCE10] =	vst v3;
	v1 =	vadd.bf16 v1, v7;
	(pc) =	sbr.rel @p0 .LBB2_2-.Ltmp2, $4  }
0xab: {  	s4 =	sshll.u32 s30, $0x3;
	[tilespmem:s12+$0xCE20] =	vst v2;
	v0 =	vadd.bf16 v0, v63  }
0xac: {  	s4 =	sand.u32 $0x1FFFFF80, s4;
	[tilespmem:s12+$0xCE30] =	vst v1  }
0xad: {  	s4 =	sadd.s32 s7, s4;
	[tilespmem:s12+$0xCE40] =	vst v0  }
0xae: {  	[hbm4b:s4+s6] =	stream.linear.scatter [tilespmem:s11], [sflag:$0x4], $0x6400, $0x38;
	[tilespmem:$0x19640] =	vst v63  }
0xaf: {  	s23 =	simm.s32 $0x3  }
0xb0: {  	_ =	swait.ge [sflag:s23], $0x6400  }
0xb1: {  	[sflag:s23] =	ssyncset.done $0x0  }
0xb2: {  	s4 =	rddreg [dreg:$0x6];
	[sflag:s23] =	ssyncadd.s32 $0xFFFF9C00  }
0xb3: {  	[tilespmem:s6], [sflag:$0x5] =	stream.linear.gather [hbm4b:s4+s6], $0x190, $0x38;
	[tilespmem:$0x19640] =	vst v63  }
0xb4: {  	_ =	swait.ge [sflag:s13], $0x190  }
0xb5: {  	[sflag:s13] =	ssyncset.done $0x0  }
0xb6: {  	s12 =	rddreg [dreg:$0x7];
	[sflag:s13] =	ssyncadd.s32 $0xFFFFFE70  }
0xb7: {  	[tilespmem:s14], [sflag:$0x5] =	stream.linear.gather [hbm4b:s12+s6], $0x190, $0x38;
	[tilespmem:$0x19640] =	vst v63  }
0xb8: {  	_ =	swait.ge [sflag:s13], $0x190  }
0xb9: {  	[sflag:s13] =	ssyncset.done $0x0  }
0xba: {  	[sflag:s13] =	ssyncadd.s32 $0xFFFFFE70  }
0xbb: {  	[tilespmem:s16], [sflag:$0x1] =	stream.indirect.gather [hbm4b:s1+s15], $0x40, s6, s15, $0xb8;
	[tilespmem:$0x19640] =	vst v63  }
0xbc: {  	s22 =	simm.s32 $0x6A40  }
0xbd: {  	[tilespmem:s22], [sflag:$0x1] =	stream.indirect.gather [hbm4b:s2+s15], $0x40, s14, s15, $0xb8;
	[tilespmem:$0x19640] =	vst v63  }
0xbe: {  	s30 =	simm.s32 $0x1A40  }
0xbf: {  	[tilespmem:s30], [sflag:$0x1] =	stream.indirect.gather [hbm4b:s1+s15], $0x40, s15, s15, $0xb8;
	[tilespmem:$0x19640] =	vst v63  }
0xc0: {  	s31 =	simm.s32 $0x1E0;
	s12 =	simm.s32 $0x7E40  }
0xc1: {  	[tilespmem:s12], [sflag:$0x1] =	stream.indirect.gather [hbm4b:s2+s15], $0x40, s31, s15, $0xb8;
	[tilespmem:$0x19640] =	vst v63  }
0xc2: {  	s22 =	simm.s32 $0x2E40;
	s12 =	simm.s32 $0xA0  }
0xc3: {  	[tilespmem:s22], [sflag:$0x1] =	stream.indirect.gather [hbm4b:s1+s15], $0x40, s12, s15, $0xb8;
	[tilespmem:$0x19640] =	vst v63  }
0xc4: {  	s30 =	simm.s32 $0x230;
	s31 =	simm.s32 $0x9240  }
0xc5: {  	[tilespmem:s31], [sflag:$0x1] =	stream.indirect.gather [hbm4b:s2+s15], $0x40, s30, s15, $0xb8;
	[tilespmem:$0x19640] =	vst v63  }
0xc6: {  	s12 =	simm.s32 $0xF0;
	s22 =	simm.s32 $0x4240  }
0xc7: {  	[tilespmem:s22], [sflag:$0x1] =	stream.indirect.gather [hbm4b:s1+s15], $0x40, s12, s15, $0xb8;
	[tilespmem:$0x19640] =	vst v63  }
0xc8: {  	s30 =	simm.s32 $0x280;
	s31 =	simm.s32 $0xA640  }
0xc9: {  	[tilespmem:s31], [sflag:$0x1] =	stream.indirect.gather [hbm4b:s2+s15], $0x40, s30, s15, $0xb8;
	[tilespmem:$0x19640] =	vst v63  }
0xca: {  	s22 =	simm.s32 $0x140;
	s30 =	simm.s32 $0x5640  }
0xcb: {  	[tilespmem:s30], [sflag:$0x1] =	stream.indirect.gather [hbm4b:s1+s15], $0x40, s22, s15, $0xb8;
	[tilespmem:$0x19640] =	vst v63  }
0xcc: {  	s31 =	simm.s32 $0x2D0  }
0xcd: {  	[tilespmem:s0], [sflag:$0x1] =	stream.indirect.gather [hbm4b:s2+s15], $0x40, s31, s15, $0xb8;
	[tilespmem:$0x19640] =	vst v63  }
0xce: {  	_ =	swait.ge [sflag:s21], $0x6400  }
0xcf: {  	[sflag:s21] =	ssyncset.done $0x0  }
0xd0: {  	[sflag:s21] =	ssyncadd.s32 $0xFFFF9C00  }
0xd1: {  	_ =	swait.ge [sflag:s21], $0x6400  }
0xd2: {  	[sflag:s21] =	ssyncset.done $0x0  }
0xd3: {  	s12 =	simm.s32 $0x70;
	[sflag:s21] =	ssyncadd.s32 $0xFFFF9C00  }
0xd4: {  	v7 =	vld [tilespmem:s12+$0x69D0]  }
0xd5: {  	v11 =	vld [tilespmem:s12+$0x69E0]  }
0xd6: {  	v5 =	vld [tilespmem:s12+$0x69F0]  }
0xd7: {  	v4 =	vld [tilespmem:s12+$0x6A00]  }
0xd8: {  	v3 =	vld [tilespmem:s12+$0x6A10]  }
0xd9: {  	v2 =	vld [tilespmem:s12+$0x6A20]  }
0xda: {  	v1 =	vld [tilespmem:s12+$0x6A30]  }
0xdb: {  	v0 =	vld [tilespmem:s12+$0x6A40]  }
0xdc: {  	v12 =	vld [tilespmem:s12+$0x5D0]  }
0xdd: {  	v13 =	vld [tilespmem:s12+$0x5E0]  }
0xde: {  	v10 =	vld [tilespmem:s12+$0x5F0]  }
0xdf: {  	v9 =	vld [tilespmem:s12+$0x600]  }
0xe0: {  	v8 =	vld [tilespmem:s12+$0x610]  }
0xe1: {  	v6 =	vld [tilespmem:s12+$0x620];
	v12 =	vadd.bf16 v7, v12  }
0xe2: {  	s22 =	simm.s32 $0x3C0;
	v11 =	vadd.bf16 v11, v13;
	v7 =	vld [tilespmem:s12+$0x630]  }
.LBB2_8:
0xe3: {  	s4 =	sshra.s32 s22, $0x2;
	p0 =	sne.s32 s22, $0x18FC0;
	[tilespmem:s12+$0x5D0] =	vst v12;
	v5 =	vadd.bf16 v5, v10;
	v10 =	vld [tilespmem:s12+$0x640]  }
0xe4: {  	v12 =	vld [tilespmem:s4+$0x69D0];
	[tilespmem:s12+$0x5E0] =	vst v11;
	v4 =	vadd.bf16 v4, v9  }
0xe5: {  	v11 =	vld [tilespmem:s4+$0x69E0];
	[tilespmem:s12+$0x5F0] =	vst v5;
	v3 =	vadd.bf16 v3, v8  }
0xe6: {  	v5 =	vld [tilespmem:s4+$0x69F0];
	[tilespmem:s12+$0x600] =	vst v4;
	v2 =	vadd.bf16 v2, v6  }
0xe7: {  	v4 =	vld [tilespmem:s4+$0x6A00];
	[tilespmem:s12+$0x610] =	vst v3;
	v1 =	vadd.bf16 v1, v7  }
0xe8: {  	v3 =	vld [tilespmem:s4+$0x6A10];
	[tilespmem:s12+$0x620] =	vst v2;
	v0 =	vadd.bf16 v0, v10  }
0xe9: {  	v2 =	vld [tilespmem:s4+$0x6A20];
	[tilespmem:s12+$0x630] =	vst v1  }
0xea: {  	v1 =	vld [tilespmem:s4+$0x6A30];
	[tilespmem:s12+$0x640] =	vst v0;
	s12 =	smov.u32 s4  }
0xeb: {  	v0 =	vld [tilespmem:s12+$0x6A40]  }
0xec: {  	v6 =	vld [tilespmem:s12+$0x5D0]  }
0xed: {  	v7 =	vld [tilespmem:s12+$0x5E0]  }
.Ltmp3:
0xee: {  	v10 =	vld [tilespmem:s12+$0x5F0];
	(pc) =	sbr.rel @p0 .LBB2_8-.Ltmp3, $4  }
0xef: {  	v9 =	vld [tilespmem:s12+$0x600]  }
0xf0: {  	v8 =	vld [tilespmem:s12+$0x610]  }
0xf1: {  	v12 =	vadd.bf16 v12, v6;
	v6 =	vld [tilespmem:s12+$0x620]  }
0xf2: {  	s22 =	sadd.s32 $0x200, s22;
	v11 =	vadd.bf16 v11, v7;
	v7 =	vld [tilespmem:s12+$0x630]  }
0xf3: {  	[tilespmem:s12+$0x5D0] =	vst v12;
	v5 =	vadd.bf16 v5, v10;
	v63 =	vld [tilespmem:s12+$0x640]  }
0xf4: {  	[tilespmem:s12+$0x5E0] =	vst v11;
	v4 =	vadd.bf16 v4, v9  }
0xf5: {  	[tilespmem:s12+$0x5F0] =	vst v5;
	v3 =	vadd.bf16 v3, v8  }
0xf6: {  	[tilespmem:s12+$0x600] =	vst v4;
	v2 =	vadd.bf16 v2, v6  }
0xf7: {  	[tilespmem:s12+$0x610] =	vst v3;
	v1 =	vadd.bf16 v1, v7  }
0xf8: {  	[tilespmem:s12+$0x620] =	vst v2;
	v0 =	vadd.bf16 v0, v63  }
0xf9: {  	[tilespmem:s12+$0x630] =	vst v1  }
0xfa: {  	s4 =	rddreg [dreg:$0x8];
	[tilespmem:s12+$0x640] =	vst v0  }
0xfb: {  	[hbm4b:s4+s6] =	stream.linear.scatter [tilespmem:s16], [sflag:$0x3], $0x6400, $0x38;
	[tilespmem:$0x19640] =	vst v63  }
0xfc: {  	_ =	swait.ge [sflag:s23], $0x6400  }
0xfd: {  	[sflag:s23] =	ssyncset.done $0x0  }
0xfe: {  	s30 =	simm.s32 $0x4;
	[sflag:s23] =	ssyncadd.s32 $0xFFFF9C00  }
0xff: {  	_ =	swait.ge [sflag:s30], $0x6400  }
0x100: {  	s22 =	rddreg [dreg:$0xa]  }
0x101: {  	s31 =	rddreg [dreg:$0x9];
	s22 =	sadd.s32 $0x1, s22  }
0x102: {  	p0 =	sne.s32 s22, s31  }
.Ltmp4:
0x103: {  	_ = 	snop;
	(pc) =	sbr.rel @p0 .LBB2_1-.Ltmp4, $3  }
0x104: {  	_ =	sdelay $0x1  }
0x105: {  	[sflag:s30] =	ssyncset.done $0x0  }
0x106: {  	[sflag:s30] =	ssyncadd.s32 $0xFFFF9C00  }
0x107: {  	_ =	sfence.sel $0x180000  }
0x108: {  	[bflag:$0x0] =	sbarrier.arrive $0xFFFF  }
0x109: {  	_ =	strace $0x90000047  }
0x10a: {  	s0 =	stileid.u32;
	[bflag:$0x2] =	sbarrier.arrive $0xFFFF  }
0x10b: {  	p0 =	sne.s32 s0, $0x0;
	s0 =	rddreg [dreg:$0x5]  }
0x10c: {  	s0 =	sadd.s32 @!p0 $0x100000, s0  }
0x10d: {  	[sflag:s0] =	ssyncadd.tile.s32 @!p0 $0x1;
	_ =	shalt  }
.Lfunc_end2:
_tile_overlayer_lowered:
.L_overlay_start_2:
0x10e: {  	(tag) =	ssettag $0x2  }
0x10f: {  	s0 =	rddreg [dreg:$0x0];
	s2 =	stileid.u32  }
0x110: {  	s1 =	rddreg [dreg:$0x1];
	p0 =	sne.s32 s2, $0x0  }
0x111: {  	s3 =	rddreg [dreg:$0x2];
	[bflag:$0x3] =	sbarrier.arrive $0xFFFF;
	s2 =	simm.s32 @!p0 $0x1C05  }
0x112: {  	[timem:s3], [sflag:s2] =	dma.local @!p0 [hbm:s0], s1  }
0x113: {  	s0 =	simm.s32 @!p0 $0x5  }
0x114: {  	_ =	swait.ge @!p0 [sflag:s0], s1  }
0x115: {  	s1 =	ssub.s32 @!p0 $0x0, s1;
	[sflag:s0] =	ssyncset.done @!p0 $0x0  }
0x116: {  	[sflag:s0] =	ssyncadd.s32 @!p0 s1  }
0x117: {  	[bflag:$0x3] =	sbarrier.arrive $0xFFFF  }
0x118: {  	_ =	shalt  }

</sc_bundles>
